<compile_context>
chip_gen: v7x
topology: tpu7x:2x2x1
jax: 0.10.2.dev20260603
libtpu: 0.0.44.dev20260713+nightly
codegen_flags: <defaults>
</compile_context>

<pallas_src>
import math

import jax
import jax.numpy as jnp
import numpy as np
from jax import lax
from jax.experimental import pallas as pl
from jax.experimental.pallas import tpu as pltpu
from jax.experimental.pallas import tpu_sc as plsc

M = 10000
E = 320000
D = 128
H = 8
HD = D // H
SCALE = 1.0 / math.sqrt(HD)

NC = 2
NS = 16
EPT = E // NS
B = 125
NCHUNK = EPT // B
SBC = 10
NSB = NCHUNK // SBC
MP = 10240
ROWS_PER_TILE = MP // NS
DH = D // NC

_m = np.arange(DH)
_t, _r = _m // 32, _m % 32
_i, _e = _r // 2, _r % 2
_hl = _i % 4
_c = 8 * _t + 2 * (_i // 4) + _e


def _half_cols(g, base_of_h, off):
    h = 4 * g + _hl
    return h * base_of_h + off + _c


_Q_COLS = [_half_cols(g, HD, 0) for g in range(NC)]
_K_COLS = [_half_cols(g, 2 * HD, 0) for g in range(NC)]
_V_COLS = [_half_cols(g, 2 * HD, HD) for g in range(NC)]

_Jw = np.arange(DH)
_u, _iw = _Jw // 16, _Jw % 16
_tw, _ew = _u // 2, _u % 2
_O_ROWS = np.concatenate([
    (4 * g + _iw % 4) * HD + (8 * _tw + 2 * (_iw // 4) + _ew)
    for g in range(NC)])

_RB = 2000


def _proj_body(s_ref, w_ref, b_ref, q_ref, k_ref, v_ref):
    out = (jnp.dot(s_ref[...], w_ref[0],
                   preferred_element_type=jnp.float32) + b_ref[0])
    out = out.astype(jnp.bfloat16)
    q_ref[0] = out[:, :DH]
    k_ref[0] = out[:, DH:2 * DH]
    v_ref[0] = out[:, 2 * DH:]


def _project(s, w, b):
    grid = (NC, M // _RB)
    out_spec = pl.BlockSpec((1, _RB, DH), lambda g, i: (g, i, 0))
    return pl.pallas_call(
        _proj_body,
        grid=grid,
        in_specs=[
            pl.BlockSpec((_RB, D), lambda g, i: (i, 0)),
            pl.BlockSpec((1, D, 3 * DH), lambda g, i: (g, 0, 0)),
            pl.BlockSpec((1, 1, 3 * DH), lambda g, i: (g, 0, 0)),
        ],
        out_specs=[out_spec, out_spec, out_spec],
        out_shape=[jax.ShapeDtypeStruct((NC, M, DH), jnp.bfloat16)] * 3,
    )(s, w, b)


def _rot(x, r):
    perm = (lax.iota(jnp.int32, 16) + r) & 15
    dn = lax.GatherDimensionNumbers(
        offset_dims=(), collapsed_slice_dims=(0,), start_index_map=(0,))
    return lax.gather(x, perm[:, None], dn, (1,),
                      mode=lax.GatherScatterMode.PROMISE_IN_BOUNDS)


WOUT = DH + 16


def _edge_kernel_body(qt_hbm, kt_hbm, vt_hbm, ei_hbm, acc_hbm,
                      tgt_r, src_r, qv, kv, vv, wv, acc,
                      gsem0, gsem1, ssem0, ssem1, isem):
    cid = lax.axis_index("c")
    sid = lax.axis_index("s")
    gsems = (gsem0, gsem1)
    ssems = (ssem0, ssem1)

    @pl.loop(0, B)
    def _zfill(r):
        for t in range(WOUT // 16):
            wv[0, r, pl.ds(t * 16, 16)] = jnp.zeros((16,), jnp.float32)

    @pl.loop(0, ROWS_PER_TILE // B)
    def _zcopy(i):
        base = sid * ROWS_PER_TILE + i * B
        pltpu.sync_copy(wv.at[0], acc.at[pl.ds(base, B)])

    _ztail = ROWS_PER_TILE % B
    if _ztail:
        pltpu.sync_copy(
            wv.at[0, pl.ds(0, _ztail)],
            acc.at[pl.ds(sid * ROWS_PER_TILE + (ROWS_PER_TILE // B) * B, _ztail)])

    plsc.subcore_barrier()

    def load_idx_sb_sync(sb):
        pltpu.sync_copy(ei_hbm.at[1, sid, pl.ds(sb * SBC, SBC)], tgt_r.at[sb & 1])
        pltpu.sync_copy(ei_hbm.at[0, sid, pl.ds(sb * SBC, SBC)], src_r.at[sb & 1])

    def start_idx_sb(sb):
        pltpu.async_copy(ei_hbm.at[1, sid, pl.ds(sb * SBC, SBC)], tgt_r.at[sb & 1], isem)
        pltpu.async_copy(ei_hbm.at[0, sid, pl.ds(sb * SBC, SBC)], src_r.at[sb & 1], isem)

    def drain_idx_sb(sb):
        pltpu.make_async_copy(ei_hbm.at[1, sid, pl.ds(sb * SBC, SBC)], tgt_r.at[sb & 1], isem).wait()
        pltpu.make_async_copy(ei_hbm.at[0, sid, pl.ds(sb * SBC, SBC)], src_r.at[sb & 1], isem).wait()

    def start_gathers(ck, b):
        sbi = (ck // SBC) & 1
        row = ck % SBC
        pltpu.async_copy(qt_hbm.at[cid].at[tgt_r.at[sbi, row]], qv.at[b], gsems[b])
        pltpu.async_copy(kt_hbm.at[cid].at[src_r.at[sbi, row]], kv.at[b], gsems[b])
        pltpu.async_copy(vt_hbm.at[cid].at[src_r.at[sbi, row]], vv.at[b], gsems[b])

    def drain_gathers(b):
        pltpu.make_async_copy(qt_hbm.at[cid].at[tgt_r.at[0, 0]], qv.at[b], gsems[b]).wait()
        pltpu.make_async_copy(kt_hbm.at[cid].at[src_r.at[0, 0]], kv.at[b], gsems[b]).wait()
        pltpu.make_async_copy(vt_hbm.at[cid].at[src_r.at[0, 0]], vv.at[b], gsems[b]).wait()

    def drain_scatter(b):
        pltpu.make_async_copy(wv.at[b], acc.at[tgt_r.at[0, 0]], ssems[b]).wait()

    load_idx_sb_sync(0)
    start_gathers(0, 0)

    @pl.loop(0, NSB)
    def _sb(sb):
        @pl.loop(0, SBC, step=2)
        def _pair(j0):
            for b in range(2):
                j = j0 + b
                ck = sb * SBC + j

                @pl.when(jnp.logical_and(j == 2, sb + 1 < NSB))
                def _idx_prefetch():
                    start_idx_sb(sb + 1)

                @pl.when(jnp.logical_and(j == SBC - 1, sb + 1 < NSB))
                def _idx_drain():
                    drain_idx_sb(sb + 1)

                @pl.when(ck + 1 < NCHUNK)
                def _prefetch():
                    start_gathers(ck + 1, 1 - b)

                drain_gathers(b)

                @pl.when(ck >= 2)
                def _drain_old_scatter():
                    drain_scatter(b)

                @plsc.parallel_loop(0, B, 1, unroll=2)
                def _edge(e):
                    acc16 = None
                    for t in range(DH // 32):
                        qa, qb = plsc.unpack(qv[b, e, pl.ds(t * 32, 32)],
                                             format=plsc.PackFormat.INTERLEAVED)
                        ka, kb = plsc.unpack(kv[b, e, pl.ds(t * 32, 32)],
                                             format=plsc.PackFormat.INTERLEAVED)
                        term = qa * ka + qb * kb
                        acc16 = term if acc16 is None else acc16 + term
                    t2 = acc16 + _rot(acc16, 8)
                    p = jnp.exp((t2 + _rot(t2, 4)) * SCALE)
                    wv[b, e, pl.ds(DH, 16)] = p
                    for t in range(DH // 32):
                        va, vb = plsc.unpack(vv[b, e, pl.ds(t * 32, 32)],
                                             format=plsc.PackFormat.INTERLEAVED)
                        wv[b, e, pl.ds(t * 32, 16)] = va * p
                        wv[b, e, pl.ds(t * 32 + 16, 16)] = vb * p

                pltpu.async_copy(wv.at[b], acc.at[tgt_r.at[sb & 1, j]],
                                 ssems[b], add=True)

    drain_scatter(0)
    drain_scatter(1)

    plsc.subcore_barrier()

    base = sid * ROWS_PER_TILE
    pltpu.sync_copy(acc.at[pl.ds(base, ROWS_PER_TILE)],
                    acc_hbm.at[cid, pl.ds(base, ROWS_PER_TILE)])


def _edge_stage(qt, kt, vt, ei):
    mesh = plsc.VectorSubcoreMesh(core_axis_name="c", subcore_axis_name="s")
    kern = pl.kernel(
        _edge_kernel_body,
        out_type=jax.ShapeDtypeStruct((NC, MP, WOUT), jnp.float32),
        mesh=mesh,
        scratch_types=[
            pltpu.VMEM((2, SBC, B), jnp.int32),
            pltpu.VMEM((2, SBC, B), jnp.int32),
            pltpu.VMEM((2, B, DH), jnp.bfloat16),
            pltpu.VMEM((2, B, DH), jnp.bfloat16),
            pltpu.VMEM((2, B, DH), jnp.bfloat16),
            pltpu.VMEM((2, B, WOUT), jnp.float32),
            pltpu.VMEM_SHARED((MP, WOUT), jnp.float32),
            pltpu.SemaphoreType.DMA,
            pltpu.SemaphoreType.DMA,
            pltpu.SemaphoreType.DMA,
            pltpu.SemaphoreType.DMA,
            pltpu.SemaphoreType.DMA,
        ],
        compiler_params=pltpu.CompilerParams(use_tc_tiling_on_sc=False,
                                             needs_layout_passes=False),
    )
    return kern(qt, kt, vt, ei)


def _final_body(a0_ref, a1_ref, wo_ref, bo_ref, o_ref):
    a0 = a0_ref[0]
    a1 = a1_ref[0]
    d0 = jnp.tile(a0[:, DH:DH + 4], (1, 16))
    d1 = jnp.tile(a1[:, DH:DH + 4], (1, 16))
    o0 = a0[:, :DH] / (d0 + 1e-16)
    o1 = a1[:, :DH] / (d1 + 1e-16)
    o_ref[...] = (jnp.dot(o0, wo_ref[:DH], preferred_element_type=jnp.float32)
                  + jnp.dot(o1, wo_ref[DH:], preferred_element_type=jnp.float32)
                  + bo_ref[...])


def _finalize(acc, wo, bo):
    grid = (M // _RB,)
    return pl.pallas_call(
        _final_body,
        grid=grid,
        in_specs=[
            pl.BlockSpec((1, _RB, WOUT), lambda i: (0, i, 0)),
            pl.BlockSpec((1, _RB, WOUT), lambda i: (1, i, 0)),
            pl.BlockSpec((D, D), lambda i: (0, 0)),
            pl.BlockSpec((1, D), lambda i: (0, 0)),
        ],
        out_specs=pl.BlockSpec((_RB, D), lambda i: (i, 0)),
        out_shape=jax.ShapeDtypeStruct((M, D), jnp.float32),
    )(acc, acc, wo, bo.reshape(1, D))


def kernel(s, edge_index, Wq, bq, Wkv, bkv, Wo, bo):
    w = jnp.stack([
        jnp.concatenate([Wq[:, _Q_COLS[g]], Wkv[:, _K_COLS[g]],
                         Wkv[:, _V_COLS[g]]], axis=1)
        for g in range(NC)])
    b = jnp.stack([
        jnp.concatenate([bq[_Q_COLS[g]], bkv[_K_COLS[g]], bkv[_V_COLS[g]]])
        for g in range(NC)]).reshape(NC, 1, 3 * DH)
    wo_p = Wo[_O_ROWS, :]

    qt, kt, vt = _project(s, w, b)
    ei = edge_index.reshape(2, NS, NCHUNK, B)
    acc = _edge_stage(qt, kt, vt, ei)
    return _finalize(acc, wo_p, bo)

# --- scband reference (transcript-rebuilt; emitter-appended) ---
"""Pipeline reference for scband-multi-head-attention-69870527971624 (READ-ONLY COPY).

The authoritative reference and input builder live on the scoring server;
editing this copy changes nothing except your own understanding.
"""

import jax, jax.numpy as jnp
import numpy as np
import math

M = 10000
E = 320000
D = 128
H = 8
HD = D // H
SCALE = 1.0 / math.sqrt(HD)


def setup_inputs(seed: int = 0) -> dict:
    key = jax.random.key(seed)
    ks = jax.random.split(key, 8)
    s = jax.random.normal(ks[0], (M, D), dtype=jnp.float32)
    edge_index = jax.random.randint(ks[1], (2, E), 0, M, dtype=jnp.int32)
    Wq = jax.random.normal(ks[2], (D, D), dtype=jnp.float32) * 0.02
    bq = jnp.zeros((D,), dtype=jnp.float32)
    Wkv = jax.random.normal(ks[3], (D, 2 * D), dtype=jnp.float32) * 0.02
    bkv = jnp.zeros((2 * D,), dtype=jnp.float32)
    Wo = jax.random.normal(ks[4], (D, D), dtype=jnp.float32) * 0.02
    bo = jnp.zeros((D,), dtype=jnp.float32)
    return {"s": s, "edge_index": edge_index, "Wq": Wq, "bq": bq, "Wkv": Wkv, "bkv": bkv, "Wo": Wo, "bo": bo}


def reference(s, edge_index, Wq, bq, Wkv, bkv, Wo, bo):
    m = s.shape[0]
    q = s @ Wq + bq                      # [M, D]
    kv = s @ Wkv + bkv                   # [M, 2D]
    q = q.reshape(m, H, HD)              # m (h c) -> m h c
    kv = kv.reshape(m, H, 2 * HD)        # m (h d) -> m h d
    k = kv[..., :HD]
    v = kv[..., HD:]
    src = edge_index[0]
    tgt = edge_index[1]
    a = jnp.einsum('ehc,ehc->eh', q[tgt], k[src])  # [E, H]
    a = a * SCALE
    # segment softmax over edges grouped by tgt
    seg_max = jax.ops.segment_max(a, tgt, num_segments=m)
    seg_max = jnp.where(jnp.isfinite(seg_max), seg_max, 0.0)
    a = jnp.exp(a - seg_max[tgt])
    denom = jax.ops.segment_sum(a, tgt, num_segments=m)
    a = a / (denom[tgt] + 1e-16)
    o_msg = a[..., None] * v[src]        # [E, H, HD]
    o = jax.ops.segment_sum(o_msg, tgt, num_segments=m)  # [M, H, HD]
    o = o.reshape(m, D)                  # m h c -> m (h c)
    return o @ Wo + bo

if __name__ == "__main__":
    import jax
    _d = setup_inputs()
    print(jax.jit(kernel)(*tuple(_d.values())))

</pallas_src>

<mosaic_0001>
#map = affine_map<(d0, d1) -> (0, 0, 0)>
#map1 = affine_map<(d0, d1) -> (0, 0, 0, 0)>
module attributes {stable_mosaic.version = 14 : i64} {
  func.func @_edge_kernel_body(%arg0: i32, %arg1: i32, %arg2: memref<2x10000x64xbf16, #tpu.memory_space<hbm>>, %arg3: memref<2x10000x64xbf16, #tpu.memory_space<hbm>>, %arg4: memref<2x10000x64xbf16, #tpu.memory_space<hbm>>, %arg5: memref<2x16x160x125xi32, #tpu.memory_space<hbm>>, %arg6: memref<2x10240x80xf32, #tpu.memory_space<hbm>>, %arg7: memref<2x10x125xi32, #tpu.memory_space<vmem>>, %arg8: memref<2x10x125xi32, #tpu.memory_space<vmem>>, %arg9: memref<2x125x64xbf16, #tpu.memory_space<vmem>>, %arg10: memref<2x125x64xbf16, #tpu.memory_space<vmem>>, %arg11: memref<2x125x64xbf16, #tpu.memory_space<vmem>>, %arg12: memref<2x125x80xf32, #tpu.memory_space<vmem>>, %arg13: memref<10240x80xf32, #tpu.memory_space<vmem_shared>>, %arg14: memref<!tpu.dma_semaphore, #tpu.memory_space<semaphore_mem>>, %arg15: memref<!tpu.dma_semaphore, #tpu.memory_space<semaphore_mem>>, %arg16: memref<!tpu.dma_semaphore, #tpu.memory_space<semaphore_mem>>, %arg17: memref<!tpu.dma_semaphore, #tpu.memory_space<semaphore_mem>>, %arg18: memref<!tpu.dma_semaphore, #tpu.memory_space<semaphore_mem>>) attributes {dimension_semantics = [#tpu.dimension_semantics<core_parallel>, #tpu.dimension_semantics<subcore_parallel>], iteration_bounds = array<i64: 2, 16>, scalar_prefetch = 0 : i64, scratch_operands = 12 : i64, tpu.core_type = #tpu.core_type<sc_vector_subcore>, window_params = [{transform_indices = #map}, {transform_indices = #map}, {transform_indices = #map}, {transform_indices = #map1}, {transform_indices = #map}]} {
    %scan3A = arith.constant 0 : i32
    %scan3A_0 = arith.constant 125 : i32
    %scan3A_1 = arith.addi %scan3A, %scan3A_0 : i32
    %scan3A_2 = arith.constant 1 : i32
    scf.for %scan3A_98 = %scan3A to %scan3A_1 step %scan3A_2  : i32 {
      %mul3A_99 = arith.constant 1 : i32
      %mul3A_100 = arith.muli %scan3A_98, %mul3A_99 : i32
      %add3A_101 = arith.constant 0 : i32
      %add3A_102 = arith.addi %add3A_101, %mul3A_100 : i32
      %broadcast_in_dim3A = arith.constant 0.000000e+00 : f32
      %broadcast_in_dim3A_103 = vector.broadcast %broadcast_in_dim3A : f32 to vector<16xf32>
      %swap3A = arith.constant 0 : i32
      %swap3A_104 = arith.index_cast %swap3A : i32 to index
      %swap3A_105 = arith.index_cast %add3A_102 : i32 to index
      %swap3A_106 = arith.constant 0 : index
      %swap3A_107 = tpu.vector_load %arg12[%swap3A_104, %swap3A_105, %swap3A_106] {strides = array<i32>} : memref<2x125x80xf32, #tpu.memory_space<vmem>>, vector<16xf32>,
      tpu.vector_store %arg12[%swap3A_104, %swap3A_105, %swap3A_106], %broadcast_in_dim3A_103 {strides = array<i32>} : memref<2x125x80xf32, #tpu.memory_space<vmem>>, vector<16xf32>,
      %broadcast_in_dim3A_108 = arith.constant 0.000000e+00 : f32
      %broadcast_in_dim3A_109 = vector.broadcast %broadcast_in_dim3A_108 : f32 to vector<16xf32>
      %swap3A_110 = arith.constant 0 : i32
      %swap3A_111 = arith.index_cast %swap3A_110 : i32 to index
      %swap3A_112 = arith.index_cast %add3A_102 : i32 to index
      %swap3A_113 = arith.constant 16 : index
      %swap3A_114 = tpu.vector_load %arg12[%swap3A_111, %swap3A_112, %swap3A_113] {strides = array<i32>} : memref<2x125x80xf32, #tpu.memory_space<vmem>>, vector<16xf32>,
      tpu.vector_store %arg12[%swap3A_111, %swap3A_112, %swap3A_113], %broadcast_in_dim3A_109 {strides = array<i32>} : memref<2x125x80xf32, #tpu.memory_space<vmem>>, vector<16xf32>,
      %broadcast_in_dim3A_115 = arith.constant 0.000000e+00 : f32
      %broadcast_in_dim3A_116 = vector.broadcast %broadcast_in_dim3A_115 : f32 to vector<16xf32>
      %swap3A_117 = arith.constant 0 : i32
      %swap3A_118 = arith.index_cast %swap3A_117 : i32 to index
      %swap3A_119 = arith.index_cast %add3A_102 : i32 to index
      %swap3A_120 = arith.constant 32 : index
      %swap3A_121 = tpu.vector_load %arg12[%swap3A_118, %swap3A_119, %swap3A_120] {strides = array<i32>} : memref<2x125x80xf32, #tpu.memory_space<vmem>>, vector<16xf32>,
      tpu.vector_store %arg12[%swap3A_118, %swap3A_119, %swap3A_120], %broadcast_in_dim3A_116 {strides = array<i32>} : memref<2x125x80xf32, #tpu.memory_space<vmem>>, vector<16xf32>,
      %broadcast_in_dim3A_122 = arith.constant 0.000000e+00 : f32
      %broadcast_in_dim3A_123 = vector.broadcast %broadcast_in_dim3A_122 : f32 to vector<16xf32>
      %swap3A_124 = arith.constant 0 : i32
      %swap3A_125 = arith.index_cast %swap3A_124 : i32 to index
      %swap3A_126 = arith.index_cast %add3A_102 : i32 to index
      %swap3A_127 = arith.constant 48 : index
      %swap3A_128 = tpu.vector_load %arg12[%swap3A_125, %swap3A_126, %swap3A_127] {strides = array<i32>} : memref<2x125x80xf32, #tpu.memory_space<vmem>>, vector<16xf32>,
      tpu.vector_store %arg12[%swap3A_125, %swap3A_126, %swap3A_127], %broadcast_in_dim3A_123 {strides = array<i32>} : memref<2x125x80xf32, #tpu.memory_space<vmem>>, vector<16xf32>,
      %broadcast_in_dim3A_129 = arith.constant 0.000000e+00 : f32
      %broadcast_in_dim3A_130 = vector.broadcast %broadcast_in_dim3A_129 : f32 to vector<16xf32>
      %swap3A_131 = arith.constant 0 : i32
      %swap3A_132 = arith.index_cast %swap3A_131 : i32 to index
      %swap3A_133 = arith.index_cast %add3A_102 : i32 to index
      %swap3A_134 = arith.constant 64 : index
      %swap3A_135 = tpu.vector_load %arg12[%swap3A_132, %swap3A_133, %swap3A_134] {strides = array<i32>} : memref<2x125x80xf32, #tpu.memory_space<vmem>>, vector<16xf32>,
      tpu.vector_store %arg12[%swap3A_132, %swap3A_133, %swap3A_134], %broadcast_in_dim3A_130 {strides = array<i32>} : memref<2x125x80xf32, #tpu.memory_space<vmem>>, vector<16xf32>,
    }
    %scan3A_3 = arith.constant 125 : i32
    %scan3A_4 = arith.constant 0 : i32
    %scan3A_5 = arith.constant 5 : i32
    %scan3A_6 = arith.addi %scan3A_4, %scan3A_5 : i32
    %scan3A_7 = arith.constant 1 : i32
    scf.for %scan3A_98 = %scan3A_4 to %scan3A_6 step %scan3A_7  : i32 {
      %mul3A_99 = arith.constant 1 : i32
      %mul3A_100 = arith.muli %scan3A_98, %mul3A_99 : i32
      %add3A_101 = arith.constant 0 : i32
      %add3A_102 = arith.addi %add3A_101, %mul3A_100 : i32
      %mul3A_103 = arith.constant 640 : i32
      %mul3A_104 = arith.muli %arg1, %mul3A_103 : i32
      %mul3A_105 = arith.constant 125 : i32
      %mul3A_106 = arith.muli %add3A_102, %mul3A_105 : i32
      %add3A_107 = arith.addi %mul3A_104, %mul3A_106 : i32
      %run_scoped3A_108 = arith.constant 0 : i32
      "tpu.region"() ({
        %run_scoped3A_109 = tpu.sem_alloc : memref<!tpu.dma_semaphore, #tpu.memory_space<semaphore_mem>>
        %dma_start3A_110 = arith.constant 0 : i32
        %dma_start3A_111 = arith.constant 0 : i32
        %dma_start3A_112 = tpu.memref_slice %arg12[%run_scoped3A_108, %dma_start3A_110, %dma_start3A_111] : memref<2x125x80xf32, #tpu.memory_space<vmem>> -> memref<1x125x80xf32, #tpu.memory_space<vmem>>
        %dma_start3A_113 = tpu.memref_squeeze %dma_start3A_112 : memref<1x125x80xf32, #tpu.memory_space<vmem>> -> memref<125x80xf32, #tpu.memory_space<vmem>>
        %dma_start3A_114 = arith.constant 0 : i32
        %dma_start3A_115 = tpu.memref_slice %arg13[%add3A_107, %dma_start3A_114] : memref<10240x80xf32, #tpu.memory_space<vmem_shared>> -> memref<125x80xf32, #tpu.memory_space<vmem_shared>>
        %dma_start3A_116 = arith.constant 0 : i32
        %dma_start3A_117 = tpu.memref_slice %arg13[%add3A_107, %dma_start3A_116] : memref<10240x80xf32, #tpu.memory_space<vmem_shared>> -> memref<125x80xf32, #tpu.memory_space<vmem_shared>>
        %dma_start3A_118 = arith.constant 0 : i32
        %dma_start3A_119 = arith.constant 0 : i32
        %dma_start3A_120 = tpu.memref_slice %arg12[%run_scoped3A_108, %dma_start3A_118, %dma_start3A_119] : memref<2x125x80xf32, #tpu.memory_space<vmem>> -> memref<1x125x80xf32, #tpu.memory_space<vmem>>
        %dma_start3A_121 = tpu.memref_squeeze %dma_start3A_120 : memref<1x125x80xf32, #tpu.memory_space<vmem>> -> memref<125x80xf32, #tpu.memory_space<vmem>>
        tpu.enqueue_dma source(%dma_start3A_121 : memref<125x80xf32, #tpu.memory_space<vmem>>) target(%dma_start3A_117 : memref<125x80xf32, #tpu.memory_space<vmem_shared>>) target_semaphore(%run_scoped3A_109 : memref<!tpu.dma_semaphore, #tpu.memory_space<semaphore_mem>>)
        %dma_wait3A_122 = arith.constant 0 : i32
        %dma_wait3A_123 = arith.constant 0 : i32
        %dma_wait3A_124 = tpu.memref_slice %arg12[%run_scoped3A_108, %dma_wait3A_122, %dma_wait3A_123] : memref<2x125x80xf32, #tpu.memory_space<vmem>> -> memref<1x125x80xf32, #tpu.memory_space<vmem>>
        %dma_wait3A_125 = tpu.memref_squeeze %dma_wait3A_124 : memref<1x125x80xf32, #tpu.memory_space<vmem>> -> memref<125x80xf32, #tpu.memory_space<vmem>>
        %dma_wait3A_126 = arith.constant 0 : i32
        %dma_wait3A_127 = tpu.memref_slice %arg13[%add3A_107, %dma_wait3A_126] : memref<10240x80xf32, #tpu.memory_space<vmem_shared>> -> memref<125x80xf32, #tpu.memory_space<vmem_shared>>
        %dma_wait3A_128 = arith.constant 0 : i32
        %dma_wait3A_129 = tpu.memref_slice %arg13[%add3A_107, %dma_wait3A_128] : memref<10240x80xf32, #tpu.memory_space<vmem_shared>> -> memref<125x80xf32, #tpu.memory_space<vmem_shared>>
        %dma_wait3A_130 = arith.constant 0 : i32
        %dma_wait3A_131 = arith.constant 0 : i32
        %dma_wait3A_132 = tpu.memref_slice %arg12[%run_scoped3A_108, %dma_wait3A_130, %dma_wait3A_131] : memref<2x125x80xf32, #tpu.memory_space<vmem>> -> memref<1x125x80xf32, #tpu.memory_space<vmem>>
        %dma_wait3A_133 = tpu.memref_squeeze %dma_wait3A_132 : memref<1x125x80xf32, #tpu.memory_space<vmem>> -> memref<125x80xf32, #tpu.memory_space<vmem>>
        tpu.wait_dma2 semaphore(%run_scoped3A_109 : memref<!tpu.dma_semaphore, #tpu.memory_space<semaphore_mem>>) src(%dma_wait3A_133 : memref<125x80xf32, #tpu.memory_space<vmem>>) dst(%dma_wait3A_129 : memref<125x80xf32, #tpu.memory_space<vmem_shared>>)
        tpu.yield
      }) : () -> ()
    }
    %scan3A_8 = arith.constant 5 : i32
    %mul3A = arith.constant 640 : i32
    %mul3A_9 = arith.muli %arg1, %mul3A : i32
    %add3A = arith.constant 625 : i32
    %add3A_10 = arith.addi %mul3A_9, %add3A : i32
    %run_scoped3A = arith.constant 0 : i32
    "tpu.region"() ({
      %run_scoped3A_98 = tpu.sem_alloc : memref<!tpu.dma_semaphore, #tpu.memory_space<semaphore_mem>>
      %dma_start3A_99 = arith.constant 0 : i32
      %dma_start3A_100 = arith.constant 0 : i32
      %dma_start3A_101 = tpu.memref_slice %arg12[%run_scoped3A, %dma_start3A_99, %dma_start3A_100] : memref<2x125x80xf32, #tpu.memory_space<vmem>> -> memref<1x15x80xf32, #tpu.memory_space<vmem>>
      %dma_start3A_102 = tpu.memref_squeeze %dma_start3A_101 : memref<1x15x80xf32, #tpu.memory_space<vmem>> -> memref<15x80xf32, #tpu.memory_space<vmem>>
      %dma_start3A_103 = arith.constant 0 : i32
      %dma_start3A_104 = tpu.memref_slice %arg13[%add3A_10, %dma_start3A_103] : memref<10240x80xf32, #tpu.memory_space<vmem_shared>> -> memref<15x80xf32, #tpu.memory_space<vmem_shared>>
      %dma_start3A_105 = arith.constant 0 : i32
      %dma_start3A_106 = tpu.memref_slice %arg13[%add3A_10, %dma_start3A_105] : memref<10240x80xf32, #tpu.memory_space<vmem_shared>> -> memref<15x80xf32, #tpu.memory_space<vmem_shared>>
      %dma_start3A_107 = arith.constant 0 : i32
      %dma_start3A_108 = arith.constant 0 : i32
      %dma_start3A_109 = tpu.memref_slice %arg12[%run_scoped3A, %dma_start3A_107, %dma_start3A_108] : memref<2x125x80xf32, #tpu.memory_space<vmem>> -> memref<1x15x80xf32, #tpu.memory_space<vmem>>
      %dma_start3A_110 = tpu.memref_squeeze %dma_start3A_109 : memref<1x15x80xf32, #tpu.memory_space<vmem>> -> memref<15x80xf32, #tpu.memory_space<vmem>>
      tpu.enqueue_dma source(%dma_start3A_110 : memref<15x80xf32, #tpu.memory_space<vmem>>) target(%dma_start3A_106 : memref<15x80xf32, #tpu.memory_space<vmem_shared>>) target_semaphore(%run_scoped3A_98 : memref<!tpu.dma_semaphore, #tpu.memory_space<semaphore_mem>>)
      %dma_wait3A_111 = arith.constant 0 : i32
      %dma_wait3A_112 = arith.constant 0 : i32
      %dma_wait3A_113 = tpu.memref_slice %arg12[%run_scoped3A, %dma_wait3A_111, %dma_wait3A_112] : memref<2x125x80xf32, #tpu.memory_space<vmem>> -> memref<1x15x80xf32, #tpu.memory_space<vmem>>
      %dma_wait3A_114 = tpu.memref_squeeze %dma_wait3A_113 : memref<1x15x80xf32, #tpu.memory_space<vmem>> -> memref<15x80xf32, #tpu.memory_space<vmem>>
      %dma_wait3A_115 = arith.constant 0 : i32
      %dma_wait3A_116 = tpu.memref_slice %arg13[%add3A_10, %dma_wait3A_115] : memref<10240x80xf32, #tpu.memory_space<vmem_shared>> -> memref<15x80xf32, #tpu.memory_space<vmem_shared>>
      %dma_wait3A_117 = arith.constant 0 : i32
      %dma_wait3A_118 = tpu.memref_slice %arg13[%add3A_10, %dma_wait3A_117] : memref<10240x80xf32, #tpu.memory_space<vmem_shared>> -> memref<15x80xf32, #tpu.memory_space<vmem_shared>>
      %dma_wait3A_119 = arith.constant 0 : i32
      %dma_wait3A_120 = arith.constant 0 : i32
      %dma_wait3A_121 = tpu.memref_slice %arg12[%run_scoped3A, %dma_wait3A_119, %dma_wait3A_120] : memref<2x125x80xf32, #tpu.memory_space<vmem>> -> memref<1x15x80xf32, #tpu.memory_space<vmem>>
      %dma_wait3A_122 = tpu.memref_squeeze %dma_wait3A_121 : memref<1x15x80xf32, #tpu.memory_space<vmem>> -> memref<15x80xf32, #tpu.memory_space<vmem>>
      tpu.wait_dma2 semaphore(%run_scoped3A_98 : memref<!tpu.dma_semaphore, #tpu.memory_space<semaphore_mem>>) src(%dma_wait3A_122 : memref<15x80xf32, #tpu.memory_space<vmem>>) dst(%dma_wait3A_118 : memref<15x80xf32, #tpu.memory_space<vmem_shared>>)
      tpu.yield
    }) : () -> ()
    %barrier3A = arith.constant 0 : index
    tpu.barrier barrier_id(%barrier3A)
    %run_scoped3A_11 = arith.constant 1 : i32
    %run_scoped3A_12 = arith.constant 0 : i32
    "tpu.region"() ({
      %run_scoped3A_98 = tpu.sem_alloc : memref<!tpu.dma_semaphore, #tpu.memory_space<semaphore_mem>>
      %dma_start3A_99 = arith.constant 0 : i32
      %dma_start3A_100 = arith.constant 0 : i32
      %dma_start3A_101 = tpu.memref_slice %arg7[%run_scoped3A_12, %dma_start3A_99, %dma_start3A_100] : memref<2x10x125xi32, #tpu.memory_space<vmem>> -> memref<1x10x125xi32, #tpu.memory_space<vmem>>
      %dma_start3A_102 = tpu.memref_squeeze %dma_start3A_101 : memref<1x10x125xi32, #tpu.memory_space<vmem>> -> memref<10x125xi32, #tpu.memory_space<vmem>>
      %dma_start3A_103 = arith.constant 0 : i32
      %dma_start3A_104 = arith.constant 0 : i32
      %dma_start3A_105 = tpu.memref_slice %arg5[%run_scoped3A_11, %arg1, %dma_start3A_103, %dma_start3A_104] : memref<2x16x160x125xi32, #tpu.memory_space<hbm>> -> memref<1x1x10x125xi32, #tpu.memory_space<hbm>>
      %dma_start3A_106 = tpu.memref_squeeze %dma_start3A_105 : memref<1x1x10x125xi32, #tpu.memory_space<hbm>> -> memref<10x125xi32, #tpu.memory_space<hbm>>
      %dma_start3A_107 = arith.constant 0 : i32
      %dma_start3A_108 = arith.constant 0 : i32
      %dma_start3A_109 = tpu.memref_slice %arg7[%run_scoped3A_12, %dma_start3A_107, %dma_start3A_108] : memref<2x10x125xi32, #tpu.memory_space<vmem>> -> memref<1x10x125xi32, #tpu.memory_space<vmem>>
      %dma_start3A_110 = tpu.memref_squeeze %dma_start3A_109 : memref<1x10x125xi32, #tpu.memory_space<vmem>> -> memref<10x125xi32, #tpu.memory_space<vmem>>
      %dma_start3A_111 = arith.constant 0 : i32
      %dma_start3A_112 = arith.constant 0 : i32
      %dma_start3A_113 = tpu.memref_slice %arg5[%run_scoped3A_11, %arg1, %dma_start3A_111, %dma_start3A_112] : memref<2x16x160x125xi32, #tpu.memory_space<hbm>> -> memref<1x1x10x125xi32, #tpu.memory_space<hbm>>
      %dma_start3A_114 = tpu.memref_squeeze %dma_start3A_113 : memref<1x1x10x125xi32, #tpu.memory_space<hbm>> -> memref<10x125xi32, #tpu.memory_space<hbm>>
      tpu.enqueue_dma source(%dma_start3A_114 : memref<10x125xi32, #tpu.memory_space<hbm>>) target(%dma_start3A_110 : memref<10x125xi32, #tpu.memory_space<vmem>>) target_semaphore(%run_scoped3A_98 : memref<!tpu.dma_semaphore, #tpu.memory_space<semaphore_mem>>)
      %dma_wait3A_115 = arith.constant 0 : i32
      %dma_wait3A_116 = arith.constant 0 : i32
      %dma_wait3A_117 = tpu.memref_slice %arg7[%run_scoped3A_12, %dma_wait3A_115, %dma_wait3A_116] : memref<2x10x125xi32, #tpu.memory_space<vmem>> -> memref<1x10x125xi32, #tpu.memory_space<vmem>>
      %dma_wait3A_118 = tpu.memref_squeeze %dma_wait3A_117 : memref<1x10x125xi32, #tpu.memory_space<vmem>> -> memref<10x125xi32, #tpu.memory_space<vmem>>
      %dma_wait3A_119 = arith.constant 0 : i32
      %dma_wait3A_120 = arith.constant 0 : i32
      %dma_wait3A_121 = tpu.memref_slice %arg5[%run_scoped3A_11, %arg1, %dma_wait3A_119, %dma_wait3A_120] : memref<2x16x160x125xi32, #tpu.memory_space<hbm>> -> memref<1x1x10x125xi32, #tpu.memory_space<hbm>>
      %dma_wait3A_122 = tpu.memref_squeeze %dma_wait3A_121 : memref<1x1x10x125xi32, #tpu.memory_space<hbm>> -> memref<10x125xi32, #tpu.memory_space<hbm>>
      %dma_wait3A_123 = arith.constant 0 : i32
      %dma_wait3A_124 = arith.constant 0 : i32
      %dma_wait3A_125 = tpu.memref_slice %arg7[%run_scoped3A_12, %dma_wait3A_123, %dma_wait3A_124] : memref<2x10x125xi32, #tpu.memory_space<vmem>> -> memref<1x10x125xi32, #tpu.memory_space<vmem>>
      %dma_wait3A_126 = tpu.memref_squeeze %dma_wait3A_125 : memref<1x10x125xi32, #tpu.memory_space<vmem>> -> memref<10x125xi32, #tpu.memory_space<vmem>>
      %dma_wait3A_127 = arith.constant 0 : i32
      %dma_wait3A_128 = arith.constant 0 : i32
      %dma_wait3A_129 = tpu.memref_slice %arg5[%run_scoped3A_11, %arg1, %dma_wait3A_127, %dma_wait3A_128] : memref<2x16x160x125xi32, #tpu.memory_space<hbm>> -> memref<1x1x10x125xi32, #tpu.memory_space<hbm>>
      %dma_wait3A_130 = tpu.memref_squeeze %dma_wait3A_129 : memref<1x1x10x125xi32, #tpu.memory_space<hbm>> -> memref<10x125xi32, #tpu.memory_space<hbm>>
      tpu.wait_dma2 semaphore(%run_scoped3A_98 : memref<!tpu.dma_semaphore, #tpu.memory_space<semaphore_mem>>) src(%dma_wait3A_130 : memref<10x125xi32, #tpu.memory_space<hbm>>) dst(%dma_wait3A_126 : memref<10x125xi32, #tpu.memory_space<vmem>>)
      tpu.yield
    }) : () -> ()
    %run_scoped3A_13 = arith.constant 0 : i32
    %run_scoped3A_14 = arith.constant 0 : i32
    "tpu.region"() ({
      %run_scoped3A_98 = tpu.sem_alloc : memref<!tpu.dma_semaphore, #tpu.memory_space<semaphore_mem>>
      %dma_start3A_99 = arith.constant 0 : i32
      %dma_start3A_100 = arith.constant 0 : i32
      %dma_start3A_101 = tpu.memref_slice %arg8[%run_scoped3A_14, %dma_start3A_99, %dma_start3A_100] : memref<2x10x125xi32, #tpu.memory_space<vmem>> -> memref<1x10x125xi32, #tpu.memory_space<vmem>>
      %dma_start3A_102 = tpu.memref_squeeze %dma_start3A_101 : memref<1x10x125xi32, #tpu.memory_space<vmem>> -> memref<10x125xi32, #tpu.memory_space<vmem>>
      %dma_start3A_103 = arith.constant 0 : i32
      %dma_start3A_104 = arith.constant 0 : i32
      %dma_start3A_105 = tpu.memref_slice %arg5[%run_scoped3A_13, %arg1, %dma_start3A_103, %dma_start3A_104] : memref<2x16x160x125xi32, #tpu.memory_space<hbm>> -> memref<1x1x10x125xi32, #tpu.memory_space<hbm>>
      %dma_start3A_106 = tpu.memref_squeeze %dma_start3A_105 : memref<1x1x10x125xi32, #tpu.memory_space<hbm>> -> memref<10x125xi32, #tpu.memory_space<hbm>>
      %dma_start3A_107 = arith.constant 0 : i32
      %dma_start3A_108 = arith.constant 0 : i32
      %dma_start3A_109 = tpu.memref_slice %arg8[%run_scoped3A_14, %dma_start3A_107, %dma_start3A_108] : memref<2x10x125xi32, #tpu.memory_space<vmem>> -> memref<1x10x125xi32, #tpu.memory_space<vmem>>
      %dma_start3A_110 = tpu.memref_squeeze %dma_start3A_109 : memref<1x10x125xi32, #tpu.memory_space<vmem>> -> memref<10x125xi32, #tpu.memory_space<vmem>>
      %dma_start3A_111 = arith.constant 0 : i32
      %dma_start3A_112 = arith.constant 0 : i32
      %dma_start3A_113 = tpu.memref_slice %arg5[%run_scoped3A_13, %arg1, %dma_start3A_111, %dma_start3A_112] : memref<2x16x160x125xi32, #tpu.memory_space<hbm>> -> memref<1x1x10x125xi32, #tpu.memory_space<hbm>>
      %dma_start3A_114 = tpu.memref_squeeze %dma_start3A_113 : memref<1x1x10x125xi32, #tpu.memory_space<hbm>> -> memref<10x125xi32, #tpu.memory_space<hbm>>
      tpu.enqueue_dma source(%dma_start3A_114 : memref<10x125xi32, #tpu.memory_space<hbm>>) target(%dma_start3A_110 : memref<10x125xi32, #tpu.memory_space<vmem>>) target_semaphore(%run_scoped3A_98 : memref<!tpu.dma_semaphore, #tpu.memory_space<semaphore_mem>>)
      %dma_wait3A_115 = arith.constant 0 : i32
      %dma_wait3A_116 = arith.constant 0 : i32
      %dma_wait3A_117 = tpu.memref_slice %arg8[%run_scoped3A_14, %dma_wait3A_115, %dma_wait3A_116] : memref<2x10x125xi32, #tpu.memory_space<vmem>> -> memref<1x10x125xi32, #tpu.memory_space<vmem>>
      %dma_wait3A_118 = tpu.memref_squeeze %dma_wait3A_117 : memref<1x10x125xi32, #tpu.memory_space<vmem>> -> memref<10x125xi32, #tpu.memory_space<vmem>>
      %dma_wait3A_119 = arith.constant 0 : i32
      %dma_wait3A_120 = arith.constant 0 : i32
      %dma_wait3A_121 = tpu.memref_slice %arg5[%run_scoped3A_13, %arg1, %dma_wait3A_119, %dma_wait3A_120] : memref<2x16x160x125xi32, #tpu.memory_space<hbm>> -> memref<1x1x10x125xi32, #tpu.memory_space<hbm>>
      %dma_wait3A_122 = tpu.memref_squeeze %dma_wait3A_121 : memref<1x1x10x125xi32, #tpu.memory_space<hbm>> -> memref<10x125xi32, #tpu.memory_space<hbm>>
      %dma_wait3A_123 = arith.constant 0 : i32
      %dma_wait3A_124 = arith.constant 0 : i32
      %dma_wait3A_125 = tpu.memref_slice %arg8[%run_scoped3A_14, %dma_wait3A_123, %dma_wait3A_124] : memref<2x10x125xi32, #tpu.memory_space<vmem>> -> memref<1x10x125xi32, #tpu.memory_space<vmem>>
      %dma_wait3A_126 = tpu.memref_squeeze %dma_wait3A_125 : memref<1x10x125xi32, #tpu.memory_space<vmem>> -> memref<10x125xi32, #tpu.memory_space<vmem>>
      %dma_wait3A_127 = arith.constant 0 : i32
      %dma_wait3A_128 = arith.constant 0 : i32
      %dma_wait3A_129 = tpu.memref_slice %arg5[%run_scoped3A_13, %arg1, %dma_wait3A_127, %dma_wait3A_128] : memref<2x16x160x125xi32, #tpu.memory_space<hbm>> -> memref<1x1x10x125xi32, #tpu.memory_space<hbm>>
      %dma_wait3A_130 = tpu.memref_squeeze %dma_wait3A_129 : memref<1x1x10x125xi32, #tpu.memory_space<hbm>> -> memref<10x125xi32, #tpu.memory_space<hbm>>
      tpu.wait_dma2 semaphore(%run_scoped3A_98 : memref<!tpu.dma_semaphore, #tpu.memory_space<semaphore_mem>>) src(%dma_wait3A_130 : memref<10x125xi32, #tpu.memory_space<hbm>>) dst(%dma_wait3A_126 : memref<10x125xi32, #tpu.memory_space<vmem>>)
      tpu.yield
    }) : () -> ()
    %dma_start3A = arith.constant 0 : i32
    %dma_start3A_15 = arith.constant 0 : i32
    %dma_start3A_16 = arith.constant 0 : i32
    %dma_start3A_17 = arith.constant 0 : i32
    %dma_start3A_18 = arith.constant 0 : i32
    %dma_start3A_19 = tpu.memref_slice %arg9[%dma_start3A_16, %dma_start3A_17, %dma_start3A_18] : memref<2x125x64xbf16, #tpu.memory_space<vmem>> -> memref<1x125x64xbf16, #tpu.memory_space<vmem>>
    %dma_start3A_20 = tpu.memref_squeeze %dma_start3A_19 : memref<1x125x64xbf16, #tpu.memory_space<vmem>> -> memref<125x64xbf16, #tpu.memory_space<vmem>>
    %dma_start3A_21 = arith.constant 0 : i32
    %dma_start3A_22 = tpu.memref_slice %arg7[%dma_start3A, %dma_start3A_15, %dma_start3A_21] : memref<2x10x125xi32, #tpu.memory_space<vmem>> -> memref<1x1x125xi32, #tpu.memory_space<vmem>>
    %dma_start3A_23 = tpu.memref_squeeze %dma_start3A_22 : memref<1x1x125xi32, #tpu.memory_space<vmem>> -> memref<125xi32, #tpu.memory_space<vmem>>
    %dma_start3A_24 = arith.constant 0 : i32
    %dma_start3A_25 = arith.constant 0 : i32
    %dma_start3A_26 = tpu.memref_slice %arg2[%arg0, %dma_start3A_24, %dma_start3A_25] : memref<2x10000x64xbf16, #tpu.memory_space<hbm>> -> memref<1x10000x64xbf16, #tpu.memory_space<hbm>>
    %dma_start3A_27 = tpu.memref_squeeze %dma_start3A_26 : memref<1x10000x64xbf16, #tpu.memory_space<hbm>> -> memref<10000x64xbf16, #tpu.memory_space<hbm>>
    %dma_start3A_28 = arith.constant 0 : i32
    %dma_start3A_29 = arith.constant 0 : i32
    %dma_start3A_30 = tpu.memref_slice %dma_start3A_27[%dma_start3A_28, %dma_start3A_29] : memref<10000x64xbf16, #tpu.memory_space<hbm>> -> memref<10000x64xbf16, #tpu.memory_space<hbm>>
    tpu.enqueue_indirect_dma source(%dma_start3A_30 : memref<10000x64xbf16, #tpu.memory_space<hbm>>) target(%dma_start3A_20 : memref<125x64xbf16, #tpu.memory_space<vmem>>) offsets(%dma_start3A_23 : memref<125xi32, #tpu.memory_space<vmem>>) semaphore(%arg14 : memref<!tpu.dma_semaphore, #tpu.memory_space<semaphore_mem>>)
    %dma_start3A_31 = arith.constant 0 : i32
    %dma_start3A_32 = arith.constant 0 : i32
    %dma_start3A_33 = arith.constant 0 : i32
    %dma_start3A_34 = arith.constant 0 : i32
    %dma_start3A_35 = arith.constant 0 : i32
    %dma_start3A_36 = tpu.memref_slice %arg10[%dma_start3A_33, %dma_start3A_34, %dma_start3A_35] : memref<2x125x64xbf16, #tpu.memory_space<vmem>> -> memref<1x125x64xbf16, #tpu.memory_space<vmem>>
    %dma_start3A_37 = tpu.memref_squeeze %dma_start3A_36 : memref<1x125x64xbf16, #tpu.memory_space<vmem>> -> memref<125x64xbf16, #tpu.memory_space<vmem>>
    %dma_start3A_38 = arith.constant 0 : i32
    %dma_start3A_39 = tpu.memref_slice %arg8[%dma_start3A_31, %dma_start3A_32, %dma_start3A_38] : memref<2x10x125xi32, #tpu.memory_space<vmem>> -> memref<1x1x125xi32, #tpu.memory_space<vmem>>
    %dma_start3A_40 = tpu.memref_squeeze %dma_start3A_39 : memref<1x1x125xi32, #tpu.memory_space<vmem>> -> memref<125xi32, #tpu.memory_space<vmem>>
    %dma_start3A_41 = arith.constant 0 : i32
    %dma_start3A_42 = arith.constant 0 : i32
    %dma_start3A_43 = tpu.memref_slice %arg3[%arg0, %dma_start3A_41, %dma_start3A_42] : memref<2x10000x64xbf16, #tpu.memory_space<hbm>> -> memref<1x10000x64xbf16, #tpu.memory_space<hbm>>
    %dma_start3A_44 = tpu.memref_squeeze %dma_start3A_43 : memref<1x10000x64xbf16, #tpu.memory_space<hbm>> -> memref<10000x64xbf16, #tpu.memory_space<hbm>>
    %dma_start3A_45 = arith.constant 0 : i32
    %dma_start3A_46 = arith.constant 0 : i32
    %dma_start3A_47 = tpu.memref_slice %dma_start3A_44[%dma_start3A_45, %dma_start3A_46] : memref<10000x64xbf16, #tpu.memory_space<hbm>> -> memref<10000x64xbf16, #tpu.memory_space<hbm>>
    tpu.enqueue_indirect_dma source(%dma_start3A_47 : memref<10000x64xbf16, #tpu.memory_space<hbm>>) target(%dma_start3A_37 : memref<125x64xbf16, #tpu.memory_space<vmem>>) offsets(%dma_start3A_40 : memref<125xi32, #tpu.memory_space<vmem>>) semaphore(%arg14 : memref<!tpu.dma_semaphore, #tpu.memory_space<semaphore_mem>>)
    %dma_start3A_48 = arith.constant 0 : i32
    %dma_start3A_49 = arith.constant 0 : i32
    %dma_start3A_50 = arith.constant 0 : i32
    %dma_start3A_51 = arith.constant 0 : i32
    %dma_start3A_52 = arith.constant 0 : i32
    %dma_start3A_53 = tpu.memref_slice %arg11[%dma_start3A_50, %dma_start3A_51, %dma_start3A_52] : memref<2x125x64xbf16, #tpu.memory_space<vmem>> -> memref<1x125x64xbf16, #tpu.memory_space<vmem>>
    %dma_start3A_54 = tpu.memref_squeeze %dma_start3A_53 : memref<1x125x64xbf16, #tpu.memory_space<vmem>> -> memref<125x64xbf16, #tpu.memory_space<vmem>>
    %dma_start3A_55 = arith.constant 0 : i32
    %dma_start3A_56 = tpu.memref_slice %arg8[%dma_start3A_48, %dma_start3A_49, %dma_start3A_55] : memref<2x10x125xi32, #tpu.memory_space<vmem>> -> memref<1x1x125xi32, #tpu.memory_space<vmem>>
    %dma_start3A_57 = tpu.memref_squeeze %dma_start3A_56 : memref<1x1x125xi32, #tpu.memory_space<vmem>> -> memref<125xi32, #tpu.memory_space<vmem>>
    %dma_start3A_58 = arith.constant 0 : i32
    %dma_start3A_59 = arith.constant 0 : i32
    %dma_start3A_60 = tpu.memref_slice %arg4[%arg0, %dma_start3A_58, %dma_start3A_59] : memref<2x10000x64xbf16, #tpu.memory_space<hbm>> -> memref<1x10000x64xbf16, #tpu.memory_space<hbm>>
    %dma_start3A_61 = tpu.memref_squeeze %dma_start3A_60 : memref<1x10000x64xbf16, #tpu.memory_space<hbm>> -> memref<10000x64xbf16, #tpu.memory_space<hbm>>
    %dma_start3A_62 = arith.constant 0 : i32
    %dma_start3A_63 = arith.constant 0 : i32
    %dma_start3A_64 = tpu.memref_slice %dma_start3A_61[%dma_start3A_62, %dma_start3A_63] : memref<10000x64xbf16, #tpu.memory_space<hbm>> -> memref<10000x64xbf16, #tpu.memory_space<hbm>>
    tpu.enqueue_indirect_dma source(%dma_start3A_64 : memref<10000x64xbf16, #tpu.memory_space<hbm>>) target(%dma_start3A_54 : memref<125x64xbf16, #tpu.memory_space<vmem>>) offsets(%dma_start3A_57 : memref<125xi32, #tpu.memory_space<vmem>>) semaphore(%arg14 : memref<!tpu.dma_semaphore, #tpu.memory_space<semaphore_mem>>)
    %scan3A_65 = arith.constant 0 : i32
    %scan3A_66 = arith.constant 16 : i32
    %scan3A_67 = arith.addi %scan3A_65, %scan3A_66 : i32
    %scan3A_68 = arith.constant 1 : i32
    scf.for %scan3A_98 = %scan3A_65 to %scan3A_67 step %scan3A_68  : i32 {
      %mul3A_99 = arith.constant 1 : i32
      %mul3A_100 = arith.muli %scan3A_98, %mul3A_99 : i32
      %add3A_101 = arith.constant 0 : i32
      %add3A_102 = arith.addi %add3A_101, %mul3A_100 : i32
      %scan3A_103 = arith.constant 0 : i32
      %scan3A_104 = arith.constant 5 : i32
      %scan3A_105 = arith.addi %scan3A_103, %scan3A_104 : i32
      %scan3A_106 = arith.constant 1 : i32
      scf.for %scan3A_108 = %scan3A_103 to %scan3A_105 step %scan3A_106  : i32 {
        %mul3A_109 = arith.constant 2 : i32
        %mul3A_110 = arith.muli %scan3A_108, %mul3A_109 : i32
        %add3A_111 = arith.constant 0 : i32
        %add3A_112 = arith.addi %add3A_111, %mul3A_110 : i32
        %add3A_113 = arith.constant 0 : i32
        %add3A_114 = arith.addi %add3A_112, %add3A_113 : i32
        %mul3A_115 = arith.constant 10 : i32
        %mul3A_116 = arith.muli %add3A_102, %mul3A_115 : i32
        %add3A_117 = arith.addi %mul3A_116, %add3A_114 : i32
        %eq3A = arith.constant 2 : i32
        %eq3A_118 = arith.cmpi eq, %add3A_114, %eq3A : i32
        %add3A_119 = arith.constant 1 : i32
        %add3A_120 = arith.addi %add3A_102, %add3A_119 : i32
        %lt3A = arith.constant 16 : i32
        %lt3A_121 = arith.cmpi slt, %add3A_120, %lt3A : i32
        %and3A = arith.andi %eq3A_118, %lt3A_121 : i1
        %convert_element_type3A = arith.extui %and3A : i1 to i32
        %cond3A = arith.constant 0 : i32
        %cond3A_122 = arith.cmpi ne, %convert_element_type3A, %cond3A : i32
        scf.if %cond3A_122 {
          %add3A_314 = arith.constant 1 : i32
          %add3A_315 = arith.addi %add3A_102, %add3A_314 : i32
          %mul3A_316 = arith.constant 10 : i32
          %mul3A_317 = arith.muli %add3A_315, %mul3A_316 : i32
          %and3A_318 = arith.constant 1 : i32
          %and3A_319 = arith.andi %add3A_315, %and3A_318 : i32
          %dma_start3A_320 = arith.constant 1 : i32
          %dma_start3A_321 = arith.constant 0 : i32
          %dma_start3A_322 = arith.constant 0 : i32
          %dma_start3A_323 = tpu.memref_slice %arg7[%and3A_319, %dma_start3A_321, %dma_start3A_322] : memref<2x10x125xi32, #tpu.memory_space<vmem>> -> memref<1x10x125xi32, #tpu.memory_space<vmem>>
          %dma_start3A_324 = tpu.memref_squeeze %dma_start3A_323 : memref<1x10x125xi32, #tpu.memory_space<vmem>> -> memref<10x125xi32, #tpu.memory_space<vmem>>
          %dma_start3A_325 = arith.constant 0 : i32
          %dma_start3A_326 = tpu.memref_slice %arg5[%dma_start3A_320, %arg1, %mul3A_317, %dma_start3A_325] : memref<2x16x160x125xi32, #tpu.memory_space<hbm>> -> memref<1x1x10x125xi32, #tpu.memory_space<hbm>>
          %dma_start3A_327 = tpu.memref_squeeze %dma_start3A_326 : memref<1x1x10x125xi32, #tpu.memory_space<hbm>> -> memref<10x125xi32, #tpu.memory_space<hbm>>
          %dma_start3A_328 = arith.constant 0 : i32
          %dma_start3A_329 = arith.constant 0 : i32
          %dma_start3A_330 = tpu.memref_slice %arg7[%and3A_319, %dma_start3A_328, %dma_start3A_329] : memref<2x10x125xi32, #tpu.memory_space<vmem>> -> memref<1x10x125xi32, #tpu.memory_space<vmem>>
          %dma_start3A_331 = tpu.memref_squeeze %dma_start3A_330 : memref<1x10x125xi32, #tpu.memory_space<vmem>> -> memref<10x125xi32, #tpu.memory_space<vmem>>
          %dma_start3A_332 = arith.constant 0 : i32
          %dma_start3A_333 = tpu.memref_slice %arg5[%dma_start3A_320, %arg1, %mul3A_317, %dma_start3A_332] : memref<2x16x160x125xi32, #tpu.memory_space<hbm>> -> memref<1x1x10x125xi32, #tpu.memory_space<hbm>>
          %dma_start3A_334 = tpu.memref_squeeze %dma_start3A_333 : memref<1x1x10x125xi32, #tpu.memory_space<hbm>> -> memref<10x125xi32, #tpu.memory_space<hbm>>
          tpu.enqueue_dma source(%dma_start3A_334 : memref<10x125xi32, #tpu.memory_space<hbm>>) target(%dma_start3A_331 : memref<10x125xi32, #tpu.memory_space<vmem>>) target_semaphore(%arg18 : memref<!tpu.dma_semaphore, #tpu.memory_space<semaphore_mem>>)
          %mul3A_335 = arith.constant 10 : i32
          %mul3A_336 = arith.muli %add3A_315, %mul3A_335 : i32
          %and3A_337 = arith.constant 1 : i32
          %and3A_338 = arith.andi %add3A_315, %and3A_337 : i32
          %dma_start3A_339 = arith.constant 0 : i32
          %dma_start3A_340 = arith.constant 0 : i32
          %dma_start3A_341 = arith.constant 0 : i32
          %dma_start3A_342 = tpu.memref_slice %arg8[%and3A_338, %dma_start3A_340, %dma_start3A_341] : memref<2x10x125xi32, #tpu.memory_space<vmem>> -> memref<1x10x125xi32, #tpu.memory_space<vmem>>
          %dma_start3A_343 = tpu.memref_squeeze %dma_start3A_342 : memref<1x10x125xi32, #tpu.memory_space<vmem>> -> memref<10x125xi32, #tpu.memory_space<vmem>>
          %dma_start3A_344 = arith.constant 0 : i32
          %dma_start3A_345 = tpu.memref_slice %arg5[%dma_start3A_339, %arg1, %mul3A_336, %dma_start3A_344] : memref<2x16x160x125xi32, #tpu.memory_space<hbm>> -> memref<1x1x10x125xi32, #tpu.memory_space<hbm>>
          %dma_start3A_346 = tpu.memref_squeeze %dma_start3A_345 : memref<1x1x10x125xi32, #tpu.memory_space<hbm>> -> memref<10x125xi32, #tpu.memory_space<hbm>>
          %dma_start3A_347 = arith.constant 0 : i32
          %dma_start3A_348 = arith.constant 0 : i32
          %dma_start3A_349 = tpu.memref_slice %arg8[%and3A_338, %dma_start3A_347, %dma_start3A_348] : memref<2x10x125xi32, #tpu.memory_space<vmem>> -> memref<1x10x125xi32, #tpu.memory_space<vmem>>
          %dma_start3A_350 = tpu.memref_squeeze %dma_start3A_349 : memref<1x10x125xi32, #tpu.memory_space<vmem>> -> memref<10x125xi32, #tpu.memory_space<vmem>>
          %dma_start3A_351 = arith.constant 0 : i32
          %dma_start3A_352 = tpu.memref_slice %arg5[%dma_start3A_339, %arg1, %mul3A_336, %dma_start3A_351] : memref<2x16x160x125xi32, #tpu.memory_space<hbm>> -> memref<1x1x10x125xi32, #tpu.memory_space<hbm>>
          %dma_start3A_353 = tpu.memref_squeeze %dma_start3A_352 : memref<1x1x10x125xi32, #tpu.memory_space<hbm>> -> memref<10x125xi32, #tpu.memory_space<hbm>>
          tpu.enqueue_dma source(%dma_start3A_353 : memref<10x125xi32, #tpu.memory_space<hbm>>) target(%dma_start3A_350 : memref<10x125xi32, #tpu.memory_space<vmem>>) target_semaphore(%arg18 : memref<!tpu.dma_semaphore, #tpu.memory_space<semaphore_mem>>)
        } else {
        }
        %eq3A_123 = arith.constant 9 : i32
        %eq3A_124 = arith.cmpi eq, %add3A_114, %eq3A_123 : i32
        %add3A_125 = arith.constant 1 : i32
        %add3A_126 = arith.addi %add3A_102, %add3A_125 : i32
        %lt3A_127 = arith.constant 16 : i32
        %lt3A_128 = arith.cmpi slt, %add3A_126, %lt3A_127 : i32
        %and3A_129 = arith.andi %eq3A_124, %lt3A_128 : i1
        %convert_element_type3A_130 = arith.extui %and3A_129 : i1 to i32
        %cond3A_131 = arith.constant 0 : i32
        %cond3A_132 = arith.cmpi ne, %convert_element_type3A_130, %cond3A_131 : i32
        scf.if %cond3A_132 {
          %add3A_314 = arith.constant 1 : i32
          %add3A_315 = arith.addi %add3A_102, %add3A_314 : i32
          %mul3A_316 = arith.constant 10 : i32
          %mul3A_317 = arith.muli %add3A_315, %mul3A_316 : i32
          %and3A_318 = arith.constant 1 : i32
          %and3A_319 = arith.andi %add3A_315, %and3A_318 : i32
          %dma_wait3A_320 = arith.constant 1 : i32
          %dma_wait3A_321 = arith.constant 0 : i32
          %dma_wait3A_322 = arith.constant 0 : i32
          %dma_wait3A_323 = tpu.memref_slice %arg7[%and3A_319, %dma_wait3A_321, %dma_wait3A_322] : memref<2x10x125xi32, #tpu.memory_space<vmem>> -> memref<1x10x125xi32, #tpu.memory_space<vmem>>
          %dma_wait3A_324 = tpu.memref_squeeze %dma_wait3A_323 : memref<1x10x125xi32, #tpu.memory_space<vmem>> -> memref<10x125xi32, #tpu.memory_space<vmem>>
          %dma_wait3A_325 = arith.constant 0 : i32
          %dma_wait3A_326 = tpu.memref_slice %arg5[%dma_wait3A_320, %arg1, %mul3A_317, %dma_wait3A_325] : memref<2x16x160x125xi32, #tpu.memory_space<hbm>> -> memref<1x1x10x125xi32, #tpu.memory_space<hbm>>
          %dma_wait3A_327 = tpu.memref_squeeze %dma_wait3A_326 : memref<1x1x10x125xi32, #tpu.memory_space<hbm>> -> memref<10x125xi32, #tpu.memory_space<hbm>>
          %dma_wait3A_328 = arith.constant 0 : i32
          %dma_wait3A_329 = arith.constant 0 : i32
          %dma_wait3A_330 = tpu.memref_slice %arg7[%and3A_319, %dma_wait3A_328, %dma_wait3A_329] : memref<2x10x125xi32, #tpu.memory_space<vmem>> -> memref<1x10x125xi32, #tpu.memory_space<vmem>>
          %dma_wait3A_331 = tpu.memref_squeeze %dma_wait3A_330 : memref<1x10x125xi32, #tpu.memory_space<vmem>> -> memref<10x125xi32, #tpu.memory_space<vmem>>
          %dma_wait3A_332 = arith.constant 0 : i32
          %dma_wait3A_333 = tpu.memref_slice %arg5[%dma_wait3A_320, %arg1, %mul3A_317, %dma_wait3A_332] : memref<2x16x160x125xi32, #tpu.memory_space<hbm>> -> memref<1x1x10x125xi32, #tpu.memory_space<hbm>>
          %dma_wait3A_334 = tpu.memref_squeeze %dma_wait3A_333 : memref<1x1x10x125xi32, #tpu.memory_space<hbm>> -> memref<10x125xi32, #tpu.memory_space<hbm>>
          tpu.wait_dma2 semaphore(%arg18 : memref<!tpu.dma_semaphore, #tpu.memory_space<semaphore_mem>>) src(%dma_wait3A_334 : memref<10x125xi32, #tpu.memory_space<hbm>>) dst(%dma_wait3A_331 : memref<10x125xi32, #tpu.memory_space<vmem>>)
          %mul3A_335 = arith.constant 10 : i32
          %mul3A_336 = arith.muli %add3A_315, %mul3A_335 : i32
          %and3A_337 = arith.constant 1 : i32
          %and3A_338 = arith.andi %add3A_315, %and3A_337 : i32
          %dma_wait3A_339 = arith.constant 0 : i32
          %dma_wait3A_340 = arith.constant 0 : i32
          %dma_wait3A_341 = arith.constant 0 : i32
          %dma_wait3A_342 = tpu.memref_slice %arg8[%and3A_338, %dma_wait3A_340, %dma_wait3A_341] : memref<2x10x125xi32, #tpu.memory_space<vmem>> -> memref<1x10x125xi32, #tpu.memory_space<vmem>>
          %dma_wait3A_343 = tpu.memref_squeeze %dma_wait3A_342 : memref<1x10x125xi32, #tpu.memory_space<vmem>> -> memref<10x125xi32, #tpu.memory_space<vmem>>
          %dma_wait3A_344 = arith.constant 0 : i32
          %dma_wait3A_345 = tpu.memref_slice %arg5[%dma_wait3A_339, %arg1, %mul3A_336, %dma_wait3A_344] : memref<2x16x160x125xi32, #tpu.memory_space<hbm>> -> memref<1x1x10x125xi32, #tpu.memory_space<hbm>>
          %dma_wait3A_346 = tpu.memref_squeeze %dma_wait3A_345 : memref<1x1x10x125xi32, #tpu.memory_space<hbm>> -> memref<10x125xi32, #tpu.memory_space<hbm>>
          %dma_wait3A_347 = arith.constant 0 : i32
          %dma_wait3A_348 = arith.constant 0 : i32
          %dma_wait3A_349 = tpu.memref_slice %arg8[%and3A_338, %dma_wait3A_347, %dma_wait3A_348] : memref<2x10x125xi32, #tpu.memory_space<vmem>> -> memref<1x10x125xi32, #tpu.memory_space<vmem>>
          %dma_wait3A_350 = tpu.memref_squeeze %dma_wait3A_349 : memref<1x10x125xi32, #tpu.memory_space<vmem>> -> memref<10x125xi32, #tpu.memory_space<vmem>>
          %dma_wait3A_351 = arith.constant 0 : i32
          %dma_wait3A_352 = tpu.memref_slice %arg5[%dma_wait3A_339, %arg1, %mul3A_336, %dma_wait3A_351] : memref<2x16x160x125xi32, #tpu.memory_space<hbm>> -> memref<1x1x10x125xi32, #tpu.memory_space<hbm>>
          %dma_wait3A_353 = tpu.memref_squeeze %dma_wait3A_352 : memref<1x1x10x125xi32, #tpu.memory_space<hbm>> -> memref<10x125xi32, #tpu.memory_space<hbm>>
          tpu.wait_dma2 semaphore(%arg18 : memref<!tpu.dma_semaphore, #tpu.memory_space<semaphore_mem>>) src(%dma_wait3A_353 : memref<10x125xi32, #tpu.memory_space<hbm>>) dst(%dma_wait3A_350 : memref<10x125xi32, #tpu.memory_space<vmem>>)
        } else {
        }
        %add3A_133 = arith.constant 1 : i32
        %add3A_134 = arith.addi %add3A_117, %add3A_133 : i32
        %lt3A_135 = arith.constant 160 : i32
        %lt3A_136 = arith.cmpi slt, %add3A_134, %lt3A_135 : i32
        %convert_element_type3A_137 = arith.extui %lt3A_136 : i1 to i32
        %cond3A_138 = arith.constant 0 : i32
        %cond3A_139 = arith.cmpi ne, %convert_element_type3A_137, %cond3A_138 : i32
        scf.if %cond3A_139 {
          %add3A_314 = arith.constant 1 : i32
          %add3A_315 = arith.addi %add3A_117, %add3A_314 : i32
          %jit3A = arith.constant 10 : i32
          %div3A = arith.divsi %add3A_315, %jit3A : i32
          %sign3A = arith.constant 0 : i32
          %sign3A_316 = arith.cmpi sgt, %add3A_315, %sign3A : i32
          %sign3A_317 = arith.extui %sign3A_316 : i1 to i32
          %sign3A_318 = arith.constant 0 : i32
          %sign3A_319 = arith.cmpi slt, %add3A_315, %sign3A_318 : i32
          %sign3A_320 = arith.extui %sign3A_319 : i1 to i32
          %sign3A_321 = arith.subi %sign3A_317, %sign3A_320 : i32
          %sign3A_322 = arith.constant 0 : i32
          %sign3A_323 = arith.cmpi sgt, %jit3A, %sign3A_322 : i32
          %sign3A_324 = arith.extui %sign3A_323 : i1 to i32
          %sign3A_325 = arith.constant 0 : i32
          %sign3A_326 = arith.cmpi slt, %jit3A, %sign3A_325 : i32
          %sign3A_327 = arith.extui %sign3A_326 : i1 to i32
          %sign3A_328 = arith.subi %sign3A_324, %sign3A_327 : i32
          %ne3A = arith.cmpi ne, %sign3A_321, %sign3A_328 : i32
          %rem3A = arith.remsi %add3A_315, %jit3A : i32
          %ne3A_329 = arith.constant 0 : i32
          %ne3A_330 = arith.cmpi ne, %rem3A, %ne3A_329 : i32
          %and3A_331 = arith.andi %ne3A, %ne3A_330 : i1
          %sub3A = arith.constant 1 : i32
          %sub3A_332 = arith.subi %div3A, %sub3A : i32
          %select_n3A = arith.select %and3A_331, %sub3A_332, %div3A : i32
          %and3A_333 = arith.constant 1 : i32
          %and3A_334 = arith.andi %select_n3A, %and3A_333 : i32
          %jit3A_335 = arith.constant 10 : i32
          %eq3A_336 = arith.constant 0 : i32
          %eq3A_337 = arith.cmpi eq, %jit3A_335, %eq3A_336 : i32
          %jit3A_338 = arith.constant 1 : i32
          %select_n3A_339 = arith.select %eq3A_337, %jit3A_338, %jit3A_335 : i32
          %rem3A_340 = arith.remsi %add3A_315, %select_n3A_339 : i32
          %ne3A_341 = arith.constant 0 : i32
          %ne3A_342 = arith.cmpi ne, %rem3A_340, %ne3A_341 : i32
          %lt3A_343 = arith.constant 0 : i32
          %lt3A_344 = arith.cmpi slt, %rem3A_340, %lt3A_343 : i32
          %lt3A_345 = arith.constant 0 : i32
          %lt3A_346 = arith.cmpi slt, %select_n3A_339, %lt3A_345 : i32
          %ne3A_347 = arith.xori %lt3A_344, %lt3A_346 : i1
          %and3A_348 = arith.andi %ne3A_347, %ne3A_342 : i1
          %add3A_349 = arith.addi %rem3A_340, %select_n3A_339 : i32
          %select_n3A_350 = arith.select %and3A_348, %add3A_349, %rem3A_340 : i32
          %dma_start3A_351 = arith.constant 1 : i32
          %dma_start3A_352 = arith.constant 0 : i32
          %dma_start3A_353 = arith.constant 0 : i32
          %dma_start3A_354 = tpu.memref_slice %arg9[%dma_start3A_351, %dma_start3A_352, %dma_start3A_353] : memref<2x125x64xbf16, #tpu.memory_space<vmem>> -> memref<1x125x64xbf16, #tpu.memory_space<vmem>>
          %dma_start3A_355 = tpu.memref_squeeze %dma_start3A_354 : memref<1x125x64xbf16, #tpu.memory_space<vmem>> -> memref<125x64xbf16, #tpu.memory_space<vmem>>
          %dma_start3A_356 = arith.constant 0 : i32
          %dma_start3A_357 = tpu.memref_slice %arg7[%and3A_334, %select_n3A_350, %dma_start3A_356] : memref<2x10x125xi32, #tpu.memory_space<vmem>> -> memref<1x1x125xi32, #tpu.memory_space<vmem>>
          %dma_start3A_358 = tpu.memref_squeeze %dma_start3A_357 : memref<1x1x125xi32, #tpu.memory_space<vmem>> -> memref<125xi32, #tpu.memory_space<vmem>>
          %dma_start3A_359 = arith.constant 0 : i32
          %dma_start3A_360 = arith.constant 0 : i32
          %dma_start3A_361 = tpu.memref_slice %arg2[%arg0, %dma_start3A_359, %dma_start3A_360] : memref<2x10000x64xbf16, #tpu.memory_space<hbm>> -> memref<1x10000x64xbf16, #tpu.memory_space<hbm>>
          %dma_start3A_362 = tpu.memref_squeeze %dma_start3A_361 : memref<1x10000x64xbf16, #tpu.memory_space<hbm>> -> memref<10000x64xbf16, #tpu.memory_space<hbm>>
          %dma_start3A_363 = arith.constant 0 : i32
          %dma_start3A_364 = arith.constant 0 : i32
          %dma_start3A_365 = tpu.memref_slice %dma_start3A_362[%dma_start3A_363, %dma_start3A_364] : memref<10000x64xbf16, #tpu.memory_space<hbm>> -> memref<10000x64xbf16, #tpu.memory_space<hbm>>
          tpu.enqueue_indirect_dma source(%dma_start3A_365 : memref<10000x64xbf16, #tpu.memory_space<hbm>>) target(%dma_start3A_355 : memref<125x64xbf16, #tpu.memory_space<vmem>>) offsets(%dma_start3A_358 : memref<125xi32, #tpu.memory_space<vmem>>) semaphore(%arg15 : memref<!tpu.dma_semaphore, #tpu.memory_space<semaphore_mem>>)
          %dma_start3A_366 = arith.constant 1 : i32
          %dma_start3A_367 = arith.constant 0 : i32
          %dma_start3A_368 = arith.constant 0 : i32
          %dma_start3A_369 = tpu.memref_slice %arg10[%dma_start3A_366, %dma_start3A_367, %dma_start3A_368] : memref<2x125x64xbf16, #tpu.memory_space<vmem>> -> memref<1x125x64xbf16, #tpu.memory_space<vmem>>
          %dma_start3A_370 = tpu.memref_squeeze %dma_start3A_369 : memref<1x125x64xbf16, #tpu.memory_space<vmem>> -> memref<125x64xbf16, #tpu.memory_space<vmem>>
          %dma_start3A_371 = arith.constant 0 : i32
          %dma_start3A_372 = tpu.memref_slice %arg8[%and3A_334, %select_n3A_350, %dma_start3A_371] : memref<2x10x125xi32, #tpu.memory_space<vmem>> -> memref<1x1x125xi32, #tpu.memory_space<vmem>>
          %dma_start3A_373 = tpu.memref_squeeze %dma_start3A_372 : memref<1x1x125xi32, #tpu.memory_space<vmem>> -> memref<125xi32, #tpu.memory_space<vmem>>
          %dma_start3A_374 = arith.constant 0 : i32
          %dma_start3A_375 = arith.constant 0 : i32
          %dma_start3A_376 = tpu.memref_slice %arg3[%arg0, %dma_start3A_374, %dma_start3A_375] : memref<2x10000x64xbf16, #tpu.memory_space<hbm>> -> memref<1x10000x64xbf16, #tpu.memory_space<hbm>>
          %dma_start3A_377 = tpu.memref_squeeze %dma_start3A_376 : memref<1x10000x64xbf16, #tpu.memory_space<hbm>> -> memref<10000x64xbf16, #tpu.memory_space<hbm>>
          %dma_start3A_378 = arith.constant 0 : i32
          %dma_start3A_379 = arith.constant 0 : i32
          %dma_start3A_380 = tpu.memref_slice %dma_start3A_377[%dma_start3A_378, %dma_start3A_379] : memref<10000x64xbf16, #tpu.memory_space<hbm>> -> memref<10000x64xbf16, #tpu.memory_space<hbm>>
          tpu.enqueue_indirect_dma source(%dma_start3A_380 : memref<10000x64xbf16, #tpu.memory_space<hbm>>) target(%dma_start3A_370 : memref<125x64xbf16, #tpu.memory_space<vmem>>) offsets(%dma_start3A_373 : memref<125xi32, #tpu.memory_space<vmem>>) semaphore(%arg15 : memref<!tpu.dma_semaphore, #tpu.memory_space<semaphore_mem>>)
          %dma_start3A_381 = arith.constant 1 : i32
          %dma_start3A_382 = arith.constant 0 : i32
          %dma_start3A_383 = arith.constant 0 : i32
          %dma_start3A_384 = tpu.memref_slice %arg11[%dma_start3A_381, %dma_start3A_382, %dma_start3A_383] : memref<2x125x64xbf16, #tpu.memory_space<vmem>> -> memref<1x125x64xbf16, #tpu.memory_space<vmem>>
          %dma_start3A_385 = tpu.memref_squeeze %dma_start3A_384 : memref<1x125x64xbf16, #tpu.memory_space<vmem>> -> memref<125x64xbf16, #tpu.memory_space<vmem>>
          %dma_start3A_386 = arith.constant 0 : i32
          %dma_start3A_387 = tpu.memref_slice %arg8[%and3A_334, %select_n3A_350, %dma_start3A_386] : memref<2x10x125xi32, #tpu.memory_space<vmem>> -> memref<1x1x125xi32, #tpu.memory_space<vmem>>
          %dma_start3A_388 = tpu.memref_squeeze %dma_start3A_387 : memref<1x1x125xi32, #tpu.memory_space<vmem>> -> memref<125xi32, #tpu.memory_space<vmem>>
          %dma_start3A_389 = arith.constant 0 : i32
          %dma_start3A_390 = arith.constant 0 : i32
          %dma_start3A_391 = tpu.memref_slice %arg4[%arg0, %dma_start3A_389, %dma_start3A_390] : memref<2x10000x64xbf16, #tpu.memory_space<hbm>> -> memref<1x10000x64xbf16, #tpu.memory_space<hbm>>
          %dma_start3A_392 = tpu.memref_squeeze %dma_start3A_391 : memref<1x10000x64xbf16, #tpu.memory_space<hbm>> -> memref<10000x64xbf16, #tpu.memory_space<hbm>>
          %dma_start3A_393 = arith.constant 0 : i32
          %dma_start3A_394 = arith.constant 0 : i32
          %dma_start3A_395 = tpu.memref_slice %dma_start3A_392[%dma_start3A_393, %dma_start3A_394] : memref<10000x64xbf16, #tpu.memory_space<hbm>> -> memref<10000x64xbf16, #tpu.memory_space<hbm>>
          tpu.enqueue_indirect_dma source(%dma_start3A_395 : memref<10000x64xbf16, #tpu.memory_space<hbm>>) target(%dma_start3A_385 : memref<125x64xbf16, #tpu.memory_space<vmem>>) offsets(%dma_start3A_388 : memref<125xi32, #tpu.memory_space<vmem>>) semaphore(%arg15 : memref<!tpu.dma_semaphore, #tpu.memory_space<semaphore_mem>>)
        } else {
        }
        %dma_wait3A_140 = arith.constant 0 : i32
        %dma_wait3A_141 = arith.constant 0 : i32
        %dma_wait3A_142 = arith.constant 0 : i32
        %dma_wait3A_143 = arith.constant 0 : i32
        %dma_wait3A_144 = arith.constant 0 : i32
        %dma_wait3A_145 = tpu.memref_slice %arg9[%dma_wait3A_142, %dma_wait3A_143, %dma_wait3A_144] : memref<2x125x64xbf16, #tpu.memory_space<vmem>> -> memref<1x125x64xbf16, #tpu.memory_space<vmem>>
        %dma_wait3A_146 = tpu.memref_squeeze %dma_wait3A_145 : memref<1x125x64xbf16, #tpu.memory_space<vmem>> -> memref<125x64xbf16, #tpu.memory_space<vmem>>
        %dma_wait3A_147 = arith.constant 0 : i32
        %dma_wait3A_148 = tpu.memref_slice %arg7[%dma_wait3A_140, %dma_wait3A_141, %dma_wait3A_147] : memref<2x10x125xi32, #tpu.memory_space<vmem>> -> memref<1x1x125xi32, #tpu.memory_space<vmem>>
        %dma_wait3A_149 = tpu.memref_squeeze %dma_wait3A_148 : memref<1x1x125xi32, #tpu.memory_space<vmem>> -> memref<125xi32, #tpu.memory_space<vmem>>
        %dma_wait3A_150 = arith.constant 0 : i32
        %dma_wait3A_151 = arith.constant 0 : i32
        %dma_wait3A_152 = tpu.memref_slice %arg2[%arg0, %dma_wait3A_150, %dma_wait3A_151] : memref<2x10000x64xbf16, #tpu.memory_space<hbm>> -> memref<1x10000x64xbf16, #tpu.memory_space<hbm>>
        %dma_wait3A_153 = tpu.memref_squeeze %dma_wait3A_152 : memref<1x10000x64xbf16, #tpu.memory_space<hbm>> -> memref<10000x64xbf16, #tpu.memory_space<hbm>>
        %dma_wait3A_154 = arith.constant 0 : i32
        %dma_wait3A_155 = arith.constant 0 : i32
        %dma_wait3A_156 = tpu.memref_slice %dma_wait3A_153[%dma_wait3A_154, %dma_wait3A_155] : memref<10000x64xbf16, #tpu.memory_space<hbm>> -> memref<10000x64xbf16, #tpu.memory_space<hbm>>
        tpu.wait_indirect_dma semaphore(%arg14 : memref<!tpu.dma_semaphore, #tpu.memory_space<semaphore_mem>>) src(%dma_wait3A_156 : memref<10000x64xbf16, #tpu.memory_space<hbm>>) dst(%dma_wait3A_146 : memref<125x64xbf16, #tpu.memory_space<vmem>>)
        %dma_wait3A_157 = arith.constant 0 : i32
        %dma_wait3A_158 = arith.constant 0 : i32
        %dma_wait3A_159 = arith.constant 0 : i32
        %dma_wait3A_160 = arith.constant 0 : i32
        %dma_wait3A_161 = arith.constant 0 : i32
        %dma_wait3A_162 = tpu.memref_slice %arg10[%dma_wait3A_159, %dma_wait3A_160, %dma_wait3A_161] : memref<2x125x64xbf16, #tpu.memory_space<vmem>> -> memref<1x125x64xbf16, #tpu.memory_space<vmem>>
        %dma_wait3A_163 = tpu.memref_squeeze %dma_wait3A_162 : memref<1x125x64xbf16, #tpu.memory_space<vmem>> -> memref<125x64xbf16, #tpu.memory_space<vmem>>
        %dma_wait3A_164 = arith.constant 0 : i32
        %dma_wait3A_165 = tpu.memref_slice %arg8[%dma_wait3A_157, %dma_wait3A_158, %dma_wait3A_164] : memref<2x10x125xi32, #tpu.memory_space<vmem>> -> memref<1x1x125xi32, #tpu.memory_space<vmem>>
        %dma_wait3A_166 = tpu.memref_squeeze %dma_wait3A_165 : memref<1x1x125xi32, #tpu.memory_space<vmem>> -> memref<125xi32, #tpu.memory_space<vmem>>
        %dma_wait3A_167 = arith.constant 0 : i32
        %dma_wait3A_168 = arith.constant 0 : i32
        %dma_wait3A_169 = tpu.memref_slice %arg3[%arg0, %dma_wait3A_167, %dma_wait3A_168] : memref<2x10000x64xbf16, #tpu.memory_space<hbm>> -> memref<1x10000x64xbf16, #tpu.memory_space<hbm>>
        %dma_wait3A_170 = tpu.memref_squeeze %dma_wait3A_169 : memref<1x10000x64xbf16, #tpu.memory_space<hbm>> -> memref<10000x64xbf16, #tpu.memory_space<hbm>>
        %dma_wait3A_171 = arith.constant 0 : i32
        %dma_wait3A_172 = arith.constant 0 : i32
        %dma_wait3A_173 = tpu.memref_slice %dma_wait3A_170[%dma_wait3A_171, %dma_wait3A_172] : memref<10000x64xbf16, #tpu.memory_space<hbm>> -> memref<10000x64xbf16, #tpu.memory_space<hbm>>
        tpu.wait_indirect_dma semaphore(%arg14 : memref<!tpu.dma_semaphore, #tpu.memory_space<semaphore_mem>>) src(%dma_wait3A_173 : memref<10000x64xbf16, #tpu.memory_space<hbm>>) dst(%dma_wait3A_163 : memref<125x64xbf16, #tpu.memory_space<vmem>>)
        %dma_wait3A_174 = arith.constant 0 : i32
        %dma_wait3A_175 = arith.constant 0 : i32
        %dma_wait3A_176 = arith.constant 0 : i32
        %dma_wait3A_177 = arith.constant 0 : i32
        %dma_wait3A_178 = arith.constant 0 : i32
        %dma_wait3A_179 = tpu.memref_slice %arg11[%dma_wait3A_176, %dma_wait3A_177, %dma_wait3A_178] : memref<2x125x64xbf16, #tpu.memory_space<vmem>> -> memref<1x125x64xbf16, #tpu.memory_space<vmem>>
        %dma_wait3A_180 = tpu.memref_squeeze %dma_wait3A_179 : memref<1x125x64xbf16, #tpu.memory_space<vmem>> -> memref<125x64xbf16, #tpu.memory_space<vmem>>
        %dma_wait3A_181 = arith.constant 0 : i32
        %dma_wait3A_182 = tpu.memref_slice %arg8[%dma_wait3A_174, %dma_wait3A_175, %dma_wait3A_181] : memref<2x10x125xi32, #tpu.memory_space<vmem>> -> memref<1x1x125xi32, #tpu.memory_space<vmem>>
        %dma_wait3A_183 = tpu.memref_squeeze %dma_wait3A_182 : memref<1x1x125xi32, #tpu.memory_space<vmem>> -> memref<125xi32, #tpu.memory_space<vmem>>
        %dma_wait3A_184 = arith.constant 0 : i32
        %dma_wait3A_185 = arith.constant 0 : i32
        %dma_wait3A_186 = tpu.memref_slice %arg4[%arg0, %dma_wait3A_184, %dma_wait3A_185] : memref<2x10000x64xbf16, #tpu.memory_space<hbm>> -> memref<1x10000x64xbf16, #tpu.memory_space<hbm>>
        %dma_wait3A_187 = tpu.memref_squeeze %dma_wait3A_186 : memref<1x10000x64xbf16, #tpu.memory_space<hbm>> -> memref<10000x64xbf16, #tpu.memory_space<hbm>>
        %dma_wait3A_188 = arith.constant 0 : i32
        %dma_wait3A_189 = arith.constant 0 : i32
        %dma_wait3A_190 = tpu.memref_slice %dma_wait3A_187[%dma_wait3A_188, %dma_wait3A_189] : memref<10000x64xbf16, #tpu.memory_space<hbm>> -> memref<10000x64xbf16, #tpu.memory_space<hbm>>
        tpu.wait_indirect_dma semaphore(%arg14 : memref<!tpu.dma_semaphore, #tpu.memory_space<semaphore_mem>>) src(%dma_wait3A_190 : memref<10000x64xbf16, #tpu.memory_space<hbm>>) dst(%dma_wait3A_180 : memref<125x64xbf16, #tpu.memory_space<vmem>>)
        %ge3A = arith.constant 2 : i32
        %ge3A_191 = arith.cmpi sge, %add3A_117, %ge3A : i32
        %convert_element_type3A_192 = arith.extui %ge3A_191 : i1 to i32
        %cond3A_193 = arith.constant 0 : i32
        %cond3A_194 = arith.cmpi ne, %convert_element_type3A_192, %cond3A_193 : i32
        scf.if %cond3A_194 {
          %dma_wait3A_314 = arith.constant 0 : i32
          %dma_wait3A_315 = arith.constant 0 : i32
          %dma_wait3A_316 = arith.constant 0 : i32
          %dma_wait3A_317 = arith.constant 0 : i32
          %dma_wait3A_318 = arith.constant 0 : i32
          %dma_wait3A_319 = tpu.memref_slice %arg12[%dma_wait3A_314, %dma_wait3A_317, %dma_wait3A_318] : memref<2x125x80xf32, #tpu.memory_space<vmem>> -> memref<1x125x80xf32, #tpu.memory_space<vmem>>
          %dma_wait3A_320 = tpu.memref_squeeze %dma_wait3A_319 : memref<1x125x80xf32, #tpu.memory_space<vmem>> -> memref<125x80xf32, #tpu.memory_space<vmem>>
          %dma_wait3A_321 = arith.constant 0 : i32
          %dma_wait3A_322 = tpu.memref_slice %arg7[%dma_wait3A_315, %dma_wait3A_316, %dma_wait3A_321] : memref<2x10x125xi32, #tpu.memory_space<vmem>> -> memref<1x1x125xi32, #tpu.memory_space<vmem>>
          %dma_wait3A_323 = tpu.memref_squeeze %dma_wait3A_322 : memref<1x1x125xi32, #tpu.memory_space<vmem>> -> memref<125xi32, #tpu.memory_space<vmem>>
          %dma_wait3A_324 = arith.constant 0 : i32
          %dma_wait3A_325 = arith.constant 0 : i32
          %dma_wait3A_326 = tpu.memref_slice %arg13[%dma_wait3A_324, %dma_wait3A_325] : memref<10240x80xf32, #tpu.memory_space<vmem_shared>> -> memref<10240x80xf32, #tpu.memory_space<vmem_shared>>
          tpu.wait_indirect_dma semaphore(%arg16 : memref<!tpu.dma_semaphore, #tpu.memory_space<semaphore_mem>>) src(%dma_wait3A_320 : memref<125x80xf32, #tpu.memory_space<vmem>>) dst(%dma_wait3A_326 : memref<10240x80xf32, #tpu.memory_space<vmem_shared>>)
        } else {
        }
        %parallel_loop3A = arith.constant 0 : i32
        %parallel_loop3A_195 = arith.constant 125 : i32
        %parallel_loop3A_196 = arith.constant 1 : i32
        scf.for %parallel_loop3A_314 = %parallel_loop3A to %parallel_loop3A_195 step %parallel_loop3A_196  : i32 {
          %parallel_loop3A_315 = arith.constant 0 : i32
          %parallel_loop3A_316 = arith.index_cast %parallel_loop3A_315 : i32 to index
          %parallel_loop3A_317 = arith.index_cast %parallel_loop3A_314 : i32 to index
          %parallel_loop3A_318 = arith.constant 0 : index
          %parallel_loop3A_319 = tpu.vector_load %arg9[%parallel_loop3A_316, %parallel_loop3A_317, %parallel_loop3A_318] {strides = array<i32>} : memref<2x125x64xbf16, #tpu.memory_space<vmem>>, vector<32xbf16>,
          %parallel_loop3A_320 = tpu.unpack_subelements %parallel_loop3A_319, 0 {pack_format = #tpu.pack_format<interleaved>} : vector<32xbf16> -> vector<16xf32>
          %parallel_loop3A_321 = tpu.unpack_subelements %parallel_loop3A_319, 1 {pack_format = #tpu.pack_format<interleaved>} : vector<32xbf16> -> vector<16xf32>
          %parallel_loop3A_322 = arith.constant 0 : i32
          %parallel_loop3A_323 = arith.index_cast %parallel_loop3A_322 : i32 to index
          %parallel_loop3A_324 = arith.index_cast %parallel_loop3A_314 : i32 to index
          %parallel_loop3A_325 = arith.constant 0 : index
          %parallel_loop3A_326 = tpu.vector_load %arg10[%parallel_loop3A_323, %parallel_loop3A_324, %parallel_loop3A_325] {strides = array<i32>} : memref<2x125x64xbf16, #tpu.memory_space<vmem>>, vector<32xbf16>,
          %parallel_loop3A_327 = tpu.unpack_subelements %parallel_loop3A_326, 0 {pack_format = #tpu.pack_format<interleaved>} : vector<32xbf16> -> vector<16xf32>
          %parallel_loop3A_328 = tpu.unpack_subelements %parallel_loop3A_326, 1 {pack_format = #tpu.pack_format<interleaved>} : vector<32xbf16> -> vector<16xf32>
          %parallel_loop3A_329 = arith.mulf %parallel_loop3A_320, %parallel_loop3A_327 : vector<16xf32>
          %parallel_loop3A_330 = arith.mulf %parallel_loop3A_321, %parallel_loop3A_328 : vector<16xf32>
          %parallel_loop3A_331 = arith.addf %parallel_loop3A_329, %parallel_loop3A_330 : vector<16xf32>
          %parallel_loop3A_332 = arith.constant 0 : i32
          %parallel_loop3A_333 = arith.index_cast %parallel_loop3A_332 : i32 to index
          %parallel_loop3A_334 = arith.index_cast %parallel_loop3A_314 : i32 to index
          %parallel_loop3A_335 = arith.constant 32 : index
          %parallel_loop3A_336 = tpu.vector_load %arg9[%parallel_loop3A_333, %parallel_loop3A_334, %parallel_loop3A_335] {strides = array<i32>} : memref<2x125x64xbf16, #tpu.memory_space<vmem>>, vector<32xbf16>,
          %parallel_loop3A_337 = tpu.unpack_subelements %parallel_loop3A_336, 0 {pack_format = #tpu.pack_format<interleaved>} : vector<32xbf16> -> vector<16xf32>
          %parallel_loop3A_338 = tpu.unpack_subelements %parallel_loop3A_336, 1 {pack_format = #tpu.pack_format<interleaved>} : vector<32xbf16> -> vector<16xf32>
          %parallel_loop3A_339 = arith.constant 0 : i32
          %parallel_loop3A_340 = arith.index_cast %parallel_loop3A_339 : i32 to index
          %parallel_loop3A_341 = arith.index_cast %parallel_loop3A_314 : i32 to index
          %parallel_loop3A_342 = arith.constant 32 : index
          %parallel_loop3A_343 = tpu.vector_load %arg10[%parallel_loop3A_340, %parallel_loop3A_341, %parallel_loop3A_342] {strides = array<i32>} : memref<2x125x64xbf16, #tpu.memory_space<vmem>>, vector<32xbf16>,
          %parallel_loop3A_344 = tpu.unpack_subelements %parallel_loop3A_343, 0 {pack_format = #tpu.pack_format<interleaved>} : vector<32xbf16> -> vector<16xf32>
          %parallel_loop3A_345 = tpu.unpack_subelements %parallel_loop3A_343, 1 {pack_format = #tpu.pack_format<interleaved>} : vector<32xbf16> -> vector<16xf32>
          %parallel_loop3A_346 = arith.mulf %parallel_loop3A_337, %parallel_loop3A_344 : vector<16xf32>
          %parallel_loop3A_347 = arith.mulf %parallel_loop3A_338, %parallel_loop3A_345 : vector<16xf32>
          %parallel_loop3A_348 = arith.addf %parallel_loop3A_346, %parallel_loop3A_347 : vector<16xf32>
          %parallel_loop3A_349 = arith.addf %parallel_loop3A_331, %parallel_loop3A_348 : vector<16xf32>
          %parallel_loop3A_350 = tpu.iota {dimensions = array<i32: 0>} : vector<16xi32>
          %parallel_loop3A_351 = arith.constant 8 : i32
          %parallel_loop3A_352 = vector.broadcast %parallel_loop3A_351 : i32 to vector<16xi32>
          %parallel_loop3A_353 = arith.addi %parallel_loop3A_350, %parallel_loop3A_352 : vector<16xi32>
          %parallel_loop3A_354 = arith.constant 15 : i32
          %parallel_loop3A_355 = vector.broadcast %parallel_loop3A_354 : i32 to vector<16xi32>
          %parallel_loop3A_356 = arith.andi %parallel_loop3A_353, %parallel_loop3A_355 : vector<16xi32>
          %parallel_loop3A_357 = vector.shape_cast %parallel_loop3A_356 : vector<16xi32> to vector<16x1xi32>
          %parallel_loop3A_358 = vector.shape_cast %parallel_loop3A_357 : vector<16x1xi32> to vector<16xi32>
          %parallel_loop3A_359 = tpu.dynamic_gather %parallel_loop3A_349[%parallel_loop3A_358] in [0] : vector<16xf32>, vector<16xi32> -> vector<16xf32>
          %parallel_loop3A_360 = arith.addf %parallel_loop3A_349, %parallel_loop3A_359 : vector<16xf32>
          %parallel_loop3A_361 = tpu.iota {dimensions = array<i32: 0>} : vector<16xi32>
          %parallel_loop3A_362 = arith.constant 4 : i32
          %parallel_loop3A_363 = vector.broadcast %parallel_loop3A_362 : i32 to vector<16xi32>
          %parallel_loop3A_364 = arith.addi %parallel_loop3A_361, %parallel_loop3A_363 : vector<16xi32>
          %parallel_loop3A_365 = arith.constant 15 : i32
          %parallel_loop3A_366 = vector.broadcast %parallel_loop3A_365 : i32 to vector<16xi32>
          %parallel_loop3A_367 = arith.andi %parallel_loop3A_364, %parallel_loop3A_366 : vector<16xi32>
          %parallel_loop3A_368 = vector.shape_cast %parallel_loop3A_367 : vector<16xi32> to vector<16x1xi32>
          %parallel_loop3A_369 = vector.shape_cast %parallel_loop3A_368 : vector<16x1xi32> to vector<16xi32>
          %parallel_loop3A_370 = tpu.dynamic_gather %parallel_loop3A_360[%parallel_loop3A_369] in [0] : vector<16xf32>, vector<16xi32> -> vector<16xf32>
          %parallel_loop3A_371 = arith.addf %parallel_loop3A_360, %parallel_loop3A_370 : vector<16xf32>
          %parallel_loop3A_372 = arith.constant 2.500000e-01 : f32
          %parallel_loop3A_373 = vector.broadcast %parallel_loop3A_372 : f32 to vector<16xf32>
          %parallel_loop3A_374 = arith.mulf %parallel_loop3A_371, %parallel_loop3A_373 : vector<16xf32>
          %parallel_loop3A_375 = math.exp %parallel_loop3A_374 : vector<16xf32>
          %parallel_loop3A_376 = arith.constant 0 : i32
          %parallel_loop3A_377 = arith.index_cast %parallel_loop3A_376 : i32 to index
          %parallel_loop3A_378 = arith.index_cast %parallel_loop3A_314 : i32 to index
          %parallel_loop3A_379 = arith.constant 64 : index
          %parallel_loop3A_380 = tpu.vector_load %arg12[%parallel_loop3A_377, %parallel_loop3A_378, %parallel_loop3A_379] {strides = array<i32>} : memref<2x125x80xf32, #tpu.memory_space<vmem>>, vector<16xf32>,
          tpu.vector_store %arg12[%parallel_loop3A_377, %parallel_loop3A_378, %parallel_loop3A_379], %parallel_loop3A_375 {strides = array<i32>} : memref<2x125x80xf32, #tpu.memory_space<vmem>>, vector<16xf32>,
          %parallel_loop3A_381 = arith.constant 0 : i32
          %parallel_loop3A_382 = arith.index_cast %parallel_loop3A_381 : i32 to index
          %parallel_loop3A_383 = arith.index_cast %parallel_loop3A_314 : i32 to index
          %parallel_loop3A_384 = arith.constant 0 : index
          %parallel_loop3A_385 = tpu.vector_load %arg11[%parallel_loop3A_382, %parallel_loop3A_383, %parallel_loop3A_384] {strides = array<i32>} : memref<2x125x64xbf16, #tpu.memory_space<vmem>>, vector<32xbf16>,
          %parallel_loop3A_386 = tpu.unpack_subelements %parallel_loop3A_385, 0 {pack_format = #tpu.pack_format<interleaved>} : vector<32xbf16> -> vector<16xf32>
          %parallel_loop3A_387 = tpu.unpack_subelements %parallel_loop3A_385, 1 {pack_format = #tpu.pack_format<interleaved>} : vector<32xbf16> -> vector<16xf32>
          %parallel_loop3A_388 = arith.mulf %parallel_loop3A_386, %parallel_loop3A_375 : vector<16xf32>
          %parallel_loop3A_389 = arith.constant 0 : i32
          %parallel_loop3A_390 = arith.index_cast %parallel_loop3A_389 : i32 to index
          %parallel_loop3A_391 = arith.index_cast %parallel_loop3A_314 : i32 to index
          %parallel_loop3A_392 = arith.constant 0 : index
          %parallel_loop3A_393 = tpu.vector_load %arg12[%parallel_loop3A_390, %parallel_loop3A_391, %parallel_loop3A_392] {strides = array<i32>} : memref<2x125x80xf32, #tpu.memory_space<vmem>>, vector<16xf32>,
          tpu.vector_store %arg12[%parallel_loop3A_390, %parallel_loop3A_391, %parallel_loop3A_392], %parallel_loop3A_388 {strides = array<i32>} : memref<2x125x80xf32, #tpu.memory_space<vmem>>, vector<16xf32>,
          %parallel_loop3A_394 = arith.mulf %parallel_loop3A_387, %parallel_loop3A_375 : vector<16xf32>
          %parallel_loop3A_395 = arith.constant 0 : i32
          %parallel_loop3A_396 = arith.index_cast %parallel_loop3A_395 : i32 to index
          %parallel_loop3A_397 = arith.index_cast %parallel_loop3A_314 : i32 to index
          %parallel_loop3A_398 = arith.constant 16 : index
          %parallel_loop3A_399 = tpu.vector_load %arg12[%parallel_loop3A_396, %parallel_loop3A_397, %parallel_loop3A_398] {strides = array<i32>} : memref<2x125x80xf32, #tpu.memory_space<vmem>>, vector<16xf32>,
          tpu.vector_store %arg12[%parallel_loop3A_396, %parallel_loop3A_397, %parallel_loop3A_398], %parallel_loop3A_394 {strides = array<i32>} : memref<2x125x80xf32, #tpu.memory_space<vmem>>, vector<16xf32>,
          %parallel_loop3A_400 = arith.constant 0 : i32
          %parallel_loop3A_401 = arith.index_cast %parallel_loop3A_400 : i32 to index
          %parallel_loop3A_402 = arith.index_cast %parallel_loop3A_314 : i32 to index
          %parallel_loop3A_403 = arith.constant 32 : index
          %parallel_loop3A_404 = tpu.vector_load %arg11[%parallel_loop3A_401, %parallel_loop3A_402, %parallel_loop3A_403] {strides = array<i32>} : memref<2x125x64xbf16, #tpu.memory_space<vmem>>, vector<32xbf16>,
          %parallel_loop3A_405 = tpu.unpack_subelements %parallel_loop3A_404, 0 {pack_format = #tpu.pack_format<interleaved>} : vector<32xbf16> -> vector<16xf32>
          %parallel_loop3A_406 = tpu.unpack_subelements %parallel_loop3A_404, 1 {pack_format = #tpu.pack_format<interleaved>} : vector<32xbf16> -> vector<16xf32>
          %parallel_loop3A_407 = arith.mulf %parallel_loop3A_405, %parallel_loop3A_375 : vector<16xf32>
          %parallel_loop3A_408 = arith.constant 0 : i32
          %parallel_loop3A_409 = arith.index_cast %parallel_loop3A_408 : i32 to index
          %parallel_loop3A_410 = arith.index_cast %parallel_loop3A_314 : i32 to index
          %parallel_loop3A_411 = arith.constant 32 : index
          %parallel_loop3A_412 = tpu.vector_load %arg12[%parallel_loop3A_409, %parallel_loop3A_410, %parallel_loop3A_411] {strides = array<i32>} : memref<2x125x80xf32, #tpu.memory_space<vmem>>, vector<16xf32>,
          tpu.vector_store %arg12[%parallel_loop3A_409, %parallel_loop3A_410, %parallel_loop3A_411], %parallel_loop3A_407 {strides = array<i32>} : memref<2x125x80xf32, #tpu.memory_space<vmem>>, vector<16xf32>,
          %parallel_loop3A_413 = arith.mulf %parallel_loop3A_406, %parallel_loop3A_375 : vector<16xf32>
          %parallel_loop3A_414 = arith.constant 0 : i32
          %parallel_loop3A_415 = arith.index_cast %parallel_loop3A_414 : i32 to index
          %parallel_loop3A_416 = arith.index_cast %parallel_loop3A_314 : i32 to index
          %parallel_loop3A_417 = arith.constant 48 : index
          %parallel_loop3A_418 = tpu.vector_load %arg12[%parallel_loop3A_415, %parallel_loop3A_416, %parallel_loop3A_417] {strides = array<i32>} : memref<2x125x80xf32, #tpu.memory_space<vmem>>, vector<16xf32>,
          tpu.vector_store %arg12[%parallel_loop3A_415, %parallel_loop3A_416, %parallel_loop3A_417], %parallel_loop3A_413 {strides = array<i32>} : memref<2x125x80xf32, #tpu.memory_space<vmem>>, vector<16xf32>,
        } {sc.loop_unroll_factor = 2 : i64, sc.parallel_access}
        %and3A_197 = arith.constant 1 : i32
        %and3A_198 = arith.andi %add3A_102, %and3A_197 : i32
        %dma_start3A_199 = arith.constant 0 : i32
        %dma_start3A_200 = arith.constant 0 : i32
        %dma_start3A_201 = arith.constant 0 : i32
        %dma_start3A_202 = tpu.memref_slice %arg12[%dma_start3A_199, %dma_start3A_200, %dma_start3A_201] : memref<2x125x80xf32, #tpu.memory_space<vmem>> -> memref<1x125x80xf32, #tpu.memory_space<vmem>>
        %dma_start3A_203 = tpu.memref_squeeze %dma_start3A_202 : memref<1x125x80xf32, #tpu.memory_space<vmem>> -> memref<125x80xf32, #tpu.memory_space<vmem>>
        %dma_start3A_204 = arith.constant 0 : i32
        %dma_start3A_205 = tpu.memref_slice %arg7[%and3A_198, %add3A_114, %dma_start3A_204] : memref<2x10x125xi32, #tpu.memory_space<vmem>> -> memref<1x1x125xi32, #tpu.memory_space<vmem>>
        %dma_start3A_206 = tpu.memref_squeeze %dma_start3A_205 : memref<1x1x125xi32, #tpu.memory_space<vmem>> -> memref<125xi32, #tpu.memory_space<vmem>>
        %dma_start3A_207 = arith.constant 0 : i32
        %dma_start3A_208 = arith.constant 0 : i32
        %dma_start3A_209 = tpu.memref_slice %arg13[%dma_start3A_207, %dma_start3A_208] : memref<10240x80xf32, #tpu.memory_space<vmem_shared>> -> memref<10240x80xf32, #tpu.memory_space<vmem_shared>>
        tpu.enqueue_indirect_dma source(%dma_start3A_203 : memref<125x80xf32, #tpu.memory_space<vmem>>) target(%dma_start3A_209 : memref<10240x80xf32, #tpu.memory_space<vmem_shared>>) offsets(%dma_start3A_206 : memref<125xi32, #tpu.memory_space<vmem>>) semaphore(%arg16 : memref<!tpu.dma_semaphore, #tpu.memory_space<semaphore_mem>>) {add = true}
        %add3A_210 = arith.constant 1 : i32
        %add3A_211 = arith.addi %add3A_112, %add3A_210 : i32
        %mul3A_212 = arith.constant 10 : i32
        %mul3A_213 = arith.muli %add3A_102, %mul3A_212 : i32
        %add3A_214 = arith.addi %mul3A_213, %add3A_211 : i32
        %eq3A_215 = arith.constant 2 : i32
        %eq3A_216 = arith.cmpi eq, %add3A_211, %eq3A_215 : i32
        %add3A_217 = arith.constant 1 : i32
        %add3A_218 = arith.addi %add3A_102, %add3A_217 : i32
        %lt3A_219 = arith.constant 16 : i32
        %lt3A_220 = arith.cmpi slt, %add3A_218, %lt3A_219 : i32
        %and3A_221 = arith.andi %eq3A_216, %lt3A_220 : i1
        %convert_element_type3A_222 = arith.extui %and3A_221 : i1 to i32
        %cond3A_223 = arith.constant 0 : i32
        %cond3A_224 = arith.cmpi ne, %convert_element_type3A_222, %cond3A_223 : i32
        scf.if %cond3A_224 {
          %add3A_314 = arith.constant 1 : i32
          %add3A_315 = arith.addi %add3A_102, %add3A_314 : i32
          %mul3A_316 = arith.constant 10 : i32
          %mul3A_317 = arith.muli %add3A_315, %mul3A_316 : i32
          %and3A_318 = arith.constant 1 : i32
          %and3A_319 = arith.andi %add3A_315, %and3A_318 : i32
          %dma_start3A_320 = arith.constant 1 : i32
          %dma_start3A_321 = arith.constant 0 : i32
          %dma_start3A_322 = arith.constant 0 : i32
          %dma_start3A_323 = tpu.memref_slice %arg7[%and3A_319, %dma_start3A_321, %dma_start3A_322] : memref<2x10x125xi32, #tpu.memory_space<vmem>> -> memref<1x10x125xi32, #tpu.memory_space<vmem>>
          %dma_start3A_324 = tpu.memref_squeeze %dma_start3A_323 : memref<1x10x125xi32, #tpu.memory_space<vmem>> -> memref<10x125xi32, #tpu.memory_space<vmem>>
          %dma_start3A_325 = arith.constant 0 : i32
          %dma_start3A_326 = tpu.memref_slice %arg5[%dma_start3A_320, %arg1, %mul3A_317, %dma_start3A_325] : memref<2x16x160x125xi32, #tpu.memory_space<hbm>> -> memref<1x1x10x125xi32, #tpu.memory_space<hbm>>
          %dma_start3A_327 = tpu.memref_squeeze %dma_start3A_326 : memref<1x1x10x125xi32, #tpu.memory_space<hbm>> -> memref<10x125xi32, #tpu.memory_space<hbm>>
          %dma_start3A_328 = arith.constant 0 : i32
          %dma_start3A_329 = arith.constant 0 : i32
          %dma_start3A_330 = tpu.memref_slice %arg7[%and3A_319, %dma_start3A_328, %dma_start3A_329] : memref<2x10x125xi32, #tpu.memory_space<vmem>> -> memref<1x10x125xi32, #tpu.memory_space<vmem>>
          %dma_start3A_331 = tpu.memref_squeeze %dma_start3A_330 : memref<1x10x125xi32, #tpu.memory_space<vmem>> -> memref<10x125xi32, #tpu.memory_space<vmem>>
          %dma_start3A_332 = arith.constant 0 : i32
          %dma_start3A_333 = tpu.memref_slice %arg5[%dma_start3A_320, %arg1, %mul3A_317, %dma_start3A_332] : memref<2x16x160x125xi32, #tpu.memory_space<hbm>> -> memref<1x1x10x125xi32, #tpu.memory_space<hbm>>
          %dma_start3A_334 = tpu.memref_squeeze %dma_start3A_333 : memref<1x1x10x125xi32, #tpu.memory_space<hbm>> -> memref<10x125xi32, #tpu.memory_space<hbm>>
          tpu.enqueue_dma source(%dma_start3A_334 : memref<10x125xi32, #tpu.memory_space<hbm>>) target(%dma_start3A_331 : memref<10x125xi32, #tpu.memory_space<vmem>>) target_semaphore(%arg18 : memref<!tpu.dma_semaphore, #tpu.memory_space<semaphore_mem>>)
          %mul3A_335 = arith.constant 10 : i32
          %mul3A_336 = arith.muli %add3A_315, %mul3A_335 : i32
          %and3A_337 = arith.constant 1 : i32
          %and3A_338 = arith.andi %add3A_315, %and3A_337 : i32
          %dma_start3A_339 = arith.constant 0 : i32
          %dma_start3A_340 = arith.constant 0 : i32
          %dma_start3A_341 = arith.constant 0 : i32
          %dma_start3A_342 = tpu.memref_slice %arg8[%and3A_338, %dma_start3A_340, %dma_start3A_341] : memref<2x10x125xi32, #tpu.memory_space<vmem>> -> memref<1x10x125xi32, #tpu.memory_space<vmem>>
          %dma_start3A_343 = tpu.memref_squeeze %dma_start3A_342 : memref<1x10x125xi32, #tpu.memory_space<vmem>> -> memref<10x125xi32, #tpu.memory_space<vmem>>
          %dma_start3A_344 = arith.constant 0 : i32
          %dma_start3A_345 = tpu.memref_slice %arg5[%dma_start3A_339, %arg1, %mul3A_336, %dma_start3A_344] : memref<2x16x160x125xi32, #tpu.memory_space<hbm>> -> memref<1x1x10x125xi32, #tpu.memory_space<hbm>>
          %dma_start3A_346 = tpu.memref_squeeze %dma_start3A_345 : memref<1x1x10x125xi32, #tpu.memory_space<hbm>> -> memref<10x125xi32, #tpu.memory_space<hbm>>
          %dma_start3A_347 = arith.constant 0 : i32
          %dma_start3A_348 = arith.constant 0 : i32
          %dma_start3A_349 = tpu.memref_slice %arg8[%and3A_338, %dma_start3A_347, %dma_start3A_348] : memref<2x10x125xi32, #tpu.memory_space<vmem>> -> memref<1x10x125xi32, #tpu.memory_space<vmem>>
          %dma_start3A_350 = tpu.memref_squeeze %dma_start3A_349 : memref<1x10x125xi32, #tpu.memory_space<vmem>> -> memref<10x125xi32, #tpu.memory_space<vmem>>
          %dma_start3A_351 = arith.constant 0 : i32
          %dma_start3A_352 = tpu.memref_slice %arg5[%dma_start3A_339, %arg1, %mul3A_336, %dma_start3A_351] : memref<2x16x160x125xi32, #tpu.memory_space<hbm>> -> memref<1x1x10x125xi32, #tpu.memory_space<hbm>>
          %dma_start3A_353 = tpu.memref_squeeze %dma_start3A_352 : memref<1x1x10x125xi32, #tpu.memory_space<hbm>> -> memref<10x125xi32, #tpu.memory_space<hbm>>
          tpu.enqueue_dma source(%dma_start3A_353 : memref<10x125xi32, #tpu.memory_space<hbm>>) target(%dma_start3A_350 : memref<10x125xi32, #tpu.memory_space<vmem>>) target_semaphore(%arg18 : memref<!tpu.dma_semaphore, #tpu.memory_space<semaphore_mem>>)
        } else {
        }
        %eq3A_225 = arith.constant 9 : i32
        %eq3A_226 = arith.cmpi eq, %add3A_211, %eq3A_225 : i32
        %add3A_227 = arith.constant 1 : i32
        %add3A_228 = arith.addi %add3A_102, %add3A_227 : i32
        %lt3A_229 = arith.constant 16 : i32
        %lt3A_230 = arith.cmpi slt, %add3A_228, %lt3A_229 : i32
        %and3A_231 = arith.andi %eq3A_226, %lt3A_230 : i1
        %convert_element_type3A_232 = arith.extui %and3A_231 : i1 to i32
        %cond3A_233 = arith.constant 0 : i32
        %cond3A_234 = arith.cmpi ne, %convert_element_type3A_232, %cond3A_233 : i32
        scf.if %cond3A_234 {
          %add3A_314 = arith.constant 1 : i32
          %add3A_315 = arith.addi %add3A_102, %add3A_314 : i32
          %mul3A_316 = arith.constant 10 : i32
          %mul3A_317 = arith.muli %add3A_315, %mul3A_316 : i32
          %and3A_318 = arith.constant 1 : i32
          %and3A_319 = arith.andi %add3A_315, %and3A_318 : i32
          %dma_wait3A_320 = arith.constant 1 : i32
          %dma_wait3A_321 = arith.constant 0 : i32
          %dma_wait3A_322 = arith.constant 0 : i32
          %dma_wait3A_323 = tpu.memref_slice %arg7[%and3A_319, %dma_wait3A_321, %dma_wait3A_322] : memref<2x10x125xi32, #tpu.memory_space<vmem>> -> memref<1x10x125xi32, #tpu.memory_space<vmem>>
          %dma_wait3A_324 = tpu.memref_squeeze %dma_wait3A_323 : memref<1x10x125xi32, #tpu.memory_space<vmem>> -> memref<10x125xi32, #tpu.memory_space<vmem>>
          %dma_wait3A_325 = arith.constant 0 : i32
          %dma_wait3A_326 = tpu.memref_slice %arg5[%dma_wait3A_320, %arg1, %mul3A_317, %dma_wait3A_325] : memref<2x16x160x125xi32, #tpu.memory_space<hbm>> -> memref<1x1x10x125xi32, #tpu.memory_space<hbm>>
          %dma_wait3A_327 = tpu.memref_squeeze %dma_wait3A_326 : memref<1x1x10x125xi32, #tpu.memory_space<hbm>> -> memref<10x125xi32, #tpu.memory_space<hbm>>
          %dma_wait3A_328 = arith.constant 0 : i32
          %dma_wait3A_329 = arith.constant 0 : i32
          %dma_wait3A_330 = tpu.memref_slice %arg7[%and3A_319, %dma_wait3A_328, %dma_wait3A_329] : memref<2x10x125xi32, #tpu.memory_space<vmem>> -> memref<1x10x125xi32, #tpu.memory_space<vmem>>
          %dma_wait3A_331 = tpu.memref_squeeze %dma_wait3A_330 : memref<1x10x125xi32, #tpu.memory_space<vmem>> -> memref<10x125xi32, #tpu.memory_space<vmem>>
          %dma_wait3A_332 = arith.constant 0 : i32
          %dma_wait3A_333 = tpu.memref_slice %arg5[%dma_wait3A_320, %arg1, %mul3A_317, %dma_wait3A_332] : memref<2x16x160x125xi32, #tpu.memory_space<hbm>> -> memref<1x1x10x125xi32, #tpu.memory_space<hbm>>
          %dma_wait3A_334 = tpu.memref_squeeze %dma_wait3A_333 : memref<1x1x10x125xi32, #tpu.memory_space<hbm>> -> memref<10x125xi32, #tpu.memory_space<hbm>>
          tpu.wait_dma2 semaphore(%arg18 : memref<!tpu.dma_semaphore, #tpu.memory_space<semaphore_mem>>) src(%dma_wait3A_334 : memref<10x125xi32, #tpu.memory_space<hbm>>) dst(%dma_wait3A_331 : memref<10x125xi32, #tpu.memory_space<vmem>>)
          %mul3A_335 = arith.constant 10 : i32
          %mul3A_336 = arith.muli %add3A_315, %mul3A_335 : i32
          %and3A_337 = arith.constant 1 : i32
          %and3A_338 = arith.andi %add3A_315, %and3A_337 : i32
          %dma_wait3A_339 = arith.constant 0 : i32
          %dma_wait3A_340 = arith.constant 0 : i32
          %dma_wait3A_341 = arith.constant 0 : i32
          %dma_wait3A_342 = tpu.memref_slice %arg8[%and3A_338, %dma_wait3A_340, %dma_wait3A_341] : memref<2x10x125xi32, #tpu.memory_space<vmem>> -> memref<1x10x125xi32, #tpu.memory_space<vmem>>
          %dma_wait3A_343 = tpu.memref_squeeze %dma_wait3A_342 : memref<1x10x125xi32, #tpu.memory_space<vmem>> -> memref<10x125xi32, #tpu.memory_space<vmem>>
          %dma_wait3A_344 = arith.constant 0 : i32
          %dma_wait3A_345 = tpu.memref_slice %arg5[%dma_wait3A_339, %arg1, %mul3A_336, %dma_wait3A_344] : memref<2x16x160x125xi32, #tpu.memory_space<hbm>> -> memref<1x1x10x125xi32, #tpu.memory_space<hbm>>
          %dma_wait3A_346 = tpu.memref_squeeze %dma_wait3A_345 : memref<1x1x10x125xi32, #tpu.memory_space<hbm>> -> memref<10x125xi32, #tpu.memory_space<hbm>>
          %dma_wait3A_347 = arith.constant 0 : i32
          %dma_wait3A_348 = arith.constant 0 : i32
          %dma_wait3A_349 = tpu.memref_slice %arg8[%and3A_338, %dma_wait3A_347, %dma_wait3A_348] : memref<2x10x125xi32, #tpu.memory_space<vmem>> -> memref<1x10x125xi32, #tpu.memory_space<vmem>>
          %dma_wait3A_350 = tpu.memref_squeeze %dma_wait3A_349 : memref<1x10x125xi32, #tpu.memory_space<vmem>> -> memref<10x125xi32, #tpu.memory_space<vmem>>
          %dma_wait3A_351 = arith.constant 0 : i32
          %dma_wait3A_352 = tpu.memref_slice %arg5[%dma_wait3A_339, %arg1, %mul3A_336, %dma_wait3A_351] : memref<2x16x160x125xi32, #tpu.memory_space<hbm>> -> memref<1x1x10x125xi32, #tpu.memory_space<hbm>>
          %dma_wait3A_353 = tpu.memref_squeeze %dma_wait3A_352 : memref<1x1x10x125xi32, #tpu.memory_space<hbm>> -> memref<10x125xi32, #tpu.memory_space<hbm>>
          tpu.wait_dma2 semaphore(%arg18 : memref<!tpu.dma_semaphore, #tpu.memory_space<semaphore_mem>>) src(%dma_wait3A_353 : memref<10x125xi32, #tpu.memory_space<hbm>>) dst(%dma_wait3A_350 : memref<10x125xi32, #tpu.memory_space<vmem>>)
        } else {
        }
        %add3A_235 = arith.constant 1 : i32
        %add3A_236 = arith.addi %add3A_214, %add3A_235 : i32
        %lt3A_237 = arith.constant 160 : i32
        %lt3A_238 = arith.cmpi slt, %add3A_236, %lt3A_237 : i32
        %convert_element_type3A_239 = arith.extui %lt3A_238 : i1 to i32
        %cond3A_240 = arith.constant 0 : i32
        %cond3A_241 = arith.cmpi ne, %convert_element_type3A_239, %cond3A_240 : i32
        scf.if %cond3A_241 {
          %add3A_314 = arith.constant 1 : i32
          %add3A_315 = arith.addi %add3A_214, %add3A_314 : i32
          %jit3A = arith.constant 10 : i32
          %div3A = arith.divsi %add3A_315, %jit3A : i32
          %sign3A = arith.constant 0 : i32
          %sign3A_316 = arith.cmpi sgt, %add3A_315, %sign3A : i32
          %sign3A_317 = arith.extui %sign3A_316 : i1 to i32
          %sign3A_318 = arith.constant 0 : i32
          %sign3A_319 = arith.cmpi slt, %add3A_315, %sign3A_318 : i32
          %sign3A_320 = arith.extui %sign3A_319 : i1 to i32
          %sign3A_321 = arith.subi %sign3A_317, %sign3A_320 : i32
          %sign3A_322 = arith.constant 0 : i32
          %sign3A_323 = arith.cmpi sgt, %jit3A, %sign3A_322 : i32
          %sign3A_324 = arith.extui %sign3A_323 : i1 to i32
          %sign3A_325 = arith.constant 0 : i32
          %sign3A_326 = arith.cmpi slt, %jit3A, %sign3A_325 : i32
          %sign3A_327 = arith.extui %sign3A_326 : i1 to i32
          %sign3A_328 = arith.subi %sign3A_324, %sign3A_327 : i32
          %ne3A = arith.cmpi ne, %sign3A_321, %sign3A_328 : i32
          %rem3A = arith.remsi %add3A_315, %jit3A : i32
          %ne3A_329 = arith.constant 0 : i32
          %ne3A_330 = arith.cmpi ne, %rem3A, %ne3A_329 : i32
          %and3A_331 = arith.andi %ne3A, %ne3A_330 : i1
          %sub3A = arith.constant 1 : i32
          %sub3A_332 = arith.subi %div3A, %sub3A : i32
          %select_n3A = arith.select %and3A_331, %sub3A_332, %div3A : i32
          %and3A_333 = arith.constant 1 : i32
          %and3A_334 = arith.andi %select_n3A, %and3A_333 : i32
          %jit3A_335 = arith.constant 10 : i32
          %eq3A_336 = arith.constant 0 : i32
          %eq3A_337 = arith.cmpi eq, %jit3A_335, %eq3A_336 : i32
          %jit3A_338 = arith.constant 1 : i32
          %select_n3A_339 = arith.select %eq3A_337, %jit3A_338, %jit3A_335 : i32
          %rem3A_340 = arith.remsi %add3A_315, %select_n3A_339 : i32
          %ne3A_341 = arith.constant 0 : i32
          %ne3A_342 = arith.cmpi ne, %rem3A_340, %ne3A_341 : i32
          %lt3A_343 = arith.constant 0 : i32
          %lt3A_344 = arith.cmpi slt, %rem3A_340, %lt3A_343 : i32
          %lt3A_345 = arith.constant 0 : i32
          %lt3A_346 = arith.cmpi slt, %select_n3A_339, %lt3A_345 : i32
          %ne3A_347 = arith.xori %lt3A_344, %lt3A_346 : i1
          %and3A_348 = arith.andi %ne3A_347, %ne3A_342 : i1
          %add3A_349 = arith.addi %rem3A_340, %select_n3A_339 : i32
          %select_n3A_350 = arith.select %and3A_348, %add3A_349, %rem3A_340 : i32
          %dma_start3A_351 = arith.constant 0 : i32
          %dma_start3A_352 = arith.constant 0 : i32
          %dma_start3A_353 = arith.constant 0 : i32
          %dma_start3A_354 = tpu.memref_slice %arg9[%dma_start3A_351, %dma_start3A_352, %dma_start3A_353] : memref<2x125x64xbf16, #tpu.memory_space<vmem>> -> memref<1x125x64xbf16, #tpu.memory_space<vmem>>
          %dma_start3A_355 = tpu.memref_squeeze %dma_start3A_354 : memref<1x125x64xbf16, #tpu.memory_space<vmem>> -> memref<125x64xbf16, #tpu.memory_space<vmem>>
          %dma_start3A_356 = arith.constant 0 : i32
          %dma_start3A_357 = tpu.memref_slice %arg7[%and3A_334, %select_n3A_350, %dma_start3A_356] : memref<2x10x125xi32, #tpu.memory_space<vmem>> -> memref<1x1x125xi32, #tpu.memory_space<vmem>>
          %dma_start3A_358 = tpu.memref_squeeze %dma_start3A_357 : memref<1x1x125xi32, #tpu.memory_space<vmem>> -> memref<125xi32, #tpu.memory_space<vmem>>
          %dma_start3A_359 = arith.constant 0 : i32
          %dma_start3A_360 = arith.constant 0 : i32
          %dma_start3A_361 = tpu.memref_slice %arg2[%arg0, %dma_start3A_359, %dma_start3A_360] : memref<2x10000x64xbf16, #tpu.memory_space<hbm>> -> memref<1x10000x64xbf16, #tpu.memory_space<hbm>>
          %dma_start3A_362 = tpu.memref_squeeze %dma_start3A_361 : memref<1x10000x64xbf16, #tpu.memory_space<hbm>> -> memref<10000x64xbf16, #tpu.memory_space<hbm>>
          %dma_start3A_363 = arith.constant 0 : i32
          %dma_start3A_364 = arith.constant 0 : i32
          %dma_start3A_365 = tpu.memref_slice %dma_start3A_362[%dma_start3A_363, %dma_start3A_364] : memref<10000x64xbf16, #tpu.memory_space<hbm>> -> memref<10000x64xbf16, #tpu.memory_space<hbm>>
          tpu.enqueue_indirect_dma source(%dma_start3A_365 : memref<10000x64xbf16, #tpu.memory_space<hbm>>) target(%dma_start3A_355 : memref<125x64xbf16, #tpu.memory_space<vmem>>) offsets(%dma_start3A_358 : memref<125xi32, #tpu.memory_space<vmem>>) semaphore(%arg14 : memref<!tpu.dma_semaphore, #tpu.memory_space<semaphore_mem>>)
          %dma_start3A_366 = arith.constant 0 : i32
          %dma_start3A_367 = arith.constant 0 : i32
          %dma_start3A_368 = arith.constant 0 : i32
          %dma_start3A_369 = tpu.memref_slice %arg10[%dma_start3A_366, %dma_start3A_367, %dma_start3A_368] : memref<2x125x64xbf16, #tpu.memory_space<vmem>> -> memref<1x125x64xbf16, #tpu.memory_space<vmem>>
          %dma_start3A_370 = tpu.memref_squeeze %dma_start3A_369 : memref<1x125x64xbf16, #tpu.memory_space<vmem>> -> memref<125x64xbf16, #tpu.memory_space<vmem>>
          %dma_start3A_371 = arith.constant 0 : i32
          %dma_start3A_372 = tpu.memref_slice %arg8[%and3A_334, %select_n3A_350, %dma_start3A_371] : memref<2x10x125xi32, #tpu.memory_space<vmem>> -> memref<1x1x125xi32, #tpu.memory_space<vmem>>
          %dma_start3A_373 = tpu.memref_squeeze %dma_start3A_372 : memref<1x1x125xi32, #tpu.memory_space<vmem>> -> memref<125xi32, #tpu.memory_space<vmem>>
          %dma_start3A_374 = arith.constant 0 : i32
          %dma_start3A_375 = arith.constant 0 : i32
          %dma_start3A_376 = tpu.memref_slice %arg3[%arg0, %dma_start3A_374, %dma_start3A_375] : memref<2x10000x64xbf16, #tpu.memory_space<hbm>> -> memref<1x10000x64xbf16, #tpu.memory_space<hbm>>
          %dma_start3A_377 = tpu.memref_squeeze %dma_start3A_376 : memref<1x10000x64xbf16, #tpu.memory_space<hbm>> -> memref<10000x64xbf16, #tpu.memory_space<hbm>>
          %dma_start3A_378 = arith.constant 0 : i32
          %dma_start3A_379 = arith.constant 0 : i32
          %dma_start3A_380 = tpu.memref_slice %dma_start3A_377[%dma_start3A_378, %dma_start3A_379] : memref<10000x64xbf16, #tpu.memory_space<hbm>> -> memref<10000x64xbf16, #tpu.memory_space<hbm>>
          tpu.enqueue_indirect_dma source(%dma_start3A_380 : memref<10000x64xbf16, #tpu.memory_space<hbm>>) target(%dma_start3A_370 : memref<125x64xbf16, #tpu.memory_space<vmem>>) offsets(%dma_start3A_373 : memref<125xi32, #tpu.memory_space<vmem>>) semaphore(%arg14 : memref<!tpu.dma_semaphore, #tpu.memory_space<semaphore_mem>>)
          %dma_start3A_381 = arith.constant 0 : i32
          %dma_start3A_382 = arith.constant 0 : i32
          %dma_start3A_383 = arith.constant 0 : i32
          %dma_start3A_384 = tpu.memref_slice %arg11[%dma_start3A_381, %dma_start3A_382, %dma_start3A_383] : memref<2x125x64xbf16, #tpu.memory_space<vmem>> -> memref<1x125x64xbf16, #tpu.memory_space<vmem>>
          %dma_start3A_385 = tpu.memref_squeeze %dma_start3A_384 : memref<1x125x64xbf16, #tpu.memory_space<vmem>> -> memref<125x64xbf16, #tpu.memory_space<vmem>>
          %dma_start3A_386 = arith.constant 0 : i32
          %dma_start3A_387 = tpu.memref_slice %arg8[%and3A_334, %select_n3A_350, %dma_start3A_386] : memref<2x10x125xi32, #tpu.memory_space<vmem>> -> memref<1x1x125xi32, #tpu.memory_space<vmem>>
          %dma_start3A_388 = tpu.memref_squeeze %dma_start3A_387 : memref<1x1x125xi32, #tpu.memory_space<vmem>> -> memref<125xi32, #tpu.memory_space<vmem>>
          %dma_start3A_389 = arith.constant 0 : i32
          %dma_start3A_390 = arith.constant 0 : i32
          %dma_start3A_391 = tpu.memref_slice %arg4[%arg0, %dma_start3A_389, %dma_start3A_390] : memref<2x10000x64xbf16, #tpu.memory_space<hbm>> -> memref<1x10000x64xbf16, #tpu.memory_space<hbm>>
          %dma_start3A_392 = tpu.memref_squeeze %dma_start3A_391 : memref<1x10000x64xbf16, #tpu.memory_space<hbm>> -> memref<10000x64xbf16, #tpu.memory_space<hbm>>
          %dma_start3A_393 = arith.constant 0 : i32
          %dma_start3A_394 = arith.constant 0 : i32
          %dma_start3A_395 = tpu.memref_slice %dma_start3A_392[%dma_start3A_393, %dma_start3A_394] : memref<10000x64xbf16, #tpu.memory_space<hbm>> -> memref<10000x64xbf16, #tpu.memory_space<hbm>>
          tpu.enqueue_indirect_dma source(%dma_start3A_395 : memref<10000x64xbf16, #tpu.memory_space<hbm>>) target(%dma_start3A_385 : memref<125x64xbf16, #tpu.memory_space<vmem>>) offsets(%dma_start3A_388 : memref<125xi32, #tpu.memory_space<vmem>>) semaphore(%arg14 : memref<!tpu.dma_semaphore, #tpu.memory_space<semaphore_mem>>)
        } else {
        }
        %dma_wait3A_242 = arith.constant 0 : i32
        %dma_wait3A_243 = arith.constant 0 : i32
        %dma_wait3A_244 = arith.constant 1 : i32
        %dma_wait3A_245 = arith.constant 0 : i32
        %dma_wait3A_246 = arith.constant 0 : i32
        %dma_wait3A_247 = tpu.memref_slice %arg9[%dma_wait3A_244, %dma_wait3A_245, %dma_wait3A_246] : memref<2x125x64xbf16, #tpu.memory_space<vmem>> -> memref<1x125x64xbf16, #tpu.memory_space<vmem>>
        %dma_wait3A_248 = tpu.memref_squeeze %dma_wait3A_247 : memref<1x125x64xbf16, #tpu.memory_space<vmem>> -> memref<125x64xbf16, #tpu.memory_space<vmem>>
        %dma_wait3A_249 = arith.constant 0 : i32
        %dma_wait3A_250 = tpu.memref_slice %arg7[%dma_wait3A_242, %dma_wait3A_243, %dma_wait3A_249] : memref<2x10x125xi32, #tpu.memory_space<vmem>> -> memref<1x1x125xi32, #tpu.memory_space<vmem>>
        %dma_wait3A_251 = tpu.memref_squeeze %dma_wait3A_250 : memref<1x1x125xi32, #tpu.memory_space<vmem>> -> memref<125xi32, #tpu.memory_space<vmem>>
        %dma_wait3A_252 = arith.constant 0 : i32
        %dma_wait3A_253 = arith.constant 0 : i32
        %dma_wait3A_254 = tpu.memref_slice %arg2[%arg0, %dma_wait3A_252, %dma_wait3A_253] : memref<2x10000x64xbf16, #tpu.memory_space<hbm>> -> memref<1x10000x64xbf16, #tpu.memory_space<hbm>>
        %dma_wait3A_255 = tpu.memref_squeeze %dma_wait3A_254 : memref<1x10000x64xbf16, #tpu.memory_space<hbm>> -> memref<10000x64xbf16, #tpu.memory_space<hbm>>
        %dma_wait3A_256 = arith.constant 0 : i32
        %dma_wait3A_257 = arith.constant 0 : i32
        %dma_wait3A_258 = tpu.memref_slice %dma_wait3A_255[%dma_wait3A_256, %dma_wait3A_257] : memref<10000x64xbf16, #tpu.memory_space<hbm>> -> memref<10000x64xbf16, #tpu.memory_space<hbm>>
        tpu.wait_indirect_dma semaphore(%arg15 : memref<!tpu.dma_semaphore, #tpu.memory_space<semaphore_mem>>) src(%dma_wait3A_258 : memref<10000x64xbf16, #tpu.memory_space<hbm>>) dst(%dma_wait3A_248 : memref<125x64xbf16, #tpu.memory_space<vmem>>)
        %dma_wait3A_259 = arith.constant 0 : i32
        %dma_wait3A_260 = arith.constant 0 : i32
        %dma_wait3A_261 = arith.constant 1 : i32
        %dma_wait3A_262 = arith.constant 0 : i32
        %dma_wait3A_263 = arith.constant 0 : i32
        %dma_wait3A_264 = tpu.memref_slice %arg10[%dma_wait3A_261, %dma_wait3A_262, %dma_wait3A_263] : memref<2x125x64xbf16, #tpu.memory_space<vmem>> -> memref<1x125x64xbf16, #tpu.memory_space<vmem>>
        %dma_wait3A_265 = tpu.memref_squeeze %dma_wait3A_264 : memref<1x125x64xbf16, #tpu.memory_space<vmem>> -> memref<125x64xbf16, #tpu.memory_space<vmem>>
        %dma_wait3A_266 = arith.constant 0 : i32
        %dma_wait3A_267 = tpu.memref_slice %arg8[%dma_wait3A_259, %dma_wait3A_260, %dma_wait3A_266] : memref<2x10x125xi32, #tpu.memory_space<vmem>> -> memref<1x1x125xi32, #tpu.memory_space<vmem>>
        %dma_wait3A_268 = tpu.memref_squeeze %dma_wait3A_267 : memref<1x1x125xi32, #tpu.memory_space<vmem>> -> memref<125xi32, #tpu.memory_space<vmem>>
        %dma_wait3A_269 = arith.constant 0 : i32
        %dma_wait3A_270 = arith.constant 0 : i32
        %dma_wait3A_271 = tpu.memref_slice %arg3[%arg0, %dma_wait3A_269, %dma_wait3A_270] : memref<2x10000x64xbf16, #tpu.memory_space<hbm>> -> memref<1x10000x64xbf16, #tpu.memory_space<hbm>>
        %dma_wait3A_272 = tpu.memref_squeeze %dma_wait3A_271 : memref<1x10000x64xbf16, #tpu.memory_space<hbm>> -> memref<10000x64xbf16, #tpu.memory_space<hbm>>
        %dma_wait3A_273 = arith.constant 0 : i32
        %dma_wait3A_274 = arith.constant 0 : i32
        %dma_wait3A_275 = tpu.memref_slice %dma_wait3A_272[%dma_wait3A_273, %dma_wait3A_274] : memref<10000x64xbf16, #tpu.memory_space<hbm>> -> memref<10000x64xbf16, #tpu.memory_space<hbm>>
        tpu.wait_indirect_dma semaphore(%arg15 : memref<!tpu.dma_semaphore, #tpu.memory_space<semaphore_mem>>) src(%dma_wait3A_275 : memref<10000x64xbf16, #tpu.memory_space<hbm>>) dst(%dma_wait3A_265 : memref<125x64xbf16, #tpu.memory_space<vmem>>)
        %dma_wait3A_276 = arith.constant 0 : i32
        %dma_wait3A_277 = arith.constant 0 : i32
        %dma_wait3A_278 = arith.constant 1 : i32
        %dma_wait3A_279 = arith.constant 0 : i32
        %dma_wait3A_280 = arith.constant 0 : i32
        %dma_wait3A_281 = tpu.memref_slice %arg11[%dma_wait3A_278, %dma_wait3A_279, %dma_wait3A_280] : memref<2x125x64xbf16, #tpu.memory_space<vmem>> -> memref<1x125x64xbf16, #tpu.memory_space<vmem>>
        %dma_wait3A_282 = tpu.memref_squeeze %dma_wait3A_281 : memref<1x125x64xbf16, #tpu.memory_space<vmem>> -> memref<125x64xbf16, #tpu.memory_space<vmem>>
        %dma_wait3A_283 = arith.constant 0 : i32
        %dma_wait3A_284 = tpu.memref_slice %arg8[%dma_wait3A_276, %dma_wait3A_277, %dma_wait3A_283] : memref<2x10x125xi32, #tpu.memory_space<vmem>> -> memref<1x1x125xi32, #tpu.memory_space<vmem>>
        %dma_wait3A_285 = tpu.memref_squeeze %dma_wait3A_284 : memref<1x1x125xi32, #tpu.memory_space<vmem>> -> memref<125xi32, #tpu.memory_space<vmem>>
        %dma_wait3A_286 = arith.constant 0 : i32
        %dma_wait3A_287 = arith.constant 0 : i32
        %dma_wait3A_288 = tpu.memref_slice %arg4[%arg0, %dma_wait3A_286, %dma_wait3A_287] : memref<2x10000x64xbf16, #tpu.memory_space<hbm>> -> memref<1x10000x64xbf16, #tpu.memory_space<hbm>>
        %dma_wait3A_289 = tpu.memref_squeeze %dma_wait3A_288 : memref<1x10000x64xbf16, #tpu.memory_space<hbm>> -> memref<10000x64xbf16, #tpu.memory_space<hbm>>
        %dma_wait3A_290 = arith.constant 0 : i32
        %dma_wait3A_291 = arith.constant 0 : i32
        %dma_wait3A_292 = tpu.memref_slice %dma_wait3A_289[%dma_wait3A_290, %dma_wait3A_291] : memref<10000x64xbf16, #tpu.memory_space<hbm>> -> memref<10000x64xbf16, #tpu.memory_space<hbm>>
        tpu.wait_indirect_dma semaphore(%arg15 : memref<!tpu.dma_semaphore, #tpu.memory_space<semaphore_mem>>) src(%dma_wait3A_292 : memref<10000x64xbf16, #tpu.memory_space<hbm>>) dst(%dma_wait3A_282 : memref<125x64xbf16, #tpu.memory_space<vmem>>)
        %ge3A_293 = arith.constant 2 : i32
        %ge3A_294 = arith.cmpi sge, %add3A_214, %ge3A_293 : i32
        %convert_element_type3A_295 = arith.extui %ge3A_294 : i1 to i32
        %cond3A_296 = arith.constant 0 : i32
        %cond3A_297 = arith.cmpi ne, %convert_element_type3A_295, %cond3A_296 : i32
        scf.if %cond3A_297 {
          %dma_wait3A_314 = arith.constant 1 : i32
          %dma_wait3A_315 = arith.constant 0 : i32
          %dma_wait3A_316 = arith.constant 0 : i32
          %dma_wait3A_317 = arith.constant 0 : i32
          %dma_wait3A_318 = arith.constant 0 : i32
          %dma_wait3A_319 = tpu.memref_slice %arg12[%dma_wait3A_314, %dma_wait3A_317, %dma_wait3A_318] : memref<2x125x80xf32, #tpu.memory_space<vmem>> -> memref<1x125x80xf32, #tpu.memory_space<vmem>>
          %dma_wait3A_320 = tpu.memref_squeeze %dma_wait3A_319 : memref<1x125x80xf32, #tpu.memory_space<vmem>> -> memref<125x80xf32, #tpu.memory_space<vmem>>
          %dma_wait3A_321 = arith.constant 0 : i32
          %dma_wait3A_322 = tpu.memref_slice %arg7[%dma_wait3A_315, %dma_wait3A_316, %dma_wait3A_321] : memref<2x10x125xi32, #tpu.memory_space<vmem>> -> memref<1x1x125xi32, #tpu.memory_space<vmem>>
          %dma_wait3A_323 = tpu.memref_squeeze %dma_wait3A_322 : memref<1x1x125xi32, #tpu.memory_space<vmem>> -> memref<125xi32, #tpu.memory_space<vmem>>
          %dma_wait3A_324 = arith.constant 0 : i32
          %dma_wait3A_325 = arith.constant 0 : i32
          %dma_wait3A_326 = tpu.memref_slice %arg13[%dma_wait3A_324, %dma_wait3A_325] : memref<10240x80xf32, #tpu.memory_space<vmem_shared>> -> memref<10240x80xf32, #tpu.memory_space<vmem_shared>>
          tpu.wait_indirect_dma semaphore(%arg17 : memref<!tpu.dma_semaphore, #tpu.memory_space<semaphore_mem>>) src(%dma_wait3A_320 : memref<125x80xf32, #tpu.memory_space<vmem>>) dst(%dma_wait3A_326 : memref<10240x80xf32, #tpu.memory_space<vmem_shared>>)
        } else {
        }
        %parallel_loop3A_298 = arith.constant 0 : i32
        %parallel_loop3A_299 = arith.constant 125 : i32
        %parallel_loop3A_300 = arith.constant 1 : i32
        scf.for %parallel_loop3A_314 = %parallel_loop3A_298 to %parallel_loop3A_299 step %parallel_loop3A_300  : i32 {
          %parallel_loop3A_315 = arith.constant 1 : i32
          %parallel_loop3A_316 = arith.index_cast %parallel_loop3A_315 : i32 to index
          %parallel_loop3A_317 = arith.index_cast %parallel_loop3A_314 : i32 to index
          %parallel_loop3A_318 = arith.constant 0 : index
          %parallel_loop3A_319 = tpu.vector_load %arg9[%parallel_loop3A_316, %parallel_loop3A_317, %parallel_loop3A_318] {strides = array<i32>} : memref<2x125x64xbf16, #tpu.memory_space<vmem>>, vector<32xbf16>,
          %parallel_loop3A_320 = tpu.unpack_subelements %parallel_loop3A_319, 0 {pack_format = #tpu.pack_format<interleaved>} : vector<32xbf16> -> vector<16xf32>
          %parallel_loop3A_321 = tpu.unpack_subelements %parallel_loop3A_319, 1 {pack_format = #tpu.pack_format<interleaved>} : vector<32xbf16> -> vector<16xf32>
          %parallel_loop3A_322 = arith.constant 1 : i32
          %parallel_loop3A_323 = arith.index_cast %parallel_loop3A_322 : i32 to index
          %parallel_loop3A_324 = arith.index_cast %parallel_loop3A_314 : i32 to index
          %parallel_loop3A_325 = arith.constant 0 : index
          %parallel_loop3A_326 = tpu.vector_load %arg10[%parallel_loop3A_323, %parallel_loop3A_324, %parallel_loop3A_325] {strides = array<i32>} : memref<2x125x64xbf16, #tpu.memory_space<vmem>>, vector<32xbf16>,
          %parallel_loop3A_327 = tpu.unpack_subelements %parallel_loop3A_326, 0 {pack_format = #tpu.pack_format<interleaved>} : vector<32xbf16> -> vector<16xf32>
          %parallel_loop3A_328 = tpu.unpack_subelements %parallel_loop3A_326, 1 {pack_format = #tpu.pack_format<interleaved>} : vector<32xbf16> -> vector<16xf32>
          %parallel_loop3A_329 = arith.mulf %parallel_loop3A_320, %parallel_loop3A_327 : vector<16xf32>
          %parallel_loop3A_330 = arith.mulf %parallel_loop3A_321, %parallel_loop3A_328 : vector<16xf32>
          %parallel_loop3A_331 = arith.addf %parallel_loop3A_329, %parallel_loop3A_330 : vector<16xf32>
          %parallel_loop3A_332 = arith.constant 1 : i32
          %parallel_loop3A_333 = arith.index_cast %parallel_loop3A_332 : i32 to index
          %parallel_loop3A_334 = arith.index_cast %parallel_loop3A_314 : i32 to index
          %parallel_loop3A_335 = arith.constant 32 : index
          %parallel_loop3A_336 = tpu.vector_load %arg9[%parallel_loop3A_333, %parallel_loop3A_334, %parallel_loop3A_335] {strides = array<i32>} : memref<2x125x64xbf16, #tpu.memory_space<vmem>>, vector<32xbf16>,
          %parallel_loop3A_337 = tpu.unpack_subelements %parallel_loop3A_336, 0 {pack_format = #tpu.pack_format<interleaved>} : vector<32xbf16> -> vector<16xf32>
          %parallel_loop3A_338 = tpu.unpack_subelements %parallel_loop3A_336, 1 {pack_format = #tpu.pack_format<interleaved>} : vector<32xbf16> -> vector<16xf32>
          %parallel_loop3A_339 = arith.constant 1 : i32
          %parallel_loop3A_340 = arith.index_cast %parallel_loop3A_339 : i32 to index
          %parallel_loop3A_341 = arith.index_cast %parallel_loop3A_314 : i32 to index
          %parallel_loop3A_342 = arith.constant 32 : index
          %parallel_loop3A_343 = tpu.vector_load %arg10[%parallel_loop3A_340, %parallel_loop3A_341, %parallel_loop3A_342] {strides = array<i32>} : memref<2x125x64xbf16, #tpu.memory_space<vmem>>, vector<32xbf16>,
          %parallel_loop3A_344 = tpu.unpack_subelements %parallel_loop3A_343, 0 {pack_format = #tpu.pack_format<interleaved>} : vector<32xbf16> -> vector<16xf32>
          %parallel_loop3A_345 = tpu.unpack_subelements %parallel_loop3A_343, 1 {pack_format = #tpu.pack_format<interleaved>} : vector<32xbf16> -> vector<16xf32>
          %parallel_loop3A_346 = arith.mulf %parallel_loop3A_337, %parallel_loop3A_344 : vector<16xf32>
          %parallel_loop3A_347 = arith.mulf %parallel_loop3A_338, %parallel_loop3A_345 : vector<16xf32>
          %parallel_loop3A_348 = arith.addf %parallel_loop3A_346, %parallel_loop3A_347 : vector<16xf32>
          %parallel_loop3A_349 = arith.addf %parallel_loop3A_331, %parallel_loop3A_348 : vector<16xf32>
          %parallel_loop3A_350 = tpu.iota {dimensions = array<i32: 0>} : vector<16xi32>
          %parallel_loop3A_351 = arith.constant 8 : i32
          %parallel_loop3A_352 = vector.broadcast %parallel_loop3A_351 : i32 to vector<16xi32>
          %parallel_loop3A_353 = arith.addi %parallel_loop3A_350, %parallel_loop3A_352 : vector<16xi32>
          %parallel_loop3A_354 = arith.constant 15 : i32
          %parallel_loop3A_355 = vector.broadcast %parallel_loop3A_354 : i32 to vector<16xi32>
          %parallel_loop3A_356 = arith.andi %parallel_loop3A_353, %parallel_loop3A_355 : vector<16xi32>
          %parallel_loop3A_357 = vector.shape_cast %parallel_loop3A_356 : vector<16xi32> to vector<16x1xi32>
          %parallel_loop3A_358 = vector.shape_cast %parallel_loop3A_357 : vector<16x1xi32> to vector<16xi32>
          %parallel_loop3A_359 = tpu.dynamic_gather %parallel_loop3A_349[%parallel_loop3A_358] in [0] : vector<16xf32>, vector<16xi32> -> vector<16xf32>
          %parallel_loop3A_360 = arith.addf %parallel_loop3A_349, %parallel_loop3A_359 : vector<16xf32>
          %parallel_loop3A_361 = tpu.iota {dimensions = array<i32: 0>} : vector<16xi32>
          %parallel_loop3A_362 = arith.constant 4 : i32
          %parallel_loop3A_363 = vector.broadcast %parallel_loop3A_362 : i32 to vector<16xi32>
          %parallel_loop3A_364 = arith.addi %parallel_loop3A_361, %parallel_loop3A_363 : vector<16xi32>
          %parallel_loop3A_365 = arith.constant 15 : i32
          %parallel_loop3A_366 = vector.broadcast %parallel_loop3A_365 : i32 to vector<16xi32>
          %parallel_loop3A_367 = arith.andi %parallel_loop3A_364, %parallel_loop3A_366 : vector<16xi32>
          %parallel_loop3A_368 = vector.shape_cast %parallel_loop3A_367 : vector<16xi32> to vector<16x1xi32>
          %parallel_loop3A_369 = vector.shape_cast %parallel_loop3A_368 : vector<16x1xi32> to vector<16xi32>
          %parallel_loop3A_370 = tpu.dynamic_gather %parallel_loop3A_360[%parallel_loop3A_369] in [0] : vector<16xf32>, vector<16xi32> -> vector<16xf32>
          %parallel_loop3A_371 = arith.addf %parallel_loop3A_360, %parallel_loop3A_370 : vector<16xf32>
          %parallel_loop3A_372 = arith.constant 2.500000e-01 : f32
          %parallel_loop3A_373 = vector.broadcast %parallel_loop3A_372 : f32 to vector<16xf32>
          %parallel_loop3A_374 = arith.mulf %parallel_loop3A_371, %parallel_loop3A_373 : vector<16xf32>
          %parallel_loop3A_375 = math.exp %parallel_loop3A_374 : vector<16xf32>
          %parallel_loop3A_376 = arith.constant 1 : i32
          %parallel_loop3A_377 = arith.index_cast %parallel_loop3A_376 : i32 to index
          %parallel_loop3A_378 = arith.index_cast %parallel_loop3A_314 : i32 to index
          %parallel_loop3A_379 = arith.constant 64 : index
          %parallel_loop3A_380 = tpu.vector_load %arg12[%parallel_loop3A_377, %parallel_loop3A_378, %parallel_loop3A_379] {strides = array<i32>} : memref<2x125x80xf32, #tpu.memory_space<vmem>>, vector<16xf32>,
          tpu.vector_store %arg12[%parallel_loop3A_377, %parallel_loop3A_378, %parallel_loop3A_379], %parallel_loop3A_375 {strides = array<i32>} : memref<2x125x80xf32, #tpu.memory_space<vmem>>, vector<16xf32>,
          %parallel_loop3A_381 = arith.constant 1 : i32
          %parallel_loop3A_382 = arith.index_cast %parallel_loop3A_381 : i32 to index
          %parallel_loop3A_383 = arith.index_cast %parallel_loop3A_314 : i32 to index
          %parallel_loop3A_384 = arith.constant 0 : index
          %parallel_loop3A_385 = tpu.vector_load %arg11[%parallel_loop3A_382, %parallel_loop3A_383, %parallel_loop3A_384] {strides = array<i32>} : memref<2x125x64xbf16, #tpu.memory_space<vmem>>, vector<32xbf16>,
          %parallel_loop3A_386 = tpu.unpack_subelements %parallel_loop3A_385, 0 {pack_format = #tpu.pack_format<interleaved>} : vector<32xbf16> -> vector<16xf32>
          %parallel_loop3A_387 = tpu.unpack_subelements %parallel_loop3A_385, 1 {pack_format = #tpu.pack_format<interleaved>} : vector<32xbf16> -> vector<16xf32>
          %parallel_loop3A_388 = arith.mulf %parallel_loop3A_386, %parallel_loop3A_375 : vector<16xf32>
          %parallel_loop3A_389 = arith.constant 1 : i32
          %parallel_loop3A_390 = arith.index_cast %parallel_loop3A_389 : i32 to index
          %parallel_loop3A_391 = arith.index_cast %parallel_loop3A_314 : i32 to index
          %parallel_loop3A_392 = arith.constant 0 : index
          %parallel_loop3A_393 = tpu.vector_load %arg12[%parallel_loop3A_390, %parallel_loop3A_391, %parallel_loop3A_392] {strides = array<i32>} : memref<2x125x80xf32, #tpu.memory_space<vmem>>, vector<16xf32>,
          tpu.vector_store %arg12[%parallel_loop3A_390, %parallel_loop3A_391, %parallel_loop3A_392], %parallel_loop3A_388 {strides = array<i32>} : memref<2x125x80xf32, #tpu.memory_space<vmem>>, vector<16xf32>,
          %parallel_loop3A_394 = arith.mulf %parallel_loop3A_387, %parallel_loop3A_375 : vector<16xf32>
          %parallel_loop3A_395 = arith.constant 1 : i32
          %parallel_loop3A_396 = arith.index_cast %parallel_loop3A_395 : i32 to index
          %parallel_loop3A_397 = arith.index_cast %parallel_loop3A_314 : i32 to index
          %parallel_loop3A_398 = arith.constant 16 : index
          %parallel_loop3A_399 = tpu.vector_load %arg12[%parallel_loop3A_396, %parallel_loop3A_397, %parallel_loop3A_398] {strides = array<i32>} : memref<2x125x80xf32, #tpu.memory_space<vmem>>, vector<16xf32>,
          tpu.vector_store %arg12[%parallel_loop3A_396, %parallel_loop3A_397, %parallel_loop3A_398], %parallel_loop3A_394 {strides = array<i32>} : memref<2x125x80xf32, #tpu.memory_space<vmem>>, vector<16xf32>,
          %parallel_loop3A_400 = arith.constant 1 : i32
          %parallel_loop3A_401 = arith.index_cast %parallel_loop3A_400 : i32 to index
          %parallel_loop3A_402 = arith.index_cast %parallel_loop3A_314 : i32 to index
          %parallel_loop3A_403 = arith.constant 32 : index
          %parallel_loop3A_404 = tpu.vector_load %arg11[%parallel_loop3A_401, %parallel_loop3A_402, %parallel_loop3A_403] {strides = array<i32>} : memref<2x125x64xbf16, #tpu.memory_space<vmem>>, vector<32xbf16>,
          %parallel_loop3A_405 = tpu.unpack_subelements %parallel_loop3A_404, 0 {pack_format = #tpu.pack_format<interleaved>} : vector<32xbf16> -> vector<16xf32>
          %parallel_loop3A_406 = tpu.unpack_subelements %parallel_loop3A_404, 1 {pack_format = #tpu.pack_format<interleaved>} : vector<32xbf16> -> vector<16xf32>
          %parallel_loop3A_407 = arith.mulf %parallel_loop3A_405, %parallel_loop3A_375 : vector<16xf32>
          %parallel_loop3A_408 = arith.constant 1 : i32
          %parallel_loop3A_409 = arith.index_cast %parallel_loop3A_408 : i32 to index
          %parallel_loop3A_410 = arith.index_cast %parallel_loop3A_314 : i32 to index
          %parallel_loop3A_411 = arith.constant 32 : index
          %parallel_loop3A_412 = tpu.vector_load %arg12[%parallel_loop3A_409, %parallel_loop3A_410, %parallel_loop3A_411] {strides = array<i32>} : memref<2x125x80xf32, #tpu.memory_space<vmem>>, vector<16xf32>,
          tpu.vector_store %arg12[%parallel_loop3A_409, %parallel_loop3A_410, %parallel_loop3A_411], %parallel_loop3A_407 {strides = array<i32>} : memref<2x125x80xf32, #tpu.memory_space<vmem>>, vector<16xf32>,
          %parallel_loop3A_413 = arith.mulf %parallel_loop3A_406, %parallel_loop3A_375 : vector<16xf32>
          %parallel_loop3A_414 = arith.constant 1 : i32
          %parallel_loop3A_415 = arith.index_cast %parallel_loop3A_414 : i32 to index
          %parallel_loop3A_416 = arith.index_cast %parallel_loop3A_314 : i32 to index
          %parallel_loop3A_417 = arith.constant 48 : index
          %parallel_loop3A_418 = tpu.vector_load %arg12[%parallel_loop3A_415, %parallel_loop3A_416, %parallel_loop3A_417] {strides = array<i32>} : memref<2x125x80xf32, #tpu.memory_space<vmem>>, vector<16xf32>,
          tpu.vector_store %arg12[%parallel_loop3A_415, %parallel_loop3A_416, %parallel_loop3A_417], %parallel_loop3A_413 {strides = array<i32>} : memref<2x125x80xf32, #tpu.memory_space<vmem>>, vector<16xf32>,
        } {sc.loop_unroll_factor = 2 : i64, sc.parallel_access}
        %and3A_301 = arith.constant 1 : i32
        %and3A_302 = arith.andi %add3A_102, %and3A_301 : i32
        %dma_start3A_303 = arith.constant 1 : i32
        %dma_start3A_304 = arith.constant 0 : i32
        %dma_start3A_305 = arith.constant 0 : i32
        %dma_start3A_306 = tpu.memref_slice %arg12[%dma_start3A_303, %dma_start3A_304, %dma_start3A_305] : memref<2x125x80xf32, #tpu.memory_space<vmem>> -> memref<1x125x80xf32, #tpu.memory_space<vmem>>
        %dma_start3A_307 = tpu.memref_squeeze %dma_start3A_306 : memref<1x125x80xf32, #tpu.memory_space<vmem>> -> memref<125x80xf32, #tpu.memory_space<vmem>>
        %dma_start3A_308 = arith.constant 0 : i32
        %dma_start3A_309 = tpu.memref_slice %arg7[%and3A_302, %add3A_211, %dma_start3A_308] : memref<2x10x125xi32, #tpu.memory_space<vmem>> -> memref<1x1x125xi32, #tpu.memory_space<vmem>>
        %dma_start3A_310 = tpu.memref_squeeze %dma_start3A_309 : memref<1x1x125xi32, #tpu.memory_space<vmem>> -> memref<125xi32, #tpu.memory_space<vmem>>
        %dma_start3A_311 = arith.constant 0 : i32
        %dma_start3A_312 = arith.constant 0 : i32
        %dma_start3A_313 = tpu.memref_slice %arg13[%dma_start3A_311, %dma_start3A_312] : memref<10240x80xf32, #tpu.memory_space<vmem_shared>> -> memref<10240x80xf32, #tpu.memory_space<vmem_shared>>
        tpu.enqueue_indirect_dma source(%dma_start3A_307 : memref<125x80xf32, #tpu.memory_space<vmem>>) target(%dma_start3A_313 : memref<10240x80xf32, #tpu.memory_space<vmem_shared>>) offsets(%dma_start3A_310 : memref<125xi32, #tpu.memory_space<vmem>>) semaphore(%arg17 : memref<!tpu.dma_semaphore, #tpu.memory_space<semaphore_mem>>) {add = true}
      }
      %scan3A_107 = arith.constant 5 : i32
    }
    %scan3A_69 = arith.constant 16 : i32
    %dma_wait3A = arith.constant 0 : i32
    %dma_wait3A_70 = arith.constant 0 : i32
    %dma_wait3A_71 = arith.constant 0 : i32
    %dma_wait3A_72 = arith.constant 0 : i32
    %dma_wait3A_73 = arith.constant 0 : i32
    %dma_wait3A_74 = tpu.memref_slice %arg12[%dma_wait3A, %dma_wait3A_72, %dma_wait3A_73] : memref<2x125x80xf32, #tpu.memory_space<vmem>> -> memref<1x125x80xf32, #tpu.memory_space<vmem>>
    %dma_wait3A_75 = tpu.memref_squeeze %dma_wait3A_74 : memref<1x125x80xf32, #tpu.memory_space<vmem>> -> memref<125x80xf32, #tpu.memory_space<vmem>>
    %dma_wait3A_76 = arith.constant 0 : i32
    %dma_wait3A_77 = tpu.memref_slice %arg7[%dma_wait3A_70, %dma_wait3A_71, %dma_wait3A_76] : memref<2x10x125xi32, #tpu.memory_space<vmem>> -> memref<1x1x125xi32, #tpu.memory_space<vmem>>
    %dma_wait3A_78 = tpu.memref_squeeze %dma_wait3A_77 : memref<1x1x125xi32, #tpu.memory_space<vmem>> -> memref<125xi32, #tpu.memory_space<vmem>>
    %dma_wait3A_79 = arith.constant 0 : i32
    %dma_wait3A_80 = arith.constant 0 : i32
    %dma_wait3A_81 = tpu.memref_slice %arg13[%dma_wait3A_79, %dma_wait3A_80] : memref<10240x80xf32, #tpu.memory_space<vmem_shared>> -> memref<10240x80xf32, #tpu.memory_space<vmem_shared>>
    tpu.wait_indirect_dma semaphore(%arg16 : memref<!tpu.dma_semaphore, #tpu.memory_space<semaphore_mem>>) src(%dma_wait3A_75 : memref<125x80xf32, #tpu.memory_space<vmem>>) dst(%dma_wait3A_81 : memref<10240x80xf32, #tpu.memory_space<vmem_shared>>)
    %dma_wait3A_82 = arith.constant 1 : i32
    %dma_wait3A_83 = arith.constant 0 : i32
    %dma_wait3A_84 = arith.constant 0 : i32
    %dma_wait3A_85 = arith.constant 0 : i32
    %dma_wait3A_86 = arith.constant 0 : i32
    %dma_wait3A_87 = tpu.memref_slice %arg12[%dma_wait3A_82, %dma_wait3A_85, %dma_wait3A_86] : memref<2x125x80xf32, #tpu.memory_space<vmem>> -> memref<1x125x80xf32, #tpu.memory_space<vmem>>
    %dma_wait3A_88 = tpu.memref_squeeze %dma_wait3A_87 : memref<1x125x80xf32, #tpu.memory_space<vmem>> -> memref<125x80xf32, #tpu.memory_space<vmem>>
    %dma_wait3A_89 = arith.constant 0 : i32
    %dma_wait3A_90 = tpu.memref_slice %arg7[%dma_wait3A_83, %dma_wait3A_84, %dma_wait3A_89] : memref<2x10x125xi32, #tpu.memory_space<vmem>> -> memref<1x1x125xi32, #tpu.memory_space<vmem>>
    %dma_wait3A_91 = tpu.memref_squeeze %dma_wait3A_90 : memref<1x1x125xi32, #tpu.memory_space<vmem>> -> memref<125xi32, #tpu.memory_space<vmem>>
    %dma_wait3A_92 = arith.constant 0 : i32
    %dma_wait3A_93 = arith.constant 0 : i32
    %dma_wait3A_94 = tpu.memref_slice %arg13[%dma_wait3A_92, %dma_wait3A_93] : memref<10240x80xf32, #tpu.memory_space<vmem_shared>> -> memref<10240x80xf32, #tpu.memory_space<vmem_shared>>
    tpu.wait_indirect_dma semaphore(%arg17 : memref<!tpu.dma_semaphore, #tpu.memory_space<semaphore_mem>>) src(%dma_wait3A_88 : memref<125x80xf32, #tpu.memory_space<vmem>>) dst(%dma_wait3A_94 : memref<10240x80xf32, #tpu.memory_space<vmem_shared>>)
    %barrier3A_95 = arith.constant 0 : index
    tpu.barrier barrier_id(%barrier3A_95)
    %mul3A_96 = arith.constant 640 : i32
    %mul3A_97 = arith.muli %arg1, %mul3A_96 : i32
    "tpu.region"() ({
      %run_scoped3A_98 = tpu.sem_alloc : memref<!tpu.dma_semaphore, #tpu.memory_space<semaphore_mem>>
      %dma_start3A_99 = arith.constant 0 : i32
      %dma_start3A_100 = tpu.memref_slice %arg6[%arg0, %mul3A_97, %dma_start3A_99] : memref<2x10240x80xf32, #tpu.memory_space<hbm>> -> memref<1x640x80xf32, #tpu.memory_space<hbm>>
      %dma_start3A_101 = tpu.memref_squeeze %dma_start3A_100 : memref<1x640x80xf32, #tpu.memory_space<hbm>> -> memref<640x80xf32, #tpu.memory_space<hbm>>
      %dma_start3A_102 = arith.constant 0 : i32
      %dma_start3A_103 = tpu.memref_slice %arg13[%mul3A_97, %dma_start3A_102] : memref<10240x80xf32, #tpu.memory_space<vmem_shared>> -> memref<640x80xf32, #tpu.memory_space<vmem_shared>>
      tpu.enqueue_dma source(%dma_start3A_103 : memref<640x80xf32, #tpu.memory_space<vmem_shared>>) target(%dma_start3A_101 : memref<640x80xf32, #tpu.memory_space<hbm>>) target_semaphore(%run_scoped3A_98 : memref<!tpu.dma_semaphore, #tpu.memory_space<semaphore_mem>>)
      %dma_wait3A_104 = arith.constant 0 : i32
      %dma_wait3A_105 = tpu.memref_slice %arg6[%arg0, %mul3A_97, %dma_wait3A_104] : memref<2x10240x80xf32, #tpu.memory_space<hbm>> -> memref<1x640x80xf32, #tpu.memory_space<hbm>>
      %dma_wait3A_106 = tpu.memref_squeeze %dma_wait3A_105 : memref<1x640x80xf32, #tpu.memory_space<hbm>> -> memref<640x80xf32, #tpu.memory_space<hbm>>
      %dma_wait3A_107 = arith.constant 0 : i32
      %dma_wait3A_108 = tpu.memref_slice %arg13[%mul3A_97, %dma_wait3A_107] : memref<10240x80xf32, #tpu.memory_space<vmem_shared>> -> memref<640x80xf32, #tpu.memory_space<vmem_shared>>
      tpu.wait_dma2 semaphore(%run_scoped3A_98 : memref<!tpu.dma_semaphore, #tpu.memory_space<semaphore_mem>>) src(%dma_wait3A_108 : memref<640x80xf32, #tpu.memory_space<vmem_shared>>) dst(%dma_wait3A_106 : memref<640x80xf32, #tpu.memory_space<hbm>>)
      tpu.yield
    }) : () -> ()
    return
  }
}

module attributes {stable_mosaic.version = 14 : i64} {
  func.func @_proj_body(%arg0: i32, %arg1: i32, %arg2: memref<2000x128xf32, #tpu.memory_space<vmem>>, %arg3: memref<1x128x192xf32, #tpu.memory_space<vmem>>, %arg4: memref<1x1x192xf32, #tpu.memory_space<vmem>>, %arg5: memref<1x2000x64xbf16, #tpu.memory_space<vmem>>, %arg6: memref<1x2000x64xbf16, #tpu.memory_space<vmem>>, %arg7: memref<1x2000x64xbf16, #tpu.memory_space<vmem>>) attributes {dimension_semantics = [#tpu.dimension_semantics<arbitrary>, #tpu.dimension_semantics<arbitrary>], iteration_bounds = array<i64: 2, 5>, scalar_prefetch = 0 : i64, scratch_operands = 0 : i64, tpu.core_type = #tpu.core_type<tc>, window_params = [{transform_indices = @transform_0, window_bounds = array<i64: 2000, 128>}, {transform_indices = @transform_1, window_bounds = array<i64: 1, 128, 192>}, {transform_indices = @transform_2, window_bounds = array<i64: 1, 1, 192>}, {transform_indices = @transform_3, window_bounds = array<i64: 1, 2000, 64>}, {transform_indices = @transform_4, window_bounds = array<i64: 1, 2000, 64>}, {transform_indices = @transform_5, window_bounds = array<i64: 1, 2000, 64>}]} {
    %get3A = arith.constant 0 : index
    %get3A_0 = arith.constant 0 : index
    %get3A_1 = vector.load %arg2[%get3A, %get3A_0] : memref<2000x128xf32, #tpu.memory_space<vmem>>, vector<2000x128xf32>
    %get3A_2 = arith.constant 0 : index
    %get3A_3 = arith.constant 0 : index
    %get3A_4 = arith.constant 0 : index
    %get3A_5 = vector.load %arg3[%get3A_2, %get3A_3, %get3A_4] : memref<1x128x192xf32, #tpu.memory_space<vmem>>, vector<1x128x192xf32>
    %get3A_6 = vector.shape_cast %get3A_5 : vector<1x128x192xf32> to vector<128x192xf32>
    %dot_general3A = arith.constant dense<0.000000e+00> : vector<2000x192xf32>
    %dot_general3A_7 = tpu.matmul %get3A_1, %get3A_6, %dot_general3A {dimension_numbers = #tpu.dot_dimension_numbers<[1], [0], [0], [1], [0, 0, 1, 1], [], []>, transpose_lhs_hint = false} : vector<2000x128xf32>, vector<128x192xf32>, vector<2000x192xf32> -> vector<2000x192xf32>
    %get3A_8 = arith.constant 0 : index
    %get3A_9 = arith.constant 0 : index
    %get3A_10 = arith.constant 0 : index
    %get3A_11 = vector.load %arg4[%get3A_8, %get3A_9, %get3A_10] : memref<1x1x192xf32, #tpu.memory_space<vmem>>, vector<1x1x192xf32>
    %get3A_12 = vector.shape_cast %get3A_11 : vector<1x1x192xf32> to vector<1x192xf32>
    %add3A = vector.broadcast %get3A_12 : vector<1x192xf32> to vector<2000x192xf32>
    %add3A_13 = arith.addf %dot_general3A_7, %add3A : vector<2000x192xf32>
    %convert_element_type3A = arith.truncf %add3A_13 : vector<2000x192xf32> to vector<2000x192xbf16>
    %slice3A = vector.extract_strided_slice %convert_element_type3A {offsets = [0, 0], sizes = [2000, 64], strides = [1, 1]} : vector<2000x192xbf16> to vector<2000x64xbf16>
    %swap3A = arith.constant 0 : index
    %swap3A_14 = arith.constant 0 : index
    %swap3A_15 = arith.constant 0 : index
    %swap3A_16 = vector.load %arg5[%swap3A, %swap3A_14, %swap3A_15] : memref<1x2000x64xbf16, #tpu.memory_space<vmem>>, vector<1x2000x64xbf16>
    %swap3A_17 = vector.shape_cast %swap3A_16 : vector<1x2000x64xbf16> to vector<2000x64xbf16>
    %swap3A_18 = vector.shape_cast %slice3A : vector<2000x64xbf16> to vector<1x2000x64xbf16>
    tpu.vector_store %arg5[%swap3A, %swap3A_14, %swap3A_15], %swap3A_18 {strides = array<i32>} : memref<1x2000x64xbf16, #tpu.memory_space<vmem>>, vector<1x2000x64xbf16>,
    %slice3A_19 = vector.extract_strided_slice %convert_element_type3A {offsets = [0, 64], sizes = [2000, 64], strides = [1, 1]} : vector<2000x192xbf16> to vector<2000x64xbf16>
    %swap3A_20 = arith.constant 0 : index
    %swap3A_21 = arith.constant 0 : index
    %swap3A_22 = arith.constant 0 : index
    %swap3A_23 = vector.load %arg6[%swap3A_20, %swap3A_21, %swap3A_22] : memref<1x2000x64xbf16, #tpu.memory_space<vmem>>, vector<1x2000x64xbf16>
    %swap3A_24 = vector.shape_cast %swap3A_23 : vector<1x2000x64xbf16> to vector<2000x64xbf16>
    %swap3A_25 = vector.shape_cast %slice3A_19 : vector<2000x64xbf16> to vector<1x2000x64xbf16>
    tpu.vector_store %arg6[%swap3A_20, %swap3A_21, %swap3A_22], %swap3A_25 {strides = array<i32>} : memref<1x2000x64xbf16, #tpu.memory_space<vmem>>, vector<1x2000x64xbf16>,
    %slice3A_26 = vector.extract_strided_slice %convert_element_type3A {offsets = [0, 128], sizes = [2000, 64], strides = [1, 1]} : vector<2000x192xbf16> to vector<2000x64xbf16>
    %swap3A_27 = arith.constant 0 : index
    %swap3A_28 = arith.constant 0 : index
    %swap3A_29 = arith.constant 0 : index
    %swap3A_30 = vector.load %arg7[%swap3A_27, %swap3A_28, %swap3A_29] : memref<1x2000x64xbf16, #tpu.memory_space<vmem>>, vector<1x2000x64xbf16>
    %swap3A_31 = vector.shape_cast %swap3A_30 : vector<1x2000x64xbf16> to vector<2000x64xbf16>
    %swap3A_32 = vector.shape_cast %slice3A_26 : vector<2000x64xbf16> to vector<1x2000x64xbf16>
    tpu.vector_store %arg7[%swap3A_27, %swap3A_28, %swap3A_29], %swap3A_32 {strides = array<i32>} : memref<1x2000x64xbf16, #tpu.memory_space<vmem>>, vector<1x2000x64xbf16>,
    return
  }
  func.func @transform_0(%arg0: i32, %arg1: i32) -> (i32, i32) {
    %c0_i32 = arith.constant 0 : i32
    %c0_i32_0 = arith.constant 0 : i32
    return %arg1, %c0_i32 : i32, i32
  }
  func.func @transform_1(%arg0: i32, %arg1: i32) -> (i32, i32, i32) {
    %c0_i32 = arith.constant 0 : i32
    %c0_i32_0 = arith.constant 0 : i32
    %c0_i32_1 = arith.constant 0 : i32
    return %arg0, %c0_i32, %c0_i32_0 : i32, i32, i32
  }
  func.func @transform_2(%arg0: i32, %arg1: i32) -> (i32, i32, i32) {
    %c0_i32 = arith.constant 0 : i32
    %c0_i32_0 = arith.constant 0 : i32
    %c0_i32_1 = arith.constant 0 : i32
    return %arg0, %c0_i32, %c0_i32_0 : i32, i32, i32
  }
  func.func @transform_3(%arg0: i32, %arg1: i32) -> (i32, i32, i32) {
    %c0_i32 = arith.constant 0 : i32
    %c0_i32_0 = arith.constant 0 : i32
    return %arg0, %arg1, %c0_i32 : i32, i32, i32
  }
  func.func @transform_4(%arg0: i32, %arg1: i32) -> (i32, i32, i32) {
    %c0_i32 = arith.constant 0 : i32
    %c0_i32_0 = arith.constant 0 : i32
    return %arg0, %arg1, %c0_i32 : i32, i32, i32
  }
  func.func @transform_5(%arg0: i32, %arg1: i32) -> (i32, i32, i32) {
    %c0_i32 = arith.constant 0 : i32
    %c0_i32_0 = arith.constant 0 : i32
    return %arg0, %arg1, %c0_i32 : i32, i32, i32
  }
}

module attributes {stable_mosaic.version = 14 : i64} {
  func.func @_final_body(%arg0: i32, %arg1: memref<1x2000x80xf32, #tpu.memory_space<vmem>>, %arg2: memref<1x2000x80xf32, #tpu.memory_space<vmem>>, %arg3: memref<128x128xf32, #tpu.memory_space<vmem>>, %arg4: memref<1x128xf32, #tpu.memory_space<vmem>>, %arg5: memref<2000x128xf32, #tpu.memory_space<vmem>>) attributes {dimension_semantics = [#tpu.dimension_semantics<arbitrary>], iteration_bounds = array<i64: 5>, scalar_prefetch = 0 : i64, scratch_operands = 0 : i64, tpu.core_type = #tpu.core_type<tc>, window_params = [{transform_indices = @transform_0, window_bounds = array<i64: 1, 2000, 80>}, {transform_indices = @transform_1, window_bounds = array<i64: 1, 2000, 80>}, {pipeline_mode = #tpu.pipeline_mode<synchronous>, transform_indices = @transform_2, window_bounds = array<i64: 128, 128>}, {pipeline_mode = #tpu.pipeline_mode<synchronous>, transform_indices = @transform_3, window_bounds = array<i64: 1, 128>}, {transform_indices = @transform_4, window_bounds = array<i64: 2000, 128>}]} {
    %get3A = arith.constant 0 : index
    %get3A_0 = arith.constant 0 : index
    %get3A_1 = arith.constant 0 : index
    %get3A_2 = vector.load %arg1[%get3A, %get3A_0, %get3A_1] : memref<1x2000x80xf32, #tpu.memory_space<vmem>>, vector<1x2000x80xf32>
    %get3A_3 = vector.shape_cast %get3A_2 : vector<1x2000x80xf32> to vector<2000x80xf32>
    %get3A_4 = arith.constant 0 : index
    %get3A_5 = arith.constant 0 : index
    %get3A_6 = arith.constant 0 : index
    %get3A_7 = vector.load %arg2[%get3A_4, %get3A_5, %get3A_6] : memref<1x2000x80xf32, #tpu.memory_space<vmem>>, vector<1x2000x80xf32>
    %get3A_8 = vector.shape_cast %get3A_7 : vector<1x2000x80xf32> to vector<2000x80xf32>
    %slice3A = vector.extract_strided_slice %get3A_3 {offsets = [0, 64], sizes = [2000, 4], strides = [1, 1]} : vector<2000x80xf32> to vector<2000x4xf32>
    %tile3A = tpu.concatenate %slice3A, %slice3A, %slice3A, %slice3A, %slice3A, %slice3A, %slice3A, %slice3A, %slice3A, %slice3A, %slice3A, %slice3A, %slice3A, %slice3A, %slice3A, %slice3A in 1 : vector<2000x4xf32>, vector<2000x4xf32>, vector<2000x4xf32>, vector<2000x4xf32>, vector<2000x4xf32>, vector<2000x4xf32>, vector<2000x4xf32>, vector<2000x4xf32>, vector<2000x4xf32>, vector<2000x4xf32>, vector<2000x4xf32>, vector<2000x4xf32>, vector<2000x4xf32>, vector<2000x4xf32>, vector<2000x4xf32>, vector<2000x4xf32> -> vector<2000x64xf32>
    %slice3A_9 = vector.extract_strided_slice %get3A_8 {offsets = [0, 64], sizes = [2000, 4], strides = [1, 1]} : vector<2000x80xf32> to vector<2000x4xf32>
    %tile3A_10 = tpu.concatenate %slice3A_9, %slice3A_9, %slice3A_9, %slice3A_9, %slice3A_9, %slice3A_9, %slice3A_9, %slice3A_9, %slice3A_9, %slice3A_9, %slice3A_9, %slice3A_9, %slice3A_9, %slice3A_9, %slice3A_9, %slice3A_9 in 1 : vector<2000x4xf32>, vector<2000x4xf32>, vector<2000x4xf32>, vector<2000x4xf32>, vector<2000x4xf32>, vector<2000x4xf32>, vector<2000x4xf32>, vector<2000x4xf32>, vector<2000x4xf32>, vector<2000x4xf32>, vector<2000x4xf32>, vector<2000x4xf32>, vector<2000x4xf32>, vector<2000x4xf32>, vector<2000x4xf32>, vector<2000x4xf32> -> vector<2000x64xf32>
    %slice3A_11 = vector.extract_strided_slice %get3A_3 {offsets = [0, 0], sizes = [2000, 64], strides = [1, 1]} : vector<2000x80xf32> to vector<2000x64xf32>
    %add3A = arith.constant 1.000000e-16 : f32
    %add3A_12 = vector.broadcast %add3A : f32 to vector<2000x64xf32>
    %add3A_13 = arith.addf %tile3A, %add3A_12 : vector<2000x64xf32>
    %div3A = arith.divf %slice3A_11, %add3A_13 : vector<2000x64xf32>
    %slice3A_14 = vector.extract_strided_slice %get3A_8 {offsets = [0, 0], sizes = [2000, 64], strides = [1, 1]} : vector<2000x80xf32> to vector<2000x64xf32>
    %add3A_15 = arith.constant 1.000000e-16 : f32
    %add3A_16 = vector.broadcast %add3A_15 : f32 to vector<2000x64xf32>
    %add3A_17 = arith.addf %tile3A_10, %add3A_16 : vector<2000x64xf32>
    %div3A_18 = arith.divf %slice3A_14, %add3A_17 : vector<2000x64xf32>
    %get3A_19 = arith.constant 0 : index
    %get3A_20 = arith.constant 0 : index
    %get3A_21 = vector.load %arg3[%get3A_19, %get3A_20] : memref<128x128xf32, #tpu.memory_space<vmem>>, vector<64x128xf32>
    %dot_general3A = arith.constant dense<0.000000e+00> : vector<2000x128xf32>
    %dot_general3A_22 = tpu.matmul %div3A, %get3A_21, %dot_general3A {dimension_numbers = #tpu.dot_dimension_numbers<[1], [0], [0], [1], [0, 0, 1, 1], [], []>, transpose_lhs_hint = false} : vector<2000x64xf32>, vector<64x128xf32>, vector<2000x128xf32> -> vector<2000x128xf32>
    %get3A_23 = arith.constant 64 : index
    %get3A_24 = arith.constant 0 : index
    %get3A_25 = vector.load %arg3[%get3A_23, %get3A_24] : memref<128x128xf32, #tpu.memory_space<vmem>>, vector<64x128xf32>
    %dot_general3A_26 = arith.constant dense<0.000000e+00> : vector<2000x128xf32>
    %dot_general3A_27 = tpu.matmul %div3A_18, %get3A_25, %dot_general3A_26 {dimension_numbers = #tpu.dot_dimension_numbers<[1], [0], [0], [1], [0, 0, 1, 1], [], []>, transpose_lhs_hint = false} : vector<2000x64xf32>, vector<64x128xf32>, vector<2000x128xf32> -> vector<2000x128xf32>
    %add3A_28 = arith.addf %dot_general3A_22, %dot_general3A_27 : vector<2000x128xf32>
    %get3A_29 = arith.constant 0 : index
    %get3A_30 = arith.constant 0 : index
    %get3A_31 = vector.load %arg4[%get3A_29, %get3A_30] : memref<1x128xf32, #tpu.memory_space<vmem>>, vector<1x128xf32>
    %add3A_32 = vector.broadcast %get3A_31 : vector<1x128xf32> to vector<2000x128xf32>
    %add3A_33 = arith.addf %add3A_28, %add3A_32 : vector<2000x128xf32>
    %swap3A = arith.constant 0 : index
    %swap3A_34 = arith.constant 0 : index
    %swap3A_35 = vector.load %arg5[%swap3A, %swap3A_34] : memref<2000x128xf32, #tpu.memory_space<vmem>>, vector<2000x128xf32>
    tpu.vector_store %arg5[%swap3A, %swap3A_34], %add3A_33 {strides = array<i32>} : memref<2000x128xf32, #tpu.memory_space<vmem>>, vector<2000x128xf32>,
    return
  }
  func.func @transform_0(%arg0: i32) -> (i32, i32, i32) {
    %c0_i32 = arith.constant 0 : i32
    %c0_i32_0 = arith.constant 0 : i32
    %c0_i32_1 = arith.constant 0 : i32
    return %c0_i32, %arg0, %c0_i32_0 : i32, i32, i32
  }
  func.func @transform_1(%arg0: i32) -> (i32, i32, i32) {
    %c1_i32 = arith.constant 1 : i32
    %c0_i32 = arith.constant 0 : i32
    %c0_i32_0 = arith.constant 0 : i32
    return %c1_i32, %arg0, %c0_i32 : i32, i32, i32
  }
  func.func @transform_2(%arg0: i32) -> (i32, i32) {
    %c0_i32 = arith.constant 0 : i32
    %c0_i32_0 = arith.constant 0 : i32
    %c0_i32_1 = arith.constant 0 : i32
    return %c0_i32, %c0_i32_0 : i32, i32
  }
  func.func @transform_3(%arg0: i32) -> (i32, i32) {
    %c0_i32 = arith.constant 0 : i32
    %c0_i32_0 = arith.constant 0 : i32
    %c0_i32_1 = arith.constant 0 : i32
    return %c0_i32, %c0_i32_0 : i32, i32
  }
  func.func @transform_4(%arg0: i32) -> (i32, i32) {
    %c0_i32 = arith.constant 0 : i32
    %c0_i32_0 = arith.constant 0 : i32
    return %arg0, %c0_i32 : i32, i32
  }
}

</mosaic_0001>

<sc_bundles>
// kernel: kernel.5.cloned.1.call-start
scs
__scs_entry_jumppad:
0x0: {  	(pc) =	sbr.rel $0x88, $3  }
0x1: {  	(tag) =	ssettag $0x0;
	lr =	simm.s32 $0x1  }
0x2: {  	[smem:$0x3F99] =	sst lr;
	_ =	strace $0xD0000000  }
0x3: {  	_ = 	snop  }
0x4: {  	_ = 	snop  }
0x5: {  	_ = 	snop  }
0x6: {  	_ = 	snop  }
0x7: {  	_ = 	snop  }
__scs_overlays_trampoline_lowered:
0x8: {  	[smem:$0x3FA8] =	sst s0  }
0x9: {  	[smem:$0x3FA9] =	sst s1  }
0xa: {  	[smem:$0x3FAA] =	sst s2  }
0xb: {  	[smem:$0x3FAB] =	sst s3  }
0xc: {  	[smem:$0x3FAC] =	sst s4  }
0xd: {  	[smem:$0x3FAD] =	sst s5  }
0xe: {  	[smem:$0x3FAE] =	sst s6  }
0xf: {  	[smem:$0x3FAF] =	sst s7  }
0x10: {  	[smem:$0x3FB0] =	sst s8  }
0x11: {  	[smem:$0x3FB1] =	sst s9;
	s0 =	simm.s32 @!p0 $0x0  }
0x12: {  	s1 =	sld [smem:$0x3F97];
	s0 =	simm.s32 @p0 $0x1  }
0x13: {  	[smem:$0x3FB2] =	sst s0;
	s0 =	simm.s32 @!p1 $0x0  }
0x14: {  	s2 =	sld [smem:$0x3F96];
	s0 =	simm.s32 @p1 $0x1  }
0x15: {  	[smem:$0x3FB3] =	sst s0;
	s0 =	simm.s32 @!p2 $0x0  }
0x16: {  	s3 =	sld [smem:$0x3FDB];
	s0 =	simm.s32 @p2 $0x1  }
0x17: {  	s4 =	simm.s32 $0x1BF5;
	[smem:$0x3FB5] =	sst s0  }
0x18: {  	s0 =	sld [smem:$0x3F98];
	_ =	swait.ge [sflag:s4], $0x0  }
0x19: {  	s7 =	sld [smem:$0x3F99]  }
0x1a: {  	s8 =	sadd.s32 $0xFFFFE003, lr  }
0x1b: {  	s9 =	sadd.s32 $0xFFFFFEF7, lr;
	s5 =	simm.s32 $0xFFFFFFFF;
	p2 =	slt.u32 s8, $0xFFFFF086  }
0x1c: {  	p1 =	slt.u32 s9, $0xF7A;
	s5 =	simm.s32 @!p2 $0x0  }
0x1d: {  	s5 =	simm.s32 @p1 $0x1;
	p0 =	seq.s32 s7, s2  }
0x1e: {  	s7 =	smul.u32 @!p0 $0xF7A, s2;
	p2 =	seq.s32 @!p0 s5, $0x0  }
0x1f: {  	s9 =	smul.u32 $0xF7A, s1;
	s8 =	simm.s32 @!p0 $0x1BF5;
	p2 =	por !p2, p0  }
0x20: {  	[sflag:s8] =	ssyncset.s32 @!p0 $0xFFFFF086;
	s6 =	sadd.s32 @!p0 s3, s7;
	s7 =	simm.s32 @!p0 $0x108  }
0x21: {  	s3 =	sadd.s32 s3, s9;
	s6 =	sadd.s32 @!p0 $0x88, s6;
	s7 =	simm.s32 @p2 $0x1082  }
0x22: {  	[simem:s7], [sflag:s8] =	dma.local @!p0 [hbm:s6], $0xF7A  }
0x23: {  	s9 =	sor.u32 $0xD0000000, s2;
	s6 =	simm.s32 $0x108;
	_ =	swait.ge @!p0 [sflag:s8], $0x0  }
0x24: {  	s3 =	sadd.s32 $0x88, s3;
	s6 =	simm.s32 @!p1 $0x1082;
	[sflag:s4] =	ssyncset.s32 $0xFFFFF086  }
0x25: {  	[simem:s6], [sflag:s4] =	dma.local [hbm:s3], $0xF7A  }
0x26: {  	[smem:$0x3F99] =	sst s1;
	(tag) =	ssettag s2;
	_ =	strace s9  }
0x27: {  	s1 =	sld [smem:$0x3FA9]  }
0x28: {  	s2 =	sld [smem:$0x3FAA]  }
0x29: {  	s4 =	sld [smem:$0x3FAC]  }
0x2a: {  	p0 =	seq.s32 s5, $0x0;
	s5 =	sld [smem:$0x3FAD]  }
0x2b: {  	s6 =	sld [smem:$0x3FAE]  }
0x2c: {  	s7 =	sld [smem:$0x3FAF]  }
0x2d: {  	s3 =	simm.s32 $0x108;
	s8 =	sld [smem:$0x3FB0]  }
0x2e: {  	s3 =	simm.s32 @!p0 $0x1082;
	s9 =	sld [smem:$0x3FB1]  }
0x2f: {  	lr =	sadd.s32 s0, s3;
	s0 =	sld [smem:$0x3FA8]  }
0x30: {  	s3 =	sld [smem:$0x3FAB]  }
0x31: {  	[smem:$0x3FB4] =	sst s10  }
0x32: {  	s10 =	sld [smem:$0x3FB2];
	_ =	sdelay $0x3  }
0x33: {  	p0 =	seq.s32 s10, $0x1;
	s10 =	sld [smem:$0x3FB4];
	_ =	sdelay $0x3  }
0x34: {  	[smem:$0x3FB4] =	sst s10  }
0x35: {  	s10 =	sld [smem:$0x3FB3];
	_ =	sdelay $0x3  }
0x36: {  	p1 =	seq.s32 s10, $0x1;
	s10 =	sld [smem:$0x3FB4];
	_ =	sdelay $0x3  }
0x37: {  	[smem:$0x3FB4] =	sst s10  }
0x38: {  	s10 =	sld [smem:$0x3FB5]  }
0x39: {  	_ = 	snop;
	(pc) =	sbr.ind lr, $3  }
0x3a: {  	_ = 	snop  }
0x3b: {  	_ = 	snop  }
0x3c: {  	p2 =	seq.s32 s10, $0x1;
	s10 =	sld [smem:$0x3FB4]  }
0x3d: {  	_ =	shalt  }
0x3e: {  	_ =	shalt  }
0x3f: {  	_ =	shalt  }
0x40: {  	_ =	shalt  }
0x41: {  	_ =	shalt  }
0x42: {  	_ =	shalt  }
0x43: {  	_ =	shalt  }
0x44: {  	_ =	shalt  }
0x45: {  	_ =	shalt  }
0x46: {  	_ =	shalt  }
0x47: {  	_ =	shalt  }
0x48: {  	_ =	shalt  }
0x49: {  	_ =	shalt  }
0x4a: {  	_ =	shalt  }
0x4b: {  	_ =	shalt  }
0x4c: {  	_ =	shalt  }
0x4d: {  	_ =	shalt  }
0x4e: {  	_ =	shalt  }
0x4f: {  	_ =	shalt  }
0x50: {  	_ =	shalt  }
0x51: {  	_ =	shalt  }
0x52: {  	_ =	shalt  }
0x53: {  	_ =	shalt  }
0x54: {  	_ =	shalt  }
0x55: {  	_ =	shalt  }
0x56: {  	_ =	shalt  }
0x57: {  	_ =	shalt  }
0x58: {  	_ =	shalt  }
0x59: {  	_ =	shalt  }
0x5a: {  	_ =	shalt  }
0x5b: {  	_ =	shalt  }
0x5c: {  	_ =	shalt  }
0x5d: {  	_ =	shalt  }
0x5e: {  	_ =	shalt  }
0x5f: {  	_ =	shalt  }
0x60: {  	_ =	shalt  }
0x61: {  	_ =	shalt  }
0x62: {  	_ =	shalt  }
0x63: {  	_ =	shalt  }
0x64: {  	_ =	shalt  }
0x65: {  	_ =	shalt  }
0x66: {  	_ =	shalt  }
0x67: {  	_ =	shalt  }
0x68: {  	_ =	shalt  }
0x69: {  	_ =	shalt  }
0x6a: {  	_ =	shalt  }
0x6b: {  	_ =	shalt  }
0x6c: {  	_ =	shalt  }
0x6d: {  	_ =	shalt  }
0x6e: {  	_ =	shalt  }
0x6f: {  	_ =	shalt  }
0x70: {  	_ =	shalt  }
0x71: {  	_ =	shalt  }
0x72: {  	_ =	shalt  }
0x73: {  	_ =	shalt  }
0x74: {  	_ =	shalt  }
0x75: {  	_ =	shalt  }
0x76: {  	_ =	shalt  }
0x77: {  	_ =	shalt  }
0x78: {  	_ =	shalt  }
0x79: {  	_ =	shalt  }
0x7a: {  	_ =	shalt  }
0x7b: {  	_ =	shalt  }
0x7c: {  	_ =	shalt  }
0x7d: {  	_ =	shalt  }
0x7e: {  	_ =	shalt  }
0x7f: {  	_ =	shalt  }
0x80: {  	_ =	shalt  }
0x81: {  	_ =	shalt  }
0x82: {  	_ =	shalt  }
0x83: {  	_ =	shalt  }
0x84: {  	_ =	shalt  }
0x85: {  	_ =	shalt  }
0x86: {  	_ =	shalt  }
0x87: {  	_ =	shalt  }
.Lfunc_end0:
.L_simem_size_0:
called_computation_lowered:
.L_overlay_start_0:
0x88: {  	s2 =	sld [smem:$0x3FD9]  }
0x89: {  	s3 =	sld [smem:$0x3FFE];
	_ =	sdelay $0x1  }
0x8a: {  	s1 =	srdreg.scid  }
0x8b: {  	s0 =	sand.u32 $0x1, s1  }
0x8c: {  	s17 =	sshll.u32 s0, $0xA;
	s2 =	sadd.s32 s3, s2  }
0x8d: {  	s2 =	sadd.s32 s2, s17  }
0x8e: {  	[smem:$0x3FC0] =	sst s2  }
0x8f: {  	_ = 	snop  }
0x90: {  	s2 =	sld [smem:$0x3FD0];
	(tm) =	ssettm $0x1  }
0x91: {  	s18 =	sld [smem:$0x3FFB];
	_ =	sdelay $0x3  }
0x92: {  	_ =	strace s18  }
0x93: {  	s3 =	sld [smem:$0x3FFC];
	_ =	sdelay $0x3  }
0x94: {  	_ =	strace s3  }
0x95: {  	s3 =	sld [smem:$0x3FFD];
	_ =	sdelay $0x3  }
0x96: {  	_ =	strace s3  }
0x97: {  	_ =	strace $0x8FFFFFFF  }
0x98: {  	s19 =	sld [smem:$0x3FDB];
	_ =	sdelay $0x1  }
0x99: {  	s4 =	simm.s32 $_scs_section_size  }
0x9a: {  	s5 =	simm.s32 $_size__tile_overlayer_lowered;
	s6 =	simm.s32 $_tile_overlayer_lowered  }
0x9b: {  	s22 =	simm.s32 $0x1BFF;
	s21 =	sshll.u32 s6, $0x1;
	s3 =	sadd.s32 s4, s19  }
0x9c: {  	s7 =	simm.s32 $0x0;
	s20 =	sshll.u32 s5, $0x1;
	s5 =	sadd.s32 s21, s3  }
0x9d: {  	[timem:s7], [sflag:s22] =	dma.local [hbm:s5], s20  }
0x9e: {  	_ =	swait.ge [sflag:s22], s20  }
0x9f: {  	s4 =	ssub.s32 $0x0, s20;
	[sflag:s22] =	ssyncset.done $0x0  }
0xa0: {  	[sflag:s22] =	ssyncadd.s32 s4;
	_ =	sdelay $0x1  }
0xa1: {  	s23 =	simm.s32 $0x1B8B  }
0xa2: {  	_ =	swait.ge [sflag:s23], $0x1  }
0xa3: {  	[sflag:s23] =	ssyncset.done $0x0  }
0xa4: {  	s25 =	simm.s32 $0x1B8E;
	s24 =	sld [smem:$0x3FFE];
	[sflag:s23] =	ssyncadd.s32 $0xFFFFFFFF  }
0xa5: {  	s26 =	simm.s32 $execute0_lowered;
	[smem:$0x3FD2] =	sst s25  }
0xa6: {  	s5 =	sshll.u32 s26, $0x1;
	_ =	strace $0x80000046;
	[dreg:$0x1] =	wrdreg $0xFFFFFFFF  }
0xa7: {  	s28 =	simm.s32 $_size_execute0_lowered;
	s3 =	sadd.s32 s3, s5;
	[dreg:$0x0] =	wrdreg $0x0  }
0xa8: {  	s5 =	sshll.u32 s28, $0x1;
	[dreg:$0x2] =	wrdreg s3  }
0xa9: {  	[dreg:$0x3] =	wrdreg s5  }
0xaa: {  	[dreg:$0x4] =	wrdreg $0xC0  }
0xab: {  	_ =	task [dreg:s7], $0x5FFFF  }
0xac: {  	[dreg:$0x1] =	wrdreg $0xFFFFFFFF  }
0xad: {  	[dreg:$0x0] =	wrdreg $0x60  }
0xae: {  	[dreg:$0x2] =	wrdreg s24  }
0xaf: {  	[dreg:$0x3] =	wrdreg s2  }
0xb0: {  	[dreg:$0x4] =	wrdreg $0xBFE00  }
0xb1: {  	[dreg:$0x5] =	wrdreg $0x9  }
0xb2: {  	_ =	task.clear_ibuf [dreg:s7], $0x6FFFF;
	_ =	strace $0x90000046  }
0xb3: {  	s29 =	simm.s32 $0x9;
	_ =	strace $0x80000048  }
0xb4: {  	_ =	swait.ge [sflag:s29], $0x1  }
0xb5: {  	[sflag:s29] =	ssyncadd.s32 $0xFFFFFFFF  }
0xb6: {  	_ =	strace $0x90000048  }
0xb7: {  	_ =	sfence  }
0xb8: {  	s30 =	sld [smem:$0x0];
	_ =	sdelay $0x2  }
0xb9: {  	s31 =	sshll.u32 s1, $0xD;
	s1 =	sshrl.u32 s1, $0x2  }
0xba: {  	s3 =	sand.u32 $0x4000, s31;
	s1 =	sadd.s32 s1, s30  }
0xbb: {  	s0 =	sor.u32 s3, s0;
	s1 =	sshll.u32 s1, $0x11  }
0xbc: {  	s0 =	sor.u32 s1, s0  }
0xbd: {  	s0 =	sadd.s32 $0x8F2B, s0  }
0xbe: {  	[sflag:s0] =	ssyncadd.remote.s32 $0x1  }
0xbf: {  	_ =	sfence.sel $0xFFFF  }
0xc0: {  	[dreg:$0x0] =	wrdreg $0xFFFFFFFF;
	(pc) =	sbr.abs _section_cstart, $3  }
0xc1: {  	[dreg:$0x1] =	wrdreg $0xFFFFFFFF  }
0xc2: {  	_ =	task.clear_ibuf [dreg:s7], $0x2FFFF;
	_ =	strace $0x9FFFFFFF  }
0xc3: {  	(tm) =	ssettm $0x7FFFFFFF  }
tec
execute0_lowered:
.L_overlay_start_1:
0x0: {  	(tag) =	ssettag $0x1  }
0x1: {  	s0 =	rddreg [dreg:$0x0]  }
0x2: {  	s8 =	rddreg [dreg:$0x1]  }
0x3: {  	s1 =	srdreg.scid;
	s7 =	stileid.u32  }
0x4: {  	s3 =	rddreg [dreg:$0x2];
	s9 =	simm.s32 $0x0;
	s4 =	smul.u32 $0xC800, s7  }
0x5: {  	s22 =	simm.s32 $0x7D;
	s29 =	simm.s32 $0x42E0;
	s6 =	smul.u32 $0x32000, s7  }
0x6: {  	s30 =	simm.s32 $0x6220;
	s1 =	sand.u32 $0x1, s1;
	s7 =	smul.u32 $0x5000, s7  }
0x7: {  	s31 =	simm.s32 $0x1;
	s28 =	simm.s32 $0x71C0;
	s2 =	smul.u32 $0xC8000, s1  }
0x8: {  	[smem:$0x7FF] =	sst s9;
	s5 =	smul.u32 $0x9C40, s1;
	s1 =	ssub.s32 $0x2, s1  }
0x9: {  	_ =	strace $0x80000047;
	s17 =	sshrl.u32 s6, $0x2;
	s18 =	sshrl.u32 s1, $0x1  }
0xa: {  	[dreg:$0x5] =	wrdreg s7;
	s19 =	sshrl.u32 s7, $0x3;
	s13 =	sadd.s32 s17, s3  }
0xb: {  	s1 =	ssub.s32 s1, s18;
	s20 =	sadd.s32 $0xC350, s13;
	[dreg:$0x6] =	wrdreg s13  }
0xc: {  	s21 =	sadd.s32 s4, s3;
	s1 =	smax.u32 s1, $0x1;
	[dreg:$0x7] =	wrdreg s20  }
0xd: {  	s2 =	sadd.s32 s4, s2;
	s23 =	sadd.s32 $0x2710, s13;
	[dreg:$0xb] =	wrdreg s1  }
0xe: {  	v0 =	vimm.s32 $0x3210FEDC;
	v1 =	vimm.s32 $0xBA987654;
	s5 =	sadd.s32 s5, s0;
	s24 =	sadd.s32 $0x4E20, s13;
	[dreg:$0xc] =	wrdreg s23  }
0xf: {  	v2 =	vimm.s32 $0xFEDCBA98;
	v0 =	vunpack.c.l.s4.s8 v0;
	v1 =	vunpack.c.l.s4.s8 v1;
	s2 =	sshrl.u32 s2, $0x3;
	s25 =	sadd.s32 $0x7530, s13;
	[dreg:$0xd] =	wrdreg s24  }
0x10: {  	v3 =	vimm.s32 $0x76543210;
	v2 =	vunpack.c.l.s4.s8 v2;
	s10 =	sadd.s32 $0x1E00, s5;
	s26 =	sadd.s32 $0x9C40, s13;
	[dreg:$0xe] =	wrdreg s25  }
0x11: {  	v3 =	vunpack.c.l.s4.s8 v3;
	v0 =	vunpack.c.0.s8.s32 v0;
	v1 =	vunpack.c.0.s8.s32 v1;
	s0 =	sadd.s32 s2, s0;
	s2 =	sadd.s32 s8, s19;
	[dreg:$0xf] =	wrdreg s26  }
0x12: {  	v2 =	vunpack.c.0.s8.s32 v2;
	s11 =	sadd.s32 $0x29200, s5;
	[dreg:$0x8] =	wrdreg s2;
	s2 =	sadd.s32 $0xA000, s2  }
0x13: {  	v3 =	vunpack.c.0.s8.s32 v3;
	s12 =	sadd.s32 $0x15800, s5;
	v0 =	vcombine.low v1, v0;
	s0 =	sadd.s32 $0x3CC00, s0;
	[dreg:$0x9] =	wrdreg s2  }
0x14: {  	s5 =	simm.s32 $0x6;
	v2 =	vand.u32 $0xF, v2;
	[dreg:$0xa] =	wrdreg s0;
	s0 =	sshrl.u32 s21, $0x3  }
0x15: {  	v1 =	vimm.f32 $0.0e+00;
	v2 =	vcombine.low v2, v3;
	s23 =	simm.s32 $0x98D0;
	v3 =	vand.u32 $0xF, v0;
	[dreg:$0x10] =	wrdreg s0;
	s0 =	simm.s32 $0x2  }
.LBB2_1:
0x16: {  	[dreg:$0x4] =	wrdreg s9;
	s2 =	simm.s32 $0x140;
	s1 =	simm.s32 $0x0  }
.LBB2_2:
0x17: {  	p0 =	sne.s32 s2, $0x9B00;
	[tilespmem:s1+$0x7200] =	vst v1;
	s4 =	smov.u32 s2;
	s2 =	sadd.s32 $0x140, s2  }
.Ltmp0:
0x18: {  	[tilespmem:s1+$0x71F0] =	vst v1;
	(pc) =	sbr.rel @p0 .LBB2_2-.Ltmp0, $4  }
0x19: {  	[tilespmem:s1+$0x71E0] =	vst v1  }
0x1a: {  	[tilespmem:s1+$0x71C0] =	vst v1  }
0x1b: {  	[tilespmem:s1+$0x71D0] =	vst v1  }
0x1c: {  	s1 =	sshra.s32 s4, $0x2  }
0x1d: {  	[tilespmem:s1+$0x7200] =	vst v1  }
0x1e: {  	[tilespmem:s1+$0x71F0] =	vst v1  }
0x1f: {  	[tilespmem:s1+$0x71E0] =	vst v1  }
0x20: {  	[tilespmem:s1+$0x71C0] =	vst v1  }
0x21: {  	[tilespmem:s1+$0x71D0] =	vst v1;
	s13 =	rddreg [dreg:$0x6];
	s2 =	simm.s32 $0x71C0  }
0x22: {  	[spmem:s13] =	stream.linear.scatter [tilespmem:s2], [sflag:$0x6], $0x2710, $0x38;
	[tilespmem:$0x187E0] =	vst v63  }
0x23: {  	_ =	swait.ge [sflag:s5], $0x2710  }
0x24: {  	[sflag:s5] =	ssyncset.done $0x0  }
0x25: {  	s14 =	rddreg [dreg:$0xc];
	[sflag:s5] =	ssyncadd.s32 $0xFFFFD8F0  }
0x26: {  	[spmem:s14] =	stream.linear.scatter [tilespmem:s2], [sflag:$0x6], $0x2710, $0x38;
	[tilespmem:$0x187E0] =	vst v63  }
0x27: {  	_ =	swait.ge [sflag:s5], $0x2710  }
0x28: {  	[sflag:s5] =	ssyncset.done $0x0  }
0x29: {  	s15 =	rddreg [dreg:$0xd];
	[sflag:s5] =	ssyncadd.s32 $0xFFFFD8F0  }
0x2a: {  	[spmem:s15] =	stream.linear.scatter [tilespmem:s2], [sflag:$0x6], $0x2710, $0x38;
	[tilespmem:$0x187E0] =	vst v63  }
0x2b: {  	_ =	swait.ge [sflag:s5], $0x2710  }
0x2c: {  	[sflag:s5] =	ssyncset.done $0x0  }
0x2d: {  	s16 =	rddreg [dreg:$0xe];
	[sflag:s5] =	ssyncadd.s32 $0xFFFFD8F0  }
0x2e: {  	[spmem:s16] =	stream.linear.scatter [tilespmem:s2], [sflag:$0x6], $0x2710, $0x38;
	[tilespmem:$0x187E0] =	vst v63  }
0x2f: {  	_ =	swait.ge [sflag:s5], $0x2710  }
0x30: {  	[sflag:s5] =	ssyncset.done $0x0  }
0x31: {  	s17 =	rddreg [dreg:$0xf];
	[sflag:s5] =	ssyncadd.s32 $0xFFFFD8F0  }
0x32: {  	[spmem:s17] =	stream.linear.scatter [tilespmem:s2], [sflag:$0x6], $0x2710, $0x38;
	[tilespmem:$0x187E0] =	vst v63  }
0x33: {  	_ =	swait.ge [sflag:s5], $0x2710  }
0x34: {  	[sflag:s5] =	ssyncset.done $0x0  }
0x35: {  	s18 =	rddreg [dreg:$0x7];
	[sflag:s5] =	ssyncadd.s32 $0xFFFFD8F0  }
0x36: {  	[spmem:s18] =	stream.linear.scatter [tilespmem:s2], [sflag:$0x6], $0x4B0, $0x38;
	[tilespmem:$0x187E0] =	vst v63  }
0x37: {  	_ =	swait.ge [sflag:s5], $0x4B0  }
0x38: {  	[sflag:s5] =	ssyncset.done $0x0  }
0x39: {  	[sflag:s5] =	ssyncadd.s32 $0xFFFFFB50  }
0x3a: {  	[bflag:$0x0] =	sbarrier.arrive $0xFFFF  }
0x3b: {  	s4 =	simm.s32 $0x0;
	s19 =	rddreg [dreg:$0x9]  }
0x3c: {  	[tilespmem:s4], [sflag:$0x6] =	stream.linear.gather [hbm4b:s19+s4], $0x500, $0x38;
	[tilespmem:$0x187E0] =	vst v63  }
0x3d: {  	_ =	swait.ge [sflag:s5], $0x500  }
0x3e: {  	[sflag:s5] =	ssyncset.done $0x0  }
0x3f: {  	s21 =	simm.s32 $0xA00;
	s20 =	rddreg [dreg:$0x8];
	[sflag:s5] =	ssyncadd.s32 $0xFFFFFB00  }
0x40: {  	[tilespmem:s21], [sflag:$0x6] =	stream.linear.gather [hbm4b:s20+s4], $0x500, $0x38;
	[tilespmem:$0x187E0] =	vst v63  }
0x41: {  	_ =	swait.ge [sflag:s5], $0x500  }
0x42: {  	[sflag:s5] =	ssyncset.done $0x0  }
0x43: {  	s24 =	simm.s32 $0x1400;
	[sflag:s5] =	ssyncadd.s32 $0xFFFFFB00  }
0x44: {  	[tilespmem:s24], [sflag:$0x1] =	stream.indirect.gather [hbm4b:s10+s22], $0x20, s4, s22, $0xb8;
	[tilespmem:$0x187E0] =	vst v63  }
0x45: {  	s25 =	simm.s32 $0x3340  }
0x46: {  	[tilespmem:s25], [sflag:$0x1] =	stream.indirect.gather [hbm4b:s11+s22], $0x20, s21, s22, $0xb8;
	[tilespmem:$0x187E0] =	vst v63  }
0x47: {  	s26 =	simm.s32 $0x5280  }
0x48: {  	[tilespmem:s26], [sflag:$0x1] =	stream.indirect.gather [hbm4b:s12+s22], $0x20, s21, s22, $0xb8;
	[tilespmem:$0x187E0] =	vst v63  }
.LBB2_4:
0x49: {  	s1 =	smov.u32 s4  }
0x4a: {  	s5 =	sadd.s32 $0x1, s4;
	s21 =	rddreg [dreg:$0x5];
	s9 =	simm.s32 $0x500  }
0x4b: {  	s25 =	rddreg [dreg:$0x1];
	s16 =	simm.s32 $0x500;
	s2 =	smul.u32 $0x500, s5  }
0x4c: {  	s17 =	simm.s32 $0x0;
	s7 =	smul.u32 $0xA, s1;
	s24 =	sand.u32 $0x1, s5  }
0x4d: {  	[dreg:$0x11] =	wrdreg s5;
	p0 =	seq.s32 s24, $0x1;
	s2 =	sadd.s32 s21, s2  }
0x4e: {  	s26 =	sand.u32 $0x1, s1;
	s9 =	simm.s32 @!p0 $0x0;
	s2 =	sshrl.u32 s2, $0x3  }
0x4f: {  	p0 =	seq.s32 s26, $0x1;
	s15 =	sor.u32 $0xA00, s9;
	s13 =	sadd.s32 s25, s2  }
0x50: {  	s16 =	simm.s32 @!p0 $0x0;
	p0 =	seq.s32 s1, $0xF;
	s14 =	sadd.s32 $0xA000, s13  }
.LBB2_5:
0x51: {  	p1 =	sne.s32 @!p0 s17, $0x1;
	s18 =	sshll.u32 s17, $0x1  }
0x52: {  	p1 =	por p1, p0;
	s1 =	sadd.s32 s7, s18  }
0x53: {  	s2 =	simm.s32 @!p1 $0x0;
	s4 =	sor.u32 $0x1, s1  }
0x54: {  	[tilespmem:s9], [sflag:$0x5] =	stream.linear.gather @!p1 [hbm4b:s14+s2], $0x500, $0x38;
	[tilespmem:$0x187E0] =	vst v63  }
0x55: {  	s5 =	sand.u32 $0xFF, s4  }
0x56: {  	s5 =	smul.u32 $0xCD, s5  }
0x57: {  	[tilespmem:s15], [sflag:$0x5] =	stream.linear.gather @!p1 [hbm4b:s13+s2], $0x500, $0x38;
	[tilespmem:$0x187E0] =	vst v63  }
0x58: {  	s21 =	smul.u32 $0xCD, s1;
	s5 =	sshrl.u32 s5, $0xB  }
0x59: {  	s5 =	smul.u32 $0xA, s5  }
0x5a: {  	s2 =	sshrl.u32 s21, $0xB  }
0x5b: {  	s2 =	sand.u32 $0x1, s2;
	s4 =	ssub.s32 s4, s5  }
0x5c: {  	p1 =	seq.s32 s2, $0x1;
	s2 =	simm.s32 $0x500;
	s4 =	sand.u32 $0xFF, s4  }
0x5d: {  	s2 =	simm.s32 @!p1 $0x0;
	s4 =	sshll.u32 s4, $0x7  }
0x5e: {  	s24 =	simm.s32 $0x23A0;
	s2 =	sadd.s32 s2, s4  }
0x5f: {  	[tilespmem:s24], [sflag:$0x2] =	stream.indirect.gather [hbm4b:s10+s22], $0x20, s2, s22, $0xb8;
	[tilespmem:$0x187E0] =	vst v63  }
0x60: {  	s2 =	sadd.s32 $0xA00, s2  }
0x61: {  	[tilespmem:s29], [sflag:$0x2] =	stream.indirect.gather [hbm4b:s11+s22], $0x20, s2, s22, $0xb8;
	[tilespmem:$0x187E0] =	vst v63  }
0x62: {  	_ = 	snop  }
0x63: {  	[tilespmem:s30], [sflag:$0x2] =	stream.indirect.gather [hbm4b:s12+s22], $0x20, s2, s22, $0xb8;
	[tilespmem:$0x187E0] =	vst v63  }
0x64: {  	_ =	swait.ge [sflag:s31], $0xFA0  }
0x65: {  	[sflag:s31] =	ssyncset.done $0x0  }
0x66: {  	[sflag:s31] =	ssyncadd.s32 $0xFFFFF060  }
0x67: {  	_ =	swait.ge [sflag:s31], $0xFA0  }
0x68: {  	[sflag:s31] =	ssyncset.done $0x0  }
0x69: {  	[sflag:s31] =	ssyncadd.s32 $0xFFFFF060  }
0x6a: {  	_ =	swait.ge [sflag:s31], $0xFA0  }
0x6b: {  	p1 =	seq.s32 s1, $0x0;
	[sflag:s31] =	ssyncset.done $0x0  }
0x6c: {  	s1 =	simm.s32 @!p1 $0x3;
	[sflag:s31] =	ssyncadd.s32 $0xFFFFF060  }
0x6d: {  	_ =	swait.ge @!p1 [sflag:s1], $0x2710  }
0x6e: {  	[sflag:s1] =	ssyncset.done @!p1 $0x0  }
0x6f: {  	s25 =	simm.s32 $0x3360;
	[sflag:s1] =	ssyncadd.s32 @!p1 $0xFFFFD8F0  }
0x70: {  	v4 =	vld [tilespmem:s25+$0x0]  }
0x71: {  	s26 =	simm.s32 $0x1420;
	v5 =	vld [tilespmem:s25+$0x10]  }
0x72: {  	v6 =	vld [tilespmem:s26+$0x10]  }
0x73: {  	v7 =	vld [tilespmem:s26+$0x0];
	_ =	sdelay $0x1  }
0x74: {  	v11 =	vld [tilespmem:s26+$0xFFFFFFF0]  }
0x75: {  	v9 =	vld [tilespmem:s25+$0xFFFFFFE0];
	v10 =	vunpack.i.l.bf16.f32 v5  }
0x76: {  	v13 =	vld [tilespmem:s25+$0xFFFFFFF0];
	v12 =	vunpack.i.u.bf16.f32 v4;
	v4 =	vunpack.i.l.bf16.f32 v4;
	v5 =	vunpack.i.u.bf16.f32 v5  }
0x77: {  	v8 =	vld [tilespmem:s26+$0xFFFFFFE0];
	v14 =	vunpack.i.l.bf16.f32 v6;
	v15 =	vunpack.i.l.bf16.f32 v7;
	v7 =	vunpack.i.u.bf16.f32 v7  }
0x78: {  	s4 =	simm.s32 $0x33A0;
	v6 =	vunpack.i.u.bf16.f32 v6;
	v4 =	vmul.f32 v4, v15;
	v7 =	vmul.f32 v12, v7  }
0x79: {  	v17 =	vld [tilespmem:s4+$0x0];
	v16 =	vunpack.i.l.bf16.f32 v11;
	v10 =	vmul.f32 v10, v14;
	v5 =	vmul.f32 v5, v6  }
0x7a: {  	s2 =	simm.s32 $0x1460;
	v11 =	vunpack.i.u.bf16.f32 v11;
	v12 =	vunpack.i.l.bf16.f32 v9;
	v15 =	vld [tilespmem:s4+$0xFFFFFFE0];
	v4 =	vadd.f32 v4, v7  }
0x7b: {  	v6 =	vld [tilespmem:s2+$0xFFFFFFE0];
	v5 =	vadd.f32 v10, v5;
	v10 =	vunpack.i.u.bf16.f32 v13;
	v13 =	vunpack.i.l.bf16.f32 v13  }
0x7c: {  	v14 =	vunpack.i.l.bf16.f32 v8;
	v8 =	vunpack.i.u.bf16.f32 v8;
	v7 =	vld [tilespmem:s4+$0x10];
	v13 =	vmul.f32 v13, v16  }
0x7d: {  	v10 =	vmul.f32 v10, v11;
	v4 =	vadd.f32 v5, v4;
	v5 =	vunpack.i.u.bf16.f32 v9  }
0x7e: {  	v20 =	vunpack.i.u.bf16.f32 v17;
	v11 =	vld [tilespmem:s2+$0xFFFFFFF0];
	v9 =	vmul.f32 v12, v14;
	v5 =	vmul.f32 v5, v8  }
0x7f: {  	v12 =	vld [tilespmem:s2+$0x10];
	v8 =	vadd.f32 v13, v10;
	v14 =	vunpack.i.u.bf16.f32 v15;
	v15 =	vunpack.i.l.bf16.f32 v15  }
0x80: {  	v13 =	vld [tilespmem:s2+$0x0];
	v19 =	vunpack.i.l.bf16.f32 v6;
	v6 =	vunpack.i.u.bf16.f32 v6;
	v10 =	vperm.xlane v4, v2  }
0x81: {  	v18 =	vld [tilespmem:s4+$0xFFFFFFF0];
	v6 =	vmul.f32 v14, v6;
	v16 =	vunpack.i.l.bf16.f32 v7;
	v7 =	vunpack.i.u.bf16.f32 v7  }
0x82: {  	v5 =	vadd.f32 v9, v5;
	v9 =	vmul.f32 v15, v19;
	v4 =	vadd.f32 v4, v10  }
0x83: {  	v10 =	vunpack.i.l.bf16.f32 v17;
	v17 =	vunpack.i.l.bf16.f32 v11;
	v11 =	vunpack.i.u.bf16.f32 v11  }
0x84: {  	v21 =	vunpack.i.l.bf16.f32 v12;
	v12 =	vunpack.i.u.bf16.f32 v12;
	v22 =	vperm.xlane v4, v3  }
0x85: {  	s5 =	simm.s32 $0x14A0;
	v23 =	vunpack.i.u.bf16.f32 v13;
	v13 =	vunpack.i.l.bf16.f32 v13;
	v7 =	vmul.f32 v7, v12  }
0x86: {  	s6 =	simm.s32 $0x33E0;
	v12 =	vld [tilespmem:s5+$0xFFFFFFE0];
	v10 =	vmul.f32 v10, v13;
	v13 =	vmul.f32 v16, v21;
	v16 =	vunpack.i.u.bf16.f32 v18  }
0x87: {  	v20 =	vmul.f32 v20, v23;
	v18 =	vunpack.i.l.bf16.f32 v18;
	v21 =	vld [tilespmem:s6+$0xFFFFFFE0];
	v4 =	vadd.f32 v4, v22  }
0x88: {  	v17 =	vmul.f32 v18, v17;
	v11 =	vmul.f32 v16, v11;
	v16 =	vld [tilespmem:s6+$0x0]  }
0x89: {  	v10 =	vadd.f32 v10, v20;
	v7 =	vadd.f32 v13, v7;
	v13 =	vld [tilespmem:s6+$0x10];
	v4 =	vmul.f32 $2.500000000e-01, v4  }
0x8a: {  	v6 =	vadd.f32 v9, v6  }
0x8b: {  	v11 =	vadd.f32 v17, v11;
	v7 =	vadd.f32 v7, v10;
	v10 =	vld [tilespmem:s5+$0x10];
	v4 =	vmul.f32 $1.442695020e+00, v4  }
0x8c: {  	v17 =	vld [tilespmem:s5+$0xFFFFFFF0];
	v19 =	vunpack.i.l.bf16.f32 v12;
	v14 =	vunpack.i.u.bf16.f32 v21;
	v15 =	vunpack.i.l.bf16.f32 v21  }
0x8d: {  	v21 =	vld [tilespmem:s6+$0xFFFFFFF0];
	(erf) = vpow2.f32 v4;
	v4 =	vadd.f32 v8, v5;
	v8 =	vperm.xlane v7, v2  }
0x8e: {  	v6 =	vadd.f32 v11, v6;
	v22 =	vunpack.i.u.bf16.f32 v16;
	v5 =	vld [tilespmem:s5+$0x0];
	v18 =	vunpack.i.l.bf16.f32 v13  }
0x8f: {  	v20 =	vperm.xlane v4, v2;
	v7 =	vadd.f32 v7, v8;
	v8 =	vunpack.i.u.bf16.f32 v12  }
0x90: {  	v12 =	vunpack.i.u.bf16.f32 v13;
	v13 =	vunpack.i.l.bf16.f32 v10;
	v10 =	vunpack.i.u.bf16.f32 v10  }
0x91: {  	v16 =	vunpack.i.l.bf16.f32 v16;
	v13 =	vmul.f32 v18, v13;
	v10 =	vmul.f32 v12, v10  }
0x92: {  	s8 =	simm.s32 $0x14E0;
	v12 =	vunpack.i.l.bf16.f32 v17;
	v18 =	vunpack.i.u.bf16.f32 v21;
	v21 =	vunpack.i.l.bf16.f32 v21  }
0x93: {  	v23 =	vperm.xlane v7, v3;
	v12 =	vmul.f32 v21, v12;
	v21 =	vld [tilespmem:s8+$0x0];
	v24 =	vunpack.i.l.bf16.f32 v5  }
0x94: {  	s19 =	simm.s32 $0x3420;
	v5 =	vunpack.i.u.bf16.f32 v5;
	v10 =	vadd.f32 v13, v10;
	v13 =	vunpack.i.u.bf16.f32 v17  }
0x95: {  	v17 =	vld [tilespmem:s19+$0x0];
	v16 =	vmul.f32 v16, v24;
	v7 =	vadd.f32 v7, v23;
	v5 =	vmul.f32 v22, v5  }
0x96: {  	v15 =	vmul.f32 v15, v19;
	v4 =	vadd.f32 v4, v20;
	v23 =	vld [tilespmem:s19+$0xFFFFFFE0];
	v13 =	vmul.f32 v18, v13  }
0x97: {  	v8 =	vmul.f32 v14, v8;
	v7 =	vmul.f32 $2.500000000e-01, v7;
	v5 =	vadd.f32 v16, v5  }
0x98: {  	v22 =	vld [tilespmem:s8+$0xFFFFFFE0];
	v9 =	vadd.f32 v12, v13;
	v13 =	vperm.xlane v4, v3;
	v26 =	vunpack.i.u.bf16.f32 v21  }
0x99: {  	v14 =	vld [tilespmem:s8+$0x10];
	v21 =	vunpack.i.l.bf16.f32 v21;
	v7 =	vmul.f32 $1.442695020e+00, v7;
	v5 =	vadd.f32 v10, v5  }
0x9a: {  	v16 =	vld [tilespmem:s19+$0x10];
	v4 =	vadd.f32 v4, v13;
	v13 =	vunpack.i.u.bf16.f32 v17;
	v17 =	vunpack.i.l.bf16.f32 v17  }
0x9b: {  	v11 =	vunpack.i.u.bf16.f32 v23;
	v18 =	vunpack.i.l.bf16.f32 v23;
	v23 =	vperm.xlane v6, v2  }
0x9c: {  	v8 =	vadd.f32 v15, v8;
	v17 =	vmul.f32 v17, v21;
	v13 =	vmul.f32 v13, v26  }
0x9d: {  	v10 =	vld [tilespmem:s8+$0xFFFFFFF0];
	v20 =	vunpack.i.l.bf16.f32 v22;
	(erf) = vpow2.f32 v7;
	v12 =	vperm.xlane v5, v2  }
0x9e: {  	v15 =	vadd.f32 v9, v8;
	v4 =	vmul.f32 $2.500000000e-01, v4;
	v18 =	vmul.f32 v18, v20  }
0x9f: {  	v7 =	vld [tilespmem:s19+$0xFFFFFFF0];
	v20 =	vunpack.i.l.bf16.f32 v14;
	v14 =	vunpack.i.u.bf16.f32 v14;
	v19 =	vunpack.i.l.bf16.f32 v16  }
0xa0: {  	v16 =	vunpack.i.u.bf16.f32 v16;
	v13 =	vadd.f32 v17, v13;
	v17 =	vunpack.i.u.bf16.f32 v22  }
0xa1: {  	s21 =	simm.s32 $0x3460;
	v5 =	vadd.f32 v5, v12;
	v19 =	vmul.f32 v19, v20;
	v14 =	vmul.f32 v16, v14  }
0xa2: {  	v6 =	vadd.f32 v6, v23;
	v20 =	vld [tilespmem:s21+$0xFFFFFFE0];
	v4 =	vmul.f32 $1.442695020e+00, v4;
	v24 =	vunpack.i.l.bf16.f32 v10  }
0xa3: {  	s20 =	simm.s32 $0x1520;
	v10 =	vunpack.i.u.bf16.f32 v10;
	v25 =	vperm.xlane v5, v3;
	v14 =	vadd.f32 v19, v14  }
0xa4: {  	v16 =	vld [tilespmem:s20+$0xFFFFFFE0];
	(erf) = vpow2.f32 v4;
	v12 =	vunpack.i.u.bf16.f32 v7;
	v7 =	vunpack.i.l.bf16.f32 v7  }
0xa5: {  	v4 =	vld [tilespmem:s20+$0xFFFFFFF0];
	v5 =	vadd.f32 v5, v25;
	v7 =	vmul.f32 v7, v24;
	v10 =	vmul.f32 v12, v10  }
0xa6: {  	v12 =	vld [tilespmem:s21+$0x10];
	v13 =	vadd.f32 v14, v13;
	v14 =	vmul.f32 v11, v17;
	v11 =	vperm.xlane v6, v3  }
0xa7: {  	v17 =	vunpack.i.u.bf16.f32 v20;
	v8 =	vunpack.i.l.bf16.f32 v20;
	v20 =	vld [tilespmem:s20+$0x10];
	v5 =	vmul.f32 $2.500000000e-01, v5  }
0xa8: {  	v22 =	vperm.xlane v15, v2;
	v6 =	vadd.f32 v6, v11  }
0xa9: {  	v7 =	vadd.f32 v7, v10;
	v10 =	vperm.xlane v13, v2;
	v5 =	vmul.f32 $1.442695020e+00, v5  }
0xaa: {  	v21 =	vld [tilespmem:s21+$0x0];
	v9 =	vunpack.i.l.bf16.f32 v16;
	v24 =	vunpack.i.l.bf16.f32 v4;
	v25 =	vmul.f32 $2.500000000e-01, v6  }
0xab: {  	v10 =	vadd.f32 v13, v10;
	v19 =	vunpack.i.l.bf16.f32 v12;
	(erf) = vpow2.f32 v5;
	v5 =	vld [tilespmem:s21+$0xFFFFFFF0]  }
0xac: {  	v12 =	vunpack.i.u.bf16.f32 v12;
	v6 =	vpop (erf);
	v13 =	vunpack.i.l.bf16.f32 v20;
	v20 =	vunpack.i.u.bf16.f32 v20  }
0xad: {  	v23 =	vld [tilespmem:s20+$0x0];
	v27 =	vunpack.i.u.bf16.f32 v4;
	v4 =	vpop (erf);
	v12 =	vmul.f32 v12, v20;
	v20 =	vmul.f32 $1.442695020e+00, v25  }
0xae: {  	s26 =	simm.s32 $0x1560;
	s6 =	simm.s32 $0x7210;
	v15 =	vadd.f32 v15, v22;
	v16 =	vunpack.i.u.bf16.f32 v16;
	v9 =	vmul.f32 v8, v9;
	v8 =	vpop (erf)  }
0xaf: {  	s24 =	simm.s32 $0x52A0;
	v11 =	vunpack.i.u.bf16.f32 v21;
	v21 =	vunpack.i.l.bf16.f32 v21;
	[tilespmem:s6+$0xFFFFFFF0] =	vst v8;
	(erf) = vpow2.f32 v20;
	v20 =	vld [tilespmem:s26+$0xFFFFFFE0]  }
0xb0: {  	v13 =	vmul.f32 v19, v13;
	v28 =	vld [tilespmem:s24+$0xFFFFFFE0];
	v26 =	vunpack.i.u.bf16.f32 v5;
	v5 =	vunpack.i.l.bf16.f32 v5  }
0xb1: {  	v14 =	vadd.f32 v18, v14;
	v5 =	vmul.f32 v5, v24;
	v24 =	vperm.xlane v10, v3  }
0xb2: {  	v26 =	vmul.f32 v26, v27;
	v27 =	vunpack.i.u.bf16.f32 v23;
	v23 =	vunpack.i.l.bf16.f32 v23  }
0xb3: {  	s25 =	simm.s32 $0x34A0;
	v12 =	vadd.f32 v13, v12;
	v21 =	vmul.f32 v21, v23;
	v19 =	vmul.f32 v11, v27  }
0xb4: {  	[tilespmem:s6+$0x40] =	vst v6;
	v11 =	vmul.f32 v17, v16;
	v16 =	vld [tilespmem:s25+$0xFFFFFFE0];
	v24 =	vadd.f32 v10, v24;
	v10 =	vadd.f32 v5, v26  }
0xb5: {  	v5 =	vld [tilespmem:s24+$0x0];
	v25 =	vunpack.i.l.bf16.f32 v20;
	v17 =	vadd.f32 v21, v19;
	v21 =	vunpack.i.u.bf16.f32 v28  }
0xb6: {  	v22 =	vunpack.i.l.bf16.f32 v28;
	v28 =	vadd.f32 v7, v14;
	v14 =	vperm.xlane v15, v3  }
0xb7: {  	v18 =	vld [tilespmem:s26+$0xFFFFFFF0];
	v20 =	vunpack.i.u.bf16.f32 v20;
	v23 =	vmul.f32 $2.500000000e-01, v24;
	v12 =	vadd.f32 v12, v17  }
0xb8: {  	v26 =	vld [tilespmem:s26+$0x10];
	v17 =	vmul.f32 v8, v21;
	v30 =	vperm.xlane v28, v2;
	v14 =	vadd.f32 v15, v14  }
0xb9: {  	v13 =	vmul.f32 $1.442695020e+00, v23;
	v23 =	vld [tilespmem:s25+$0x0];
	v7 =	vunpack.i.u.bf16.f32 v16;
	v16 =	vunpack.i.l.bf16.f32 v16  }
0xba: {  	v19 =	vld [tilespmem:s25+$0x10];
	v21 =	vunpack.i.l.bf16.f32 v5;
	v32 =	vmul.f32 $2.500000000e-01, v14;
	v15 =	vmul.f32 v16, v25  }
0xbb: {  	v24 =	vld [tilespmem:s25+$0xFFFFFFF0];
	v5 =	vunpack.i.u.bf16.f32 v5;
	(erf) = vpow2.f32 v13;
	v13 =	vmul.f32 v8, v22  }
0xbc: {  	[tilespmem:s6+$0xFFFFFFC0] =	vst v17;
	v14 =	vmul.f32 v7, v20;
	v5 =	vmul.f32 v6, v5  }
0xbd: {  	v31 =	vld [tilespmem:s26+$0x0];
	v16 =	vunpack.i.l.bf16.f32 v26;
	v22 =	vperm.xlane v12, v2;
	v21 =	vmul.f32 v6, v21;
	[tilespmem:s6+$0xFFFFFFB0] =	vst v13  }
0xbe: {  	v35 =	vunpack.i.u.bf16.f32 v26;
	v7 =	vpop (erf);
	[tilespmem:s6+$0x10] =	vst v5;
	v5 =	vunpack.i.u.bf16.f32 v18;
	v17 =	vunpack.i.u.bf16.f32 v23  }
0xbf: {  	s4 =	simm.s32 $0x72B0;
	[tilespmem:s6+$0x0] =	vst v21;
	v13 =	vld [tilespmem:s24+$0xFFFFFFF0];
	v27 =	vunpack.i.l.bf16.f32 v23;
	v23 =	vunpack.i.l.bf16.f32 v18;
	v18 =	vadd.f32 v12, v22;
	v12 =	vpop (erf)  }
0xc0: {  	s2 =	simm.s32 $0x52E0;
	v29 =	vunpack.i.l.bf16.f32 v19;
	v34 =	vunpack.i.u.bf16.f32 v19;
	v21 =	vunpack.i.l.bf16.f32 v24;
	v19 =	vld [tilespmem:s24+$0x10];
	[tilespmem:s4+$0xFFFFFFF0] =	vst v12  }
0xc1: {  	v33 =	vunpack.i.u.bf16.f32 v24;
	v20 =	vmul.f32 v21, v23;
	v22 =	vperm.xlane v18, v3;
	v23 =	vld [tilespmem:s2+$0xFFFFFFE0]  }
0xc2: {  	v26 =	vunpack.i.u.bf16.f32 v31;
	v31 =	vunpack.i.l.bf16.f32 v31;
	v33 =	vmul.f32 v33, v5  }
0xc3: {  	s1 =	simm.s32 $0x34E0;
	s5 =	simm.s32 $0xA;
	[tilespmem:s4+$0x40] =	vst v4;
	s26 =	simm.s32 $0x7350;
	v24 =	vmul.f32 $1.442695020e+00, v32;
	v27 =	vmul.f32 v27, v31;
	v25 =	vadd.f32 v18, v22  }
0xc4: {  	s8 =	simm.s32 $0x73F0;
	s19 =	simm.s32 $0x15A0;
	s20 =	simm.s32 $0x5320;
	[tilespmem:s26+$0x40] =	vst v7;
	v18 =	vadd.f32 v20, v33;
	v22 =	vadd.f32 v28, v30;
	v28 =	vmul.f32 v29, v16;
	v5 =	vpop (erf)  }
0xc5: {  	s21 =	simm.s32 $0x53A0;
	s25 =	simm.s32 $0x7490;
	s24 =	simm.s32 $0x5360;
	v29 =	vmul.f32 v34, v35;
	v20 =	vld [tilespmem:s2+$0x0];
	v21 =	vunpack.i.l.bf16.f32 v13;
	v16 =	vunpack.i.u.bf16.f32 v19;
	[tilespmem:s8+$0x40] =	vst v5  }
.LBB2_6:
0xc6: {  	v30 =	vld [tilespmem:s19+$0xFFFFFFE0];
	s5 =	sadd.s32 $0x2, s5;
	v17 =	vmul.f32 v17, v26;
	(erf) = vpow2.f32 v24;
	v24 =	vunpack.i.u.bf16.f32 v23  }
0xc7: {  	v25 =	vmul.f32 $2.500000000e-01, v25;
	v23 =	vunpack.i.l.bf16.f32 v23;
	v19 =	vunpack.i.l.bf16.f32 v19;
	v26 =	vld [tilespmem:s1+$0xFFFFFFE0];
	p1 =	slt.u32 s5, $0x7A  }
0xc8: {  	v24 =	vmul.f32 v12, v24;
	v31 =	vld [tilespmem:s1+$0x0];
	v17 =	vadd.f32 v27, v17;
	v27 =	vadd.f32 v28, v29  }
0xc9: {  	v13 =	vunpack.i.u.bf16.f32 v13;
	v21 =	vmul.f32 v21, v8;
	v25 =	vmul.f32 $1.442695020e+00, v25;
	v28 =	vld [tilespmem:s1+$0x10]  }
0xca: {  	v33 =	vadd.f32 v9, v11;
	v13 =	vmul.f32 v13, v8;
	v29 =	vld [tilespmem:s19+$0xFFFFFFF0];
	v27 =	vadd.f32 v27, v17;
	[tilespmem:s4+$0xFFFFFFC0] =	vst v24  }
0xcb: {  	v9 =	vmovc v15;
	v8 =	vmovc v12;
	v17 =	vmul.f32 v12, v23;
	v23 =	vunpack.i.l.bf16.f32 v20;
	(erf) = vpow2.f32 v25;
	[tilespmem:s6+$0xFFFFFFD0] =	vst v21  }
0xcc: {  	v32 =	vadd.f32 v10, v33;
	v24 =	vmul.f32 v19, v6;
	v15 =	vld [tilespmem:s1+$0xFFFFFFF0];
	v21 =	vperm.xlane v27, v2;
	[tilespmem:s6+$0xFFFFFFE0] =	vst v13  }
0xcd: {  	v11 =	vmovc v14;
	v25 =	vperm.xlane v22, v3;
	v19 =	vunpack.i.u.bf16.f32 v26;
	[tilespmem:s4+$0xFFFFFFB0] =	vst v17;
	v17 =	vmul.f32 v4, v23  }
0xce: {  	v10 =	vmovc v18;
	v20 =	vunpack.i.u.bf16.f32 v20;
	v14 =	vunpack.i.l.bf16.f32 v26;
	v33 =	vunpack.i.l.bf16.f32 v28;
	v13 =	vld [tilespmem:s2+$0xFFFFFFF0];
	[tilespmem:s6+$0x20] =	vst v24  }
0xcf: {  	v34 =	vperm.xlane v32, v2;
	v18 =	vunpack.i.l.bf16.f32 v30;
	v22 =	vadd.f32 v22, v25;
	v24 =	vld [tilespmem:s19+$0x10];
	v12 =	vpop (erf);
	[tilespmem:s4+$0x0] =	vst v17  }
0xd0: {  	v20 =	vmul.f32 v4, v20;
	v17 =	vunpack.i.u.bf16.f32 v31;
	v31 =	vunpack.i.l.bf16.f32 v31;
	[tilespmem:s26+$0xFFFFFFF0] =	vst v12  }
0xd1: {  	v23 =	vunpack.i.u.bf16.f32 v30;
	v25 =	vunpack.i.l.bf16.f32 v29;
	v22 =	vmul.f32 $2.500000000e-01, v22;
	v30 =	vld [tilespmem:s19+$0x0]  }
0xd2: {  	v16 =	vmul.f32 v16, v6;
	v6 =	vmovc v4;
	v4 =	vmovc v7;
	v26 =	vunpack.i.u.bf16.f32 v15;
	v35 =	vunpack.i.l.bf16.f32 v15;
	[tilespmem:s4+$0x10] =	vst v20  }
0xd3: {  	v7 =	vmovc v5;
	v27 =	vadd.f32 v27, v21;
	v20 =	vunpack.i.u.bf16.f32 v29;
	v29 =	vunpack.i.u.bf16.f32 v28  }
0xd4: {  	v15 =	vmul.f32 v14, v18;
	v14 =	vmul.f32 v19, v23;
	v28 =	vunpack.i.l.bf16.f32 v24;
	v5 =	vpop (erf);
	v19 =	vld [tilespmem:s2+$0x10];
	[tilespmem:s6+$0x30] =	vst v16;
	s6 =	smov.u32 s4;
	s4 =	smov.u32 s26;
	s26 =	smov.u32 s8  }
.Ltmp1:
0xd5: {  	v18 =	vperm.xlane v27, v3;
	v21 =	vunpack.i.l.bf16.f32 v13;
	v16 =	vmul.f32 v35, v25;
	s8 =	smov.u32 s25;
	s2 =	smov.u32 s20;
	[tilespmem:s25+$0x40] =	vst v5;
	v23 =	vld [tilespmem:s20+$0xFFFFFFE0];
	(pc) =	sbr.rel @p1 .LBB2_6-.Ltmp1, $4  }
0xd6: {  	v20 =	vmul.f32 v26, v20;
	v35 =	vunpack.i.u.bf16.f32 v24;
	v24 =	vmul.f32 $1.442695020e+00, v22;
	s25 =	sadd.s32 $0xA0, s25;
	s20 =	smov.u32 s24;
	s24 =	smov.u32 s21  }
0xd7: {  	v25 =	vadd.f32 v27, v18;
	s21 =	sadd.s32 $0x40, s21;
	v26 =	vunpack.i.u.bf16.f32 v30;
	v22 =	vunpack.i.l.bf16.f32 v30  }
0xd8: {  	v18 =	vadd.f32 v16, v20;
	v27 =	vmul.f32 v31, v22;
	v22 =	vadd.f32 v32, v34  }
0xd9: {  	s1 =	sadd.s32 $0x40, s1;
	s19 =	sadd.s32 $0x40, s19;
	v28 =	vmul.f32 v33, v28;
	v29 =	vmul.f32 v29, v35;
	v20 =	vld [tilespmem:s2+$0x0];
	v16 =	vunpack.i.u.bf16.f32 v19  }
0xda: {  	(erf) = vpow2.f32 v24  }
0xdb: {  	v17 =	vmul.f32 v17, v26  }
0xdc: {  	v26 =	vperm.xlane v22, v3;
	v9 =	vadd.f32 v9, v11  }
0xdd: {  	v25 =	vmul.f32 $2.500000000e-01, v25;
	v24 =	vadd.f32 v28, v29;
	v17 =	vadd.f32 v27, v17  }
0xde: {  	v13 =	vunpack.i.u.bf16.f32 v13;
	v11 =	vadd.f32 v22, v26;
	v22 =	vunpack.i.l.bf16.f32 v23  }
0xdf: {  	v17 =	vadd.f32 v24, v17;
	v24 =	vunpack.i.u.bf16.f32 v23;
	v23 =	vmul.f32 $1.442695020e+00, v25  }
0xe0: {  	v9 =	vadd.f32 v10, v9;
	v10 =	vmul.f32 $2.500000000e-01, v11;
	v11 =	vmul.f32 v21, v8  }
0xe1: {  	v8 =	vmul.f32 v13, v8;
	v25 =	vperm.xlane v17, v2  }
0xe2: {  	v22 =	vmul.f32 v12, v22;
	v13 =	vunpack.i.l.bf16.f32 v20;
	v24 =	vmul.f32 v12, v24;
	[tilespmem:s6+$0xFFFFFFD0] =	vst v11  }
0xe3: {  	(erf) = vpow2.f32 v23;
	v10 =	vmul.f32 $1.442695020e+00, v10;
	[tilespmem:s6+$0xFFFFFFE0] =	vst v8;
	v17 =	vadd.f32 v17, v25;
	v23 =	vpop (erf)  }
0xe4: {  	v19 =	vunpack.i.l.bf16.f32 v19;
	v21 =	vperm.xlane v9, v2;
	v8 =	vmul.f32 v4, v13;
	[tilespmem:s26+$0xFFFFFFF0] =	vst v23  }
0xe5: {  	[tilespmem:s4+$0xFFFFFFC0] =	vst v24;
	(erf) = vpow2.f32 v10;
	v10 =	vadd.f32 v15, v14;
	v24 =	vperm.xlane v17, v3;
	v11 =	vld [tilespmem:s20+$0xFFFFFFE0]  }
0xe6: {  	v9 =	vadd.f32 v9, v21;
	v15 =	vmul.f32 v19, v6;
	v6 =	vmul.f32 v16, v6  }
0xe7: {  	[tilespmem:s4+$0xFFFFFFB0] =	vst v22;
	v10 =	vadd.f32 v18, v10;
	v18 =	vunpack.i.u.bf16.f32 v20;
	v14 =	vadd.f32 v17, v24  }
0xe8: {  	[tilespmem:s6+$0x20] =	vst v15;
	v15 =	vmul.f32 v4, v18;
	v17 =	vperm.xlane v9, v3  }
0xe9: {  	v13 =	vld [tilespmem:s2+$0xFFFFFFF0];
	[tilespmem:s4+$0x0] =	vst v8;
	v18 =	vperm.xlane v10, v2;
	v14 =	vmul.f32 $2.500000000e-01, v14  }
0xea: {  	[tilespmem:s4+$0x10] =	vst v15;
	v9 =	vadd.f32 v9, v17;
	v15 =	vunpack.i.u.bf16.f32 v11  }
0xeb: {  	[tilespmem:s6+$0x30] =	vst v6;
	v10 =	vadd.f32 v10, v18;
	v8 =	vmul.f32 $1.442695020e+00, v14;
	v6 =	vmul.f32 v23, v15  }
0xec: {  	v14 =	vld [tilespmem:s20+$0x0];
	v9 =	vmul.f32 $2.500000000e-01, v9  }
0xed: {  	v16 =	vpop (erf);
	v17 =	vperm.xlane v10, v3;
	(erf) = vpow2.f32 v8;
	v8 =	vld [tilespmem:s2+$0x10]  }
0xee: {  	v15 =	vunpack.i.l.bf16.f32 v13;
	v13 =	vunpack.i.u.bf16.f32 v13;
	v9 =	vmul.f32 $1.442695020e+00, v9  }
0xef: {  	v11 =	vunpack.i.l.bf16.f32 v11;
	v15 =	vmul.f32 v15, v12;
	v12 =	vmul.f32 v13, v12;
	[tilespmem:s26+$0xFFFFFFC0] =	vst v6;
	v6 =	vpop (erf)  }
0xf0: {  	(erf) = vpow2.f32 v9;
	v9 =	vadd.f32 v10, v17;
	v10 =	vmul.f32 v23, v11;
	[tilespmem:s8+$0xFFFFFFF0] =	vst v6  }
0xf1: {  	[tilespmem:s4+$0xFFFFFFE0] =	vst v12;
	v11 =	vunpack.i.l.bf16.f32 v14;
	v12 =	vunpack.i.u.bf16.f32 v14;
	v13 =	vld [tilespmem:s24+$0xFFFFFFE0]  }
0xf2: {  	v11 =	vmul.f32 v7, v11;
	v9 =	vmul.f32 $2.500000000e-01, v9;
	[tilespmem:s26+$0xFFFFFFB0] =	vst v10;
	v14 =	vunpack.i.l.bf16.f32 v8  }
0xf3: {  	[tilespmem:s25+$0x40] =	vst v16;
	v10 =	vmul.f32 v7, v12;
	v8 =	vunpack.i.u.bf16.f32 v8;
	v12 =	vmul.f32 v14, v4;
	v14 =	vld [tilespmem:s20+$0xFFFFFFF0]  }
0xf4: {  	[tilespmem:s26+$0x0] =	vst v11;
	v9 =	vmul.f32 $1.442695020e+00, v9;
	v4 =	vmul.f32 v8, v4  }
0xf5: {  	[tilespmem:s26+$0x10] =	vst v10  }
0xf6: {  	[tilespmem:s4+$0x30] =	vst v4;
	v4 =	vld [tilespmem:s24+$0x0];
	v10 =	vunpack.i.u.bf16.f32 v13;
	v11 =	vunpack.i.l.bf16.f32 v13  }
0xf7: {  	[tilespmem:s4+$0xFFFFFFD0] =	vst v15;
	v8 =	vld [tilespmem:s20+$0x10];
	(erf) = vpow2.f32 v9;
	v10 =	vmul.f32 v6, v10  }
0xf8: {  	[tilespmem:s4+$0x20] =	vst v12;
	v9 =	vpop (erf);
	v13 =	vunpack.i.u.bf16.f32 v14  }
0xf9: {  	v13 =	vmul.f32 v13, v23;
	[tilespmem:s8+$0xFFFFFFC0] =	vst v10;
	v10 =	vmul.f32 v6, v11;
	v11 =	vpop (erf)  }
0xfa: {  	v12 =	vunpack.i.l.bf16.f32 v14;
	[tilespmem:s25+$0xFFFFFFF0] =	vst v11  }
0xfb: {  	v12 =	vmul.f32 v12, v23;
	v15 =	vunpack.i.l.bf16.f32 v4;
	[tilespmem:s26+$0xFFFFFFE0] =	vst v13  }
0xfc: {  	v14 =	vunpack.i.l.bf16.f32 v8;
	v13 =	vmul.f32 v5, v15;
	[tilespmem:s8+$0xFFFFFFB0] =	vst v10;
	v10 =	vld [tilespmem:s21+$0xFFFFFFE0]  }
0xfd: {  	s1 =	sadd.s32 $0xA0, s25;
	[tilespmem:s26+$0xFFFFFFD0] =	vst v12;
	v12 =	vmul.f32 v14, v7;
	v14 =	vld [tilespmem:s24+$0xFFFFFFF0]  }
0xfe: {  	[tilespmem:s1+$0x40] =	vst v9  }
0xff: {  	v4 =	vunpack.i.u.bf16.f32 v4;
	[tilespmem:s26+$0x20] =	vst v12  }
0x100: {  	v8 =	vunpack.i.u.bf16.f32 v8;
	v4 =	vmul.f32 v5, v4;
	[tilespmem:s8+$0x0] =	vst v13;
	v12 =	vld [tilespmem:s21+$0x0];
	v13 =	vpop (erf)  }
0x101: {  	s20 =	sadd.s32 $0x40, s21;
	v7 =	vmul.f32 v8, v7;
	[tilespmem:s1+$0xFFFFFFF0] =	vst v13;
	v8 =	vunpack.i.u.bf16.f32 v10  }
0x102: {  	[tilespmem:s8+$0x10] =	vst v4;
	v15 =	vld [tilespmem:s20+$0xFFFFFFE0];
	v4 =	vunpack.i.l.bf16.f32 v14;
	v8 =	vmul.f32 v11, v8  }
0x103: {  	[tilespmem:s26+$0x30] =	vst v7;
	v7 =	vunpack.i.u.bf16.f32 v14;
	v4 =	vmul.f32 v4, v6  }
0x104: {  	v10 =	vunpack.i.l.bf16.f32 v10;
	v6 =	vmul.f32 v7, v6;
	v7 =	vld [tilespmem:s20+$0x0];
	[tilespmem:s25+$0xFFFFFFC0] =	vst v8  }
0x105: {  	v8 =	vmul.f32 v11, v10;
	v10 =	vunpack.i.l.bf16.f32 v12;
	[tilespmem:s8+$0xFFFFFFD0] =	vst v4  }
0x106: {  	v4 =	vld [tilespmem:s24+$0x10];
	[tilespmem:s8+$0xFFFFFFE0] =	vst v6;
	v6 =	vmul.f32 v16, v10;
	v10 =	vunpack.i.u.bf16.f32 v12  }
0x107: {  	[tilespmem:s25+$0xFFFFFFB0] =	vst v8;
	v8 =	vmul.f32 v16, v10;
	v10 =	vunpack.i.u.bf16.f32 v15  }
0x108: {  	v12 =	vld [tilespmem:s21+$0xFFFFFFF0];
	[tilespmem:s25+$0x0] =	vst v6;
	v6 =	vunpack.i.l.bf16.f32 v15;
	v10 =	vmul.f32 v13, v10  }
0x109: {  	[tilespmem:s25+$0x10] =	vst v8;
	v6 =	vmul.f32 v13, v6;
	v8 =	vunpack.i.l.bf16.f32 v7  }
0x10a: {  	v7 =	vunpack.i.u.bf16.f32 v7;
	v14 =	vld [tilespmem:s21+$0x10];
	[tilespmem:s1+$0xFFFFFFC0] =	vst v10;
	v8 =	vmul.f32 v9, v8  }
0x10b: {  	v10 =	vunpack.i.l.bf16.f32 v4;
	[tilespmem:s1+$0xFFFFFFB0] =	vst v6;
	v6 =	vmul.f32 v9, v7  }
0x10c: {  	v4 =	vunpack.i.u.bf16.f32 v4;
	v7 =	vmul.f32 v10, v5;
	v10 =	vld [tilespmem:s20+$0xFFFFFFF0];
	[tilespmem:s1+$0x0] =	vst v8  }
0x10d: {  	v4 =	vmul.f32 v4, v5;
	v5 =	vunpack.i.l.bf16.f32 v12;
	[tilespmem:s1+$0x10] =	vst v6  }
0x10e: {  	v6 =	vunpack.i.u.bf16.f32 v12;
	[tilespmem:s8+$0x20] =	vst v7;
	v5 =	vmul.f32 v5, v11;
	v7 =	vld [tilespmem:s20+$0x10]  }
0x10f: {  	[tilespmem:s8+$0x30] =	vst v4;
	v6 =	vmul.f32 v6, v11;
	v4 =	vunpack.i.l.bf16.f32 v14  }
0x110: {  	v8 =	vunpack.i.u.bf16.f32 v14;
	[tilespmem:s25+$0xFFFFFFD0] =	vst v5;
	v4 =	vmul.f32 v4, v16  }
0x111: {  	[tilespmem:s25+$0xFFFFFFE0] =	vst v6;
	v5 =	vmul.f32 v8, v16;
	v6 =	vunpack.i.l.bf16.f32 v10  }
0x112: {  	[tilespmem:s25+$0x20] =	vst v4;
	v4 =	vunpack.i.u.bf16.f32 v10;
	v6 =	vmul.f32 v6, v13  }
0x113: {  	[tilespmem:s25+$0x30] =	vst v5;
	v5 =	vunpack.i.l.bf16.f32 v7;
	v4 =	vmul.f32 v4, v13  }
0x114: {  	v7 =	vunpack.i.u.bf16.f32 v7;
	[tilespmem:s1+$0xFFFFFFD0] =	vst v6;
	v5 =	vmul.f32 v5, v9  }
0x115: {  	[tilespmem:s1+$0xFFFFFFE0] =	vst v4;
	v4 =	vmul.f32 v7, v9  }
0x116: {  	[tilespmem:s1+$0x20] =	vst v5  }
0x117: {  	[tilespmem:s1+$0x30] =	vst v4  }
0x118: {  	v4 =	vld [tilespmem:$0x2380]  }
0x119: {  	v5 =	vld [tilespmem:$0x42C0]  }
0x11a: {  	v6 =	vld [tilespmem:$0x2390]  }
0x11b: {  	v7 =	vld [tilespmem:$0x42D0];
	_ =	sdelay $0x1  }
0x11c: {  	v8 =	vunpack.i.u.bf16.f32 v4  }
0x11d: {  	v4 =	vunpack.i.l.bf16.f32 v4;
	v9 =	vunpack.i.u.bf16.f32 v5;
	v5 =	vunpack.i.l.bf16.f32 v5  }
0x11e: {  	v4 =	vmul.f32 v5, v4;
	v5 =	vmul.f32 v9, v8;
	v8 =	vunpack.i.u.bf16.f32 v6  }
0x11f: {  	v6 =	vunpack.i.l.bf16.f32 v6;
	v9 =	vunpack.i.u.bf16.f32 v7;
	v7 =	vunpack.i.l.bf16.f32 v7  }
0x120: {  	v6 =	vmul.f32 v7, v6;
	v7 =	vmul.f32 v9, v8;
	_ =	sdelay $0x1  }
0x121: {  	v4 =	vadd.f32 v4, v5;
	v5 =	vadd.f32 v6, v7;
	_ =	sdelay $0x1  }
0x122: {  	v4 =	vadd.f32 v5, v4;
	_ =	sdelay $0x1  }
0x123: {  	v5 =	vperm.xlane v4, v2;
	_ =	sdelay $0x1  }
0x124: {  	v4 =	vadd.f32 v4, v5;
	_ =	sdelay $0x1  }
0x125: {  	v5 =	vperm.xlane v4, v0;
	_ =	sdelay $0x1  }
0x126: {  	v4 =	vadd.f32 v4, v5;
	_ =	sdelay $0x1  }
0x127: {  	v4 =	vmul.f32 $2.500000000e-01, v4;
	_ =	sdelay $0x1  }
0x128: {  	v4 =	vmul.f32 $1.442695020e+00, v4;
	_ =	sdelay $0x1  }
0x129: {  	(erf) = vpow2.f32 v4;
	_ =	sdelay $0x3  }
0x12a: {  	v4 =	vld [tilespmem:$0x6200];
	_ =	sdelay $0x1  }
0x12b: {  	v5 =	vld [tilespmem:$0x6210];
	_ =	sdelay $0x2  }
0x12c: {  	v7 =	vunpack.i.l.bf16.f32 v4;
	v6 =	vpop (erf)  }
0x12d: {  	v4 =	vunpack.i.u.bf16.f32 v4;
	v7 =	vmul.f32 v6, v7  }
0x12e: {  	v8 =	vunpack.i.l.bf16.f32 v5;
	[tilespmem:$0x98C0] =	vst v6;
	v4 =	vmul.f32 v6, v4  }
0x12f: {  	v5 =	vunpack.i.u.bf16.f32 v5;
	[tilespmem:$0x9880] =	vst v7;
	v7 =	vmul.f32 v8, v6  }
0x130: {  	s21 =	sshll.u32 s17, $0x8;
	[tilespmem:$0x9890] =	vst v4;
	v4 =	vmul.f32 v5, v6  }
0x131: {  	s1 =	sand.u32 $0x3FFFFF00, s21;
	[tilespmem:$0x98A0] =	vst v7  }
0x132: {  	s18 =	sor.u32 $0x1, s18;
	s1 =	sadd.s32 s1, s16;
	[tilespmem:$0x98B0] =	vst v4  }
0x133: {  	[spmem:s3] =	stream.indirect.scatter.add.f32 [tilespmem:s28], [sflag:$0x3], $0x50, s1, s22, $0xb8;
	[tilespmem:$0x187E0] =	vst v63  }
0x134: {  	s1 =	sadd.s32 s7, s18  }
0x135: {  	p1 =	sgt.u32 s1, $0x9E  }
0x136: {  	p2 =	sne.s32 @!p0 s17, $0x4;
	s2 =	sadd.s32 @!p1 $0x1, s1  }
0x137: {  	p2 =	por p2, p0;
	s4 =	sand.u32 @!p1 $0xFF, s2  }
0x138: {  	s5 =	simm.s32 @!p2 $0x5;
	s4 =	smul.u32 @!p1 $0xCD, s4  }
0x139: {  	_ =	swait.ge @!p2 [sflag:s5], $0x500  }
0x13a: {  	[sflag:s5] =	ssyncset.done @!p2 $0x0;
	s4 =	sshrl.u32 @!p1 s4, $0xB  }
0x13b: {  	[sflag:s5] =	ssyncadd.s32 @!p2 $0xFFFFFB00;
	s6 =	smul.u32 @!p1 $0xA, s4  }
0x13c: {  	_ =	swait.ge @!p2 [sflag:s5], $0x500;
	s4 =	sand.u32 @!p1 $0x1, s4  }
0x13d: {  	[sflag:s5] =	ssyncset.done @!p2 $0x0;
	p3 =	seq.s32 @!p1 s4, $0x1;
	s2 =	ssub.s32 @!p1 s2, s6  }
0x13e: {  	s4 =	simm.s32 @!p1 $0x500;
	p3 =	por !p3, p1;
	s2 =	sand.u32 @!p1 $0xFF, s2  }
0x13f: {  	[sflag:s5] =	ssyncadd.s32 @!p2 $0xFFFFFB00;
	s4 =	simm.s32 @p3 $0x0;
	s2 =	sshll.u32 @!p1 s2, $0x7  }
0x140: {  	s5 =	simm.s32 @!p1 $0x1400;
	s2 =	sadd.s32 @!p1 s2, s4;
	s4 =	simm.s32 @!p1 $0x7D  }
0x141: {  	[tilespmem:s5], [sflag:$0x1] =	stream.indirect.gather @!p1 [hbm4b:s10+s4], $0x20, s2, s4, $0xb8;
	[tilespmem:$0x187E0] =	vst v63  }
0x142: {  	s2 =	sadd.s32 @!p1 $0xA00, s2;
	s5 =	simm.s32 @!p1 $0x3340  }
0x143: {  	[tilespmem:s5], [sflag:$0x1] =	stream.indirect.gather @!p1 [hbm4b:s11+s4], $0x20, s2, s4, $0xb8;
	[tilespmem:$0x187E0] =	vst v63  }
0x144: {  	s5 =	simm.s32 @!p1 $0x5280  }
0x145: {  	[tilespmem:s5], [sflag:$0x1] =	stream.indirect.gather @!p1 [hbm4b:s12+s4], $0x20, s2, s4, $0xb8;
	[tilespmem:$0x187E0] =	vst v63  }
0x146: {  	_ =	swait.ge [sflag:s0], $0xFA0  }
0x147: {  	[sflag:s0] =	ssyncset.done $0x0  }
0x148: {  	[sflag:s0] =	ssyncadd.s32 $0xFFFFF060  }
0x149: {  	_ =	swait.ge [sflag:s0], $0xFA0  }
0x14a: {  	[sflag:s0] =	ssyncset.done $0x0  }
0x14b: {  	[sflag:s0] =	ssyncadd.s32 $0xFFFFF060  }
0x14c: {  	_ =	swait.ge [sflag:s0], $0xFA0  }
0x14d: {  	p1 =	seq.s32 s1, $0x1;
	[sflag:s0] =	ssyncset.done $0x0  }
0x14e: {  	s1 =	simm.s32 @!p1 $0x4;
	[sflag:s0] =	ssyncadd.s32 $0xFFFFF060  }
0x14f: {  	_ =	swait.ge @!p1 [sflag:s1], $0x2710  }
0x150: {  	[sflag:s1] =	ssyncset.done @!p1 $0x0  }
0x151: {  	s24 =	simm.s32 $0x4310;
	[sflag:s1] =	ssyncadd.s32 @!p1 $0xFFFFD8F0  }
0x152: {  	v4 =	vld [tilespmem:s24+$0x0]  }
0x153: {  	s25 =	simm.s32 $0x23D0;
	v5 =	vld [tilespmem:s24+$0xFFFFFFF0]  }
0x154: {  	v6 =	vld [tilespmem:s25+$0x0]  }
0x155: {  	v9 =	vld [tilespmem:s25+$0xFFFFFFD0]  }
0x156: {  	v7 =	vld [tilespmem:s25+$0xFFFFFFF0];
	_ =	sdelay $0x1  }
0x157: {  	v8 =	vld [tilespmem:s24+$0xFFFFFFD0];
	v10 =	vunpack.i.u.bf16.f32 v4;
	v4 =	vunpack.i.l.bf16.f32 v4  }
0x158: {  	v11 =	vld [tilespmem:s25+$0xFFFFFFE0];
	v12 =	vunpack.i.u.bf16.f32 v5;
	v13 =	vunpack.i.u.bf16.f32 v6;
	v5 =	vunpack.i.l.bf16.f32 v5  }
0x159: {  	v14 =	vld [tilespmem:s24+$0xFFFFFFE0];
	v6 =	vunpack.i.l.bf16.f32 v6;
	v15 =	vunpack.i.l.bf16.f32 v9;
	v10 =	vmul.f32 v10, v13  }
0x15a: {  	s4 =	simm.s32 $0x2410;
	v4 =	vmul.f32 v4, v6;
	v6 =	vunpack.i.u.bf16.f32 v7;
	v7 =	vunpack.i.l.bf16.f32 v7  }
0x15b: {  	s26 =	simm.s32 $0x4350;
	v16 =	vld [tilespmem:s4+$0xFFFFFFD0];
	v9 =	vunpack.i.u.bf16.f32 v9;
	v5 =	vmul.f32 v5, v7;
	v6 =	vmul.f32 v12, v6  }
0x15c: {  	v13 =	vld [tilespmem:s26+$0xFFFFFFD0];
	v12 =	vunpack.i.u.bf16.f32 v8;
	v8 =	vunpack.i.l.bf16.f32 v8;
	v4 =	vadd.f32 v4, v10  }
0x15d: {  	v7 =	vld [tilespmem:s26+$0x0];
	v8 =	vmul.f32 v8, v15;
	v10 =	vunpack.i.l.bf16.f32 v11;
	v5 =	vadd.f32 v5, v6  }
0x15e: {  	v15 =	vunpack.i.u.bf16.f32 v14;
	v14 =	vunpack.i.l.bf16.f32 v14;
	v11 =	vunpack.i.u.bf16.f32 v11;
	v6 =	vld [tilespmem:s26+$0xFFFFFFF0]  }
0x15f: {  	v10 =	vmul.f32 v14, v10;
	v11 =	vmul.f32 v15, v11;
	v4 =	vadd.f32 v4, v5;
	v5 =	vld [tilespmem:s4+$0x0]  }
0x160: {  	v9 =	vmul.f32 v12, v9;
	v14 =	vld [tilespmem:s4+$0xFFFFFFF0]  }
0x161: {  	v10 =	vadd.f32 v10, v11;
	v11 =	vld [tilespmem:s4+$0xFFFFFFE0];
	v15 =	vunpack.i.u.bf16.f32 v13;
	v12 =	vperm.xlane v4, v2  }
0x162: {  	v13 =	vunpack.i.l.bf16.f32 v13;
	v17 =	vunpack.i.u.bf16.f32 v7;
	v7 =	vunpack.i.l.bf16.f32 v7  }
0x163: {  	v18 =	vld [tilespmem:s26+$0xFFFFFFE0];
	v19 =	vunpack.i.u.bf16.f32 v6;
	v6 =	vunpack.i.l.bf16.f32 v6;
	v4 =	vadd.f32 v4, v12  }
0x164: {  	s5 =	simm.s32 $0x4390;
	v12 =	vunpack.i.l.bf16.f32 v16;
	v20 =	vunpack.i.u.bf16.f32 v5;
	v5 =	vunpack.i.l.bf16.f32 v5  }
0x165: {  	v21 =	vld [tilespmem:s5+$0x0];
	v16 =	vunpack.i.u.bf16.f32 v16;
	v17 =	vmul.f32 v17, v20;
	v5 =	vmul.f32 v7, v5  }
0x166: {  	v7 =	vunpack.i.u.bf16.f32 v14;
	v14 =	vunpack.i.l.bf16.f32 v14;
	v20 =	vunpack.i.l.bf16.f32 v11  }
0x167: {  	v11 =	vunpack.i.u.bf16.f32 v11;
	v6 =	vmul.f32 v6, v14;
	v7 =	vmul.f32 v19, v7  }
0x168: {  	v14 =	vperm.xlane v4, v3;
	v19 =	vunpack.i.u.bf16.f32 v18;
	v18 =	vunpack.i.l.bf16.f32 v18  }
0x169: {  	s6 =	simm.s32 $0x2450;
	v5 =	vadd.f32 v5, v17;
	v17 =	vld [tilespmem:s5+$0xFFFFFFD0];
	v11 =	vmul.f32 v19, v11;
	v6 =	vadd.f32 v6, v7  }
0x16a: {  	v19 =	vunpack.i.l.bf16.f32 v21;
	v4 =	vadd.f32 v4, v14;
	v7 =	vmul.f32 v18, v20;
	v14 =	vld [tilespmem:s6+$0xFFFFFFD0]  }
0x16b: {  	v5 =	vadd.f32 v5, v6;
	v6 =	vadd.f32 v8, v9;
	v8 =	vmul.f32 v13, v12  }
0x16c: {  	v18 =	vld [tilespmem:s5+$0xFFFFFFF0];
	v9 =	vmul.f32 v15, v16;
	v7 =	vadd.f32 v7, v11;
	v4 =	vmul.f32 $2.500000000e-01, v4  }
0x16d: {  	v11 =	vld [tilespmem:s6+$0x0];
	v13 =	vunpack.i.u.bf16.f32 v21;
	v12 =	vperm.xlane v5, v2;
	v6 =	vadd.f32 v10, v6  }
0x16e: {  	v16 =	vld [tilespmem:s6+$0xFFFFFFF0];
	v10 =	vunpack.i.u.bf16.f32 v17;
	v15 =	vunpack.i.l.bf16.f32 v17;
	v8 =	vadd.f32 v8, v9  }
0x16f: {  	v17 =	vld [tilespmem:s6+$0xFFFFFFE0];
	v4 =	vmul.f32 $1.442695020e+00, v4;
	v5 =	vadd.f32 v5, v12;
	v12 =	vunpack.i.l.bf16.f32 v14  }
0x170: {  	v20 =	vld [tilespmem:s5+$0xFFFFFFE0];
	v21 =	vperm.xlane v6, v2;
	v14 =	vunpack.i.u.bf16.f32 v14;
	v7 =	vadd.f32 v7, v8  }
0x171: {  	v12 =	vmul.f32 v15, v12;
	v15 =	vunpack.i.u.bf16.f32 v18;
	v18 =	vunpack.i.l.bf16.f32 v18  }
0x172: {  	v22 =	vunpack.i.u.bf16.f32 v11;
	v11 =	vunpack.i.l.bf16.f32 v11;
	v6 =	vadd.f32 v6, v21  }
0x173: {  	v11 =	vmul.f32 v19, v11;
	v19 =	vunpack.i.u.bf16.f32 v16;
	v16 =	vunpack.i.l.bf16.f32 v16  }
0x174: {  	v13 =	vmul.f32 v13, v22;
	v21 =	vunpack.i.l.bf16.f32 v17;
	v16 =	vmul.f32 v18, v16  }
0x175: {  	v15 =	vmul.f32 v15, v19;
	v18 =	vperm.xlane v5, v3;
	v19 =	vunpack.i.u.bf16.f32 v20  }
0x176: {  	s8 =	simm.s32 $0x43D0;
	v20 =	vunpack.i.l.bf16.f32 v20;
	v22 =	vperm.xlane v6, v3;
	v11 =	vadd.f32 v11, v13  }
0x177: {  	v13 =	vld [tilespmem:s8+$0xFFFFFFD0];
	v15 =	vadd.f32 v16, v15;
	v16 =	vunpack.i.u.bf16.f32 v17;
	v5 =	vadd.f32 v5, v18  }
0x178: {  	s19 =	simm.s32 $0x2490;
	v17 =	vld [tilespmem:s8+$0x0];
	v18 =	vmul.f32 v20, v21;
	v6 =	vadd.f32 v6, v22;
	v16 =	vmul.f32 v19, v16  }
0x179: {  	(erf) = vpow2.f32 v4;
	v19 =	vld [tilespmem:s19+$0xFFFFFFD0];
	v22 =	vperm.xlane v7, v2;
	v11 =	vadd.f32 v11, v15  }
0x17a: {  	v10 =	vmul.f32 v10, v14;
	v14 =	vld [tilespmem:s8+$0xFFFFFFF0];
	v6 =	vmul.f32 $2.500000000e-01, v6;
	v9 =	vadd.f32 v18, v16  }
0x17b: {  	v16 =	vmul.f32 $2.500000000e-01, v5;
	v5 =	vld [tilespmem:s19+$0xFFFFFFE0];
	v7 =	vadd.f32 v7, v22;
	v15 =	vperm.xlane v11, v2  }
0x17c: {  	v18 =	vld [tilespmem:s19+$0x0];
	v8 =	vunpack.i.u.bf16.f32 v13;
	v13 =	vunpack.i.l.bf16.f32 v13;
	v6 =	vmul.f32 $1.442695020e+00, v6  }
0x17d: {  	v20 =	vunpack.i.u.bf16.f32 v17;
	v17 =	vunpack.i.l.bf16.f32 v17;
	v22 =	vperm.xlane v7, v3  }
0x17e: {  	v16 =	vmul.f32 $1.442695020e+00, v16;
	v11 =	vadd.f32 v11, v15;
	v15 =	vld [tilespmem:s19+$0xFFFFFFF0];
	v21 =	vunpack.i.l.bf16.f32 v19  }
0x17f: {  	v13 =	vmul.f32 v13, v21;
	v21 =	vunpack.i.u.bf16.f32 v14;
	v14 =	vunpack.i.l.bf16.f32 v14  }
0x180: {  	v23 =	vld [tilespmem:s8+$0xFFFFFFE0];
	v7 =	vadd.f32 v7, v22;
	(erf) = vpow2.f32 v6;
	v24 =	vunpack.i.l.bf16.f32 v5  }
0x181: {  	v25 =	vperm.xlane v11, v3;
	v26 =	vunpack.i.u.bf16.f32 v18;
	v18 =	vunpack.i.l.bf16.f32 v18  }
0x182: {  	s20 =	simm.s32 $0x4410;
	v5 =	vunpack.i.u.bf16.f32 v5;
	v20 =	vmul.f32 v20, v26;
	v17 =	vmul.f32 v17, v18  }
0x183: {  	s21 =	simm.s32 $0x24D0;
	v4 =	vld [tilespmem:s20+$0xFFFFFFD0];
	v7 =	vmul.f32 $2.500000000e-01, v7;
	v6 =	vadd.f32 v11, v25;
	v18 =	vunpack.i.l.bf16.f32 v15  }
0x184: {  	v15 =	vunpack.i.u.bf16.f32 v15;
	v17 =	vadd.f32 v17, v20;
	v20 =	vld [tilespmem:s21+$0xFFFFFFD0];
	v14 =	vmul.f32 v14, v18  }
0x185: {  	v18 =	vunpack.i.u.bf16.f32 v23;
	v15 =	vmul.f32 v21, v15;
	v21 =	vunpack.i.l.bf16.f32 v23;
	v23 =	vld [tilespmem:s20+$0x0]  }
0x186: {  	v11 =	vmul.f32 v21, v24;
	v5 =	vmul.f32 v18, v5;
	v18 =	vld [tilespmem:s20+$0xFFFFFFF0]  }
0x187: {  	v14 =	vadd.f32 v14, v15;
	v15 =	vmul.f32 $2.500000000e-01, v6;
	v6 =	vadd.f32 v12, v10;
	v10 =	vld [tilespmem:s21+$0xFFFFFFE0]  }
0x188: {  	v19 =	vunpack.i.u.bf16.f32 v19;
	v12 =	vmul.f32 $1.442695020e+00, v7;
	v7 =	vld [tilespmem:s20+$0xFFFFFFE0];
	v11 =	vadd.f32 v11, v5  }
0x189: {  	v14 =	vadd.f32 v17, v14;
	v17 =	vmul.f32 v8, v19;
	v9 =	vadd.f32 v9, v6  }
0x18a: {  	v25 =	vld [tilespmem:s21+$0xFFFFFFF0];
	v8 =	vunpack.i.u.bf16.f32 v4;
	v4 =	vunpack.i.l.bf16.f32 v4;
	v21 =	vunpack.i.u.bf16.f32 v23  }
0x18b: {  	v19 =	vld [tilespmem:s21+$0x0];
	v22 =	vunpack.i.l.bf16.f32 v23;
	v5 =	vperm.xlane v14, v2;
	v23 =	vperm.xlane v9, v2  }
0x18c: {  	v24 =	vunpack.i.u.bf16.f32 v18;
	v18 =	vunpack.i.l.bf16.f32 v18;
	v26 =	vunpack.i.l.bf16.f32 v10  }
0x18d: {  	v28 =	vunpack.i.u.bf16.f32 v7;
	v14 =	vadd.f32 v14, v5;
	v5 =	vunpack.i.l.bf16.f32 v20  }
0x18e: {  	v7 =	vunpack.i.l.bf16.f32 v7;
	v10 =	vunpack.i.u.bf16.f32 v10;
	v20 =	vunpack.i.u.bf16.f32 v20  }
0x18f: {  	v9 =	vadd.f32 v9, v23;
	v7 =	vmul.f32 v7, v26;
	v10 =	vmul.f32 v28, v10  }
0x190: {  	v23 =	vunpack.i.u.bf16.f32 v25;
	v6 =	vmul.f32 v4, v5;
	v29 =	vunpack.i.u.bf16.f32 v19;
	v5 =	vpop (erf)  }
0x191: {  	s25 =	simm.s32 $0x4450;
	s6 =	simm.s32 $0x9960;
	v8 =	vmul.f32 v8, v20;
	v19 =	vunpack.i.l.bf16.f32 v19;
	v27 =	vperm.xlane v14, v3;
	v4 =	vpop (erf)  }
0x192: {  	s24 =	simm.s32 $0x6250;
	v21 =	vmul.f32 v21, v29;
	v19 =	vmul.f32 v22, v19;
	v22 =	vunpack.i.l.bf16.f32 v25;
	v25 =	vld [tilespmem:s25+$0x0];
	[tilespmem:s6+$0xFFFFFFB0] =	vst v4  }
0x193: {  	v13 =	vadd.f32 v13, v17;
	v18 =	vmul.f32 v18, v22;
	v22 =	vperm.xlane v9, v3;
	v20 =	vld [tilespmem:s24+$0xFFFFFFD0]  }
0x194: {  	v23 =	vmul.f32 v24, v23;
	v7 =	vadd.f32 v7, v10;
	v14 =	vadd.f32 v14, v27;
	[tilespmem:s6+$0x0] =	vst v5;
	v27 =	vld [tilespmem:s25+$0xFFFFFFE0]  }
0x195: {  	v19 =	vadd.f32 v19, v21;
	v10 =	vld [tilespmem:s24+$0xFFFFFFF0];
	v21 =	vadd.f32 v9, v22  }
0x196: {  	(erf) = vpow2.f32 v16;
	v9 =	vmul.f32 $2.500000000e-01, v14;
	v14 =	vadd.f32 v18, v23  }
0x197: {  	s26 =	simm.s32 $0x2510;
	v26 =	vadd.f32 v11, v13;
	(erf) = vpow2.f32 v12;
	v22 =	vld [tilespmem:s25+$0xFFFFFFD0];
	v12 =	vmul.f32 $2.500000000e-01, v21  }
0x198: {  	v23 =	vld [tilespmem:s26+$0xFFFFFFE0];
	v28 =	vunpack.i.u.bf16.f32 v25;
	v14 =	vadd.f32 v19, v14;
	v16 =	vunpack.i.l.bf16.f32 v20  }
0x199: {  	v21 =	vld [tilespmem:s26+$0xFFFFFFD0];
	v12 =	vmul.f32 $1.442695020e+00, v12;
	v33 =	vunpack.i.u.bf16.f32 v27;
	v11 =	vmul.f32 v4, v16  }
0x19a: {  	v19 =	vld [tilespmem:s26+$0x0];
	v27 =	vunpack.i.l.bf16.f32 v27;
	v17 =	vunpack.i.u.bf16.f32 v10;
	v10 =	vunpack.i.l.bf16.f32 v10  }
0x19b: {  	v24 =	vunpack.i.u.bf16.f32 v20;
	v20 =	vld [tilespmem:s25+$0xFFFFFFF0];
	v10 =	vmul.f32 v5, v10;
	[tilespmem:s6+$0xFFFFFF70] =	vst v11;
	v11 =	vmul.f32 v5, v17  }
0x19c: {  	v13 =	vunpack.i.l.bf16.f32 v22;
	v18 =	vmul.f32 v4, v24;
	v24 =	vperm.xlane v14, v2  }
0x19d: {  	v31 =	vunpack.i.l.bf16.f32 v23;
	v16 =	vunpack.i.u.bf16.f32 v22;
	v22 =	vperm.xlane v26, v2;
	[tilespmem:s6+$0xFFFFFFC0] =	vst v10  }
0x19e: {  	v34 =	vld [tilespmem:s26+$0xFFFFFFF0];
	v23 =	vunpack.i.u.bf16.f32 v23;
	v29 =	vadd.f32 v14, v24;
	v14 =	vunpack.i.l.bf16.f32 v21;
	[tilespmem:s6+$0xFFFFFFD0] =	vst v11  }
0x19f: {  	v17 =	vunpack.i.l.bf16.f32 v25;
	v22 =	vadd.f32 v26, v22;
	v13 =	vmul.f32 v13, v14;
	v32 =	vld [tilespmem:s24+$0x0];
	v11 =	vpop (erf)  }
0x1a0: {  	s4 =	simm.s32 $0x9A00;
	[tilespmem:s6+$0xFFFFFF80] =	vst v18;
	v14 =	vunpack.i.u.bf16.f32 v21;
	v21 =	vunpack.i.u.bf16.f32 v19;
	v18 =	vunpack.i.u.bf16.f32 v20;
	v10 =	vpop (erf)  }
0x1a1: {  	s2 =	simm.s32 $0x6290;
	v30 =	vld [tilespmem:s24+$0xFFFFFFE0];
	v25 =	vunpack.i.l.bf16.f32 v20;
	v20 =	vperm.xlane v29, v3;
	v14 =	vmul.f32 v16, v14;
	[tilespmem:s4+$0xFFFFFFB0] =	vst v10  }
0x1a2: {  	v16 =	vunpack.i.l.bf16.f32 v19;
	v24 =	vmul.f32 v28, v21;
	v28 =	vmul.f32 v27, v31;
	v21 =	vld [tilespmem:s2+$0xFFFFFFD0]  }
0x1a3: {  	v27 =	vunpack.i.u.bf16.f32 v34;
	v26 =	vmul.f32 v17, v16;
	v17 =	vmul.f32 v33, v23  }
0x1a4: {  	s1 =	simm.s32 $0x2550;
	v20 =	vadd.f32 v29, v20;
	v29 =	vunpack.i.l.bf16.f32 v34;
	v23 =	vunpack.i.u.bf16.f32 v32  }
0x1a5: {  	s5 =	simm.s32 $0xA;
	s8 =	simm.s32 $0x9B40;
	s19 =	simm.s32 $0x4490;
	[tilespmem:s4+$0x0] =	vst v11;
	v17 =	vadd.f32 v28, v17;
	v28 =	vmul.f32 v25, v29;
	v31 =	vmul.f32 v23, v5  }
0x1a6: {  	s20 =	simm.s32 $0x62D0;
	s21 =	simm.s32 $0x6350;
	s26 =	simm.s32 $0x9AA0;
	v29 =	vperm.xlane v22, v3;
	v16 =	vunpack.i.l.bf16.f32 v30;
	v19 =	vunpack.i.u.bf16.f32 v30;
	v25 =	vld [tilespmem:s2+$0xFFFFFFF0]  }
0x1a7: {  	s25 =	simm.s32 $0x9BE0;
	s24 =	simm.s32 $0x6310;
	v30 =	vmul.f32 $1.442695020e+00, v15;
	v23 =	vunpack.i.l.bf16.f32 v32;
	[tilespmem:s6+$0xFFFFFFF0] =	vst v31;
	v15 =	vunpack.i.u.bf16.f32 v21  }
.LBB2_8:
0x1a8: {  	v31 =	vld [tilespmem:s19+$0x0];
	s5 =	sadd.s32 $0x2, s5;
	v18 =	vmul.f32 v18, v27;
	v24 =	vadd.f32 v26, v24;
	v21 =	vunpack.i.l.bf16.f32 v21  }
0x1a9: {  	v32 =	vmul.f32 $2.500000000e-01, v20;
	v26 =	vld [tilespmem:s19+$0xFFFFFFD0];
	p1 =	slt.u32 s5, $0x7A;
	v20 =	vadd.f32 v22, v29;
	(erf) = vpow2.f32 v30  }
0x1aa: {  	v18 =	vadd.f32 v28, v18;
	(erf) = vpow2.f32 v12;
	v12 =	vmul.f32 v10, v15  }
0x1ab: {  	v23 =	vmul.f32 v23, v5;
	v5 =	vmovc v11;
	v15 =	vld [tilespmem:s19+$0xFFFFFFF0];
	v20 =	vmul.f32 $2.500000000e-01, v20;
	v22 =	vunpack.i.u.bf16.f32 v25  }
0x1ac: {  	v29 =	vadd.f32 v6, v8;
	v27 =	vld [tilespmem:s1+$0xFFFFFFD0];
	v11 =	vadd.f32 v24, v18;
	[tilespmem:s4+$0xFFFFFF80] =	vst v12;
	v18 =	vmul.f32 v19, v4  }
0x1ad: {  	v16 =	vmul.f32 v16, v4;
	v6 =	vmovc v13;
	v4 =	vmovc v10;
	v19 =	vld [tilespmem:s1+$0x0];
	v12 =	vmul.f32 $1.442695020e+00, v20;
	v20 =	vunpack.i.l.bf16.f32 v25;
	[tilespmem:s6+$0xFFFFFFE0] =	vst v23  }
0x1ae: {  	v24 =	vadd.f32 v7, v29;
	v13 =	vmul.f32 v4, v21;
	v23 =	vld [tilespmem:s1+$0xFFFFFFE0];
	v10 =	vperm.xlane v11, v2;
	[tilespmem:s6+$0xFFFFFFA0] =	vst v18  }
0x1af: {  	v8 =	vmovc v14;
	v7 =	vmovc v17;
	v28 =	vunpack.i.u.bf16.f32 v31;
	v21 =	vunpack.i.u.bf16.f32 v26;
	v18 =	vmul.f32 v5, v20;
	v25 =	vld [tilespmem:s19+$0xFFFFFFE0];
	[tilespmem:s6+$0xFFFFFF90] =	vst v16;
	s6 =	smov.u32 s4;
	s4 =	smov.u32 s26;
	s26 =	smov.u32 s8  }
0x1b0: {  	v30 =	vmul.f32 v5, v22;
	v14 =	vunpack.i.l.bf16.f32 v26;
	s8 =	smov.u32 s25;
	v16 =	vadd.f32 v11, v10;
	[tilespmem:s6+$0xFFFFFF70] =	vst v13  }
0x1b1: {  	v17 =	vunpack.i.l.bf16.f32 v31;
	v20 =	vperm.xlane v24, v2;
	v22 =	vunpack.i.l.bf16.f32 v27;
	[tilespmem:s6+$0xFFFFFFC0] =	vst v18  }
0x1b2: {  	v18 =	vunpack.i.u.bf16.f32 v15;
	v15 =	vunpack.i.l.bf16.f32 v15;
	v13 =	vmul.f32 v14, v22;
	v11 =	vpop (erf);
	v29 =	vld [tilespmem:s2+$0xFFFFFFE0];
	[tilespmem:s6+$0xFFFFFFD0] =	vst v30  }
0x1b3: {  	v14 =	vunpack.i.u.bf16.f32 v27;
	v27 =	vperm.xlane v16, v3;
	v26 =	vunpack.i.l.bf16.f32 v23;
	v10 =	vpop (erf);
	v30 =	vld [tilespmem:s2+$0x0];
	s2 =	smov.u32 s20;
	s20 =	smov.u32 s24;
	s24 =	smov.u32 s21  }
0x1b4: {  	v34 =	vunpack.i.u.bf16.f32 v19;
	v31 =	vunpack.i.u.bf16.f32 v25;
	v25 =	vunpack.i.l.bf16.f32 v25;
	v33 =	vld [tilespmem:s1+$0xFFFFFFF0];
	[tilespmem:s4+$0xFFFFFFB0] =	vst v10  }
0x1b5: {  	v22 =	vadd.f32 v24, v20;
	v14 =	vmul.f32 v21, v14;
	v23 =	vunpack.i.u.bf16.f32 v23  }
0x1b6: {  	v19 =	vunpack.i.l.bf16.f32 v19;
	v24 =	vmul.f32 v28, v34;
	v20 =	vadd.f32 v16, v27;
	v21 =	vld [tilespmem:s2+$0xFFFFFFD0]  }
.Ltmp2:
0x1b7: {  	v25 =	vmul.f32 v25, v26;
	v26 =	vmul.f32 v17, v19;
	v16 =	vunpack.i.l.bf16.f32 v29;
	(pc) =	sbr.rel @p1 .LBB2_8-.Ltmp2, $4  }
0x1b8: {  	s25 =	sadd.s32 $0xA0, s25;
	v17 =	vmul.f32 v31, v23;
	v19 =	vunpack.i.u.bf16.f32 v29;
	v23 =	vunpack.i.u.bf16.f32 v30  }
0x1b9: {  	s21 =	sadd.s32 $0x40, s21;
	v27 =	vunpack.i.u.bf16.f32 v33;
	v28 =	vunpack.i.l.bf16.f32 v33;
	[tilespmem:s4+$0x0] =	vst v11;
	v31 =	vmul.f32 v23, v5  }
0x1ba: {  	v17 =	vadd.f32 v25, v17;
	v23 =	vunpack.i.l.bf16.f32 v30;
	v28 =	vmul.f32 v15, v28;
	v25 =	vld [tilespmem:s2+$0xFFFFFFF0]  }
0x1bb: {  	s19 =	sadd.s32 $0x40, s19;
	s1 =	sadd.s32 $0x40, s1;
	v29 =	vperm.xlane v22, v3;
	v30 =	vmul.f32 $1.442695020e+00, v9;
	v9 =	vmovc v32;
	v15 =	vunpack.i.u.bf16.f32 v21;
	[tilespmem:s6+$0xFFFFFFF0] =	vst v31  }
0x1bc: {  	_ = 	snop  }
0x1bd: {  	(erf) = vpow2.f32 v30;
	_ =	sdelay $0x4  }
0x1be: {  	v18 =	vmul.f32 v18, v27  }
0x1bf: {  	v24 =	vadd.f32 v26, v24;
	v63 =	vmul.f32 v10, v15;
	v22 =	vadd.f32 v22, v29  }
0x1c0: {  	v6 =	vadd.f32 v6, v8;
	v38 =	vmul.f32 $2.500000000e-01, v20;
	v5 =	vmul.f32 v23, v5  }
0x1c1: {  	v34 =	vunpack.i.l.bf16.f32 v21;
	v29 =	vmul.f32 $1.442695020e+00, v9;
	v27 =	vmul.f32 $2.500000000e-01, v22  }
0x1c2: {  	v42 =	vmul.f32 v19, v4;
	v13 =	vadd.f32 v13, v14;
	(erf) = vpow2.f32 v12;
	v32 =	vpop (erf)  }
0x1c3: {  	v6 =	vadd.f32 v7, v6;
	(erf) = vpow2.f32 v29;
	v30 =	vmul.f32 $1.442695020e+00, v27;
	[tilespmem:s26+$0x0] =	vst v32  }
0x1c4: {  	v8 =	vmul.f32 v10, v34;
	v18 =	vadd.f32 v28, v18;
	v13 =	vadd.f32 v17, v13;
	v36 =	vld [tilespmem:s20+$0xFFFFFFF0]  }
0x1c5: {  	[tilespmem:s4+$0xFFFFFF80] =	vst v63;
	v31 =	vunpack.i.l.bf16.f32 v25;
	v37 =	vperm.xlane v6, v2;
	(erf) = vpow2.f32 v30  }
0x1c6: {  	v28 =	vunpack.i.u.bf16.f32 v25;
	[tilespmem:s4+$0xFFFFFF70] =	vst v8;
	v18 =	vadd.f32 v24, v18;
	v33 =	vmul.f32 v11, v31  }
0x1c7: {  	[tilespmem:s6+$0xFFFFFFE0] =	vst v5;
	v35 =	vmul.f32 v11, v28;
	v43 =	vld [tilespmem:s2+$0xFFFFFFE0];
	v51 =	vperm.xlane v13, v2;
	v6 =	vadd.f32 v6, v37  }
0x1c8: {  	v4 =	vmul.f32 v16, v4;
	v24 =	vperm.xlane v18, v2;
	[tilespmem:s4+$0xFFFFFFC0] =	vst v33  }
0x1c9: {  	[tilespmem:s4+$0xFFFFFFD0] =	vst v35;
	v13 =	vadd.f32 v13, v51;
	v46 =	vperm.xlane v6, v3;
	v5 =	vunpack.i.u.bf16.f32 v36  }
0x1ca: {  	[tilespmem:s6+$0xFFFFFFA0] =	vst v42;
	v41 =	vld [tilespmem:s2+$0x0];
	v39 =	vadd.f32 v18, v24;
	v5 =	vmul.f32 v32, v5  }
0x1cb: {  	v7 =	vmul.f32 $1.442695020e+00, v38;
	[tilespmem:s6+$0xFFFFFF90] =	vst v4;
	v58 =	vperm.xlane v13, v3;
	v6 =	vadd.f32 v6, v46;
	v40 =	vpop (erf)  }
0x1cc: {  	v53 =	vunpack.i.l.bf16.f32 v43;
	v4 =	vunpack.i.u.bf16.f32 v43;
	v44 =	vperm.xlane v39, v3;
	[tilespmem:s26+$0xFFFFFFB0] =	vst v40;
	v52 =	vpop (erf)  }
0x1cd: {  	(erf) = vpow2.f32 v7;
	v63 =	vadd.f32 v13, v58;
	v6 =	vmul.f32 $2.500000000e-01, v6;
	v45 =	vld [tilespmem:s20+$0xFFFFFFD0];
	[tilespmem:s8+$0x0] =	vst v52  }
0x1ce: {  	v4 =	vmul.f32 v4, v10;
	v13 =	vmul.f32 v53, v10;
	v49 =	vadd.f32 v39, v44;
	[tilespmem:s26+$0xFFFFFFD0] =	vst v5;
	v5 =	vpop (erf)  }
0x1cf: {  	v50 =	vunpack.i.u.bf16.f32 v41;
	v9 =	vmul.f32 $2.500000000e-01, v63;
	v6 =	vmul.f32 $1.442695020e+00, v6;
	v61 =	vld [tilespmem:s24+$0xFFFFFFF0];
	[tilespmem:s8+$0xFFFFFFB0] =	vst v5  }
0x1d0: {  	[tilespmem:s4+$0xFFFFFFA0] =	vst v4;
	v12 =	vmul.f32 v50, v11;
	v62 =	vmul.f32 $2.500000000e-01, v49;
	v47 =	vunpack.i.l.bf16.f32 v36;
	v57 =	vld [tilespmem:s24+$0xFFFFFFD0]  }
0x1d1: {  	v18 =	vunpack.i.l.bf16.f32 v41;
	[tilespmem:s4+$0xFFFFFF90] =	vst v13;
	(erf) = vpow2.f32 v6;
	v48 =	vmul.f32 v32, v47  }
0x1d2: {  	v60 =	vmul.f32 v18, v11;
	[tilespmem:s4+$0xFFFFFFF0] =	vst v12;
	v6 =	vmul.f32 $1.442695020e+00, v62;
	v54 =	vunpack.i.u.bf16.f32 v45  }
0x1d3: {  	v9 =	vmul.f32 $1.442695020e+00, v9;
	v59 =	vunpack.i.l.bf16.f32 v45;
	v56 =	vmul.f32 v40, v54;
	[tilespmem:s26+$0xFFFFFFC0] =	vst v48  }
0x1d4: {  	[tilespmem:s4+$0xFFFFFFE0] =	vst v60;
	v7 =	vmul.f32 v40, v59;
	v19 =	vunpack.i.l.bf16.f32 v61;
	v55 =	vld [tilespmem:s20+$0x0];
	(erf) = vpow2.f32 v6  }
0x1d5: {  	v22 =	vmul.f32 v52, v19;
	[tilespmem:s26+$0xFFFFFF80] =	vst v56;
	v4 =	vunpack.i.u.bf16.f32 v57  }
0x1d6: {  	[tilespmem:s26+$0xFFFFFF70] =	vst v7;
	(erf) = vpow2.f32 v9;
	v4 =	vmul.f32 v5, v4  }
0x1d7: {  	v20 =	vunpack.i.u.bf16.f32 v61;
	v18 =	vld [tilespmem:s20+$0xFFFFFFE0];
	[tilespmem:s8+$0xFFFFFFC0] =	vst v22  }
0x1d8: {  	v23 =	vpop (erf);
	[tilespmem:s8+$0xFFFFFF80] =	vst v4;
	v4 =	vmul.f32 v52, v20  }
0x1d9: {  	[tilespmem:s25+$0x0] =	vst v23;
	v14 =	vunpack.i.u.bf16.f32 v55  }
0x1da: {  	v24 =	vpop (erf);
	v26 =	vunpack.i.l.bf16.f32 v55;
	v16 =	vmul.f32 v14, v32;
	[tilespmem:s8+$0xFFFFFFD0] =	vst v4  }
0x1db: {  	[tilespmem:s25+$0xFFFFFFB0] =	vst v24;
	v9 =	vmul.f32 v26, v32;
	v27 =	vld [tilespmem:s24+$0x0]  }
0x1dc: {  	v29 =	vld [tilespmem:s21+$0xFFFFFFF0];
	[tilespmem:s26+$0xFFFFFFF0] =	vst v16;
	v4 =	vunpack.i.u.bf16.f32 v18  }
0x1dd: {  	s1 =	sadd.s32 $0xA0, s25;
	v28 =	vld [tilespmem:s21+$0xFFFFFFD0];
	[tilespmem:s26+$0xFFFFFFE0] =	vst v9;
	v31 =	vpop (erf);
	v4 =	vmul.f32 v4, v40  }
0x1de: {  	v30 =	vunpack.i.l.bf16.f32 v57;
	[tilespmem:s1+$0x0] =	vst v31  }
0x1df: {  	s20 =	sadd.s32 $0x40, s21;
	v10 =	vunpack.i.l.bf16.f32 v18;
	v34 =	vpop (erf);
	[tilespmem:s26+$0xFFFFFFA0] =	vst v4;
	v4 =	vmul.f32 v5, v30  }
0x1e0: {  	v8 =	vmul.f32 v10, v40;
	v35 =	vld [tilespmem:s20+$0xFFFFFFF0];
	[tilespmem:s1+$0xFFFFFFB0] =	vst v34;
	v32 =	vunpack.i.u.bf16.f32 v27  }
0x1e1: {  	v36 =	vunpack.i.l.bf16.f32 v29;
	v38 =	vld [tilespmem:s20+$0xFFFFFFD0];
	[tilespmem:s8+$0xFFFFFF70] =	vst v4;
	v4 =	vmul.f32 v32, v52  }
0x1e2: {  	[tilespmem:s26+$0xFFFFFF90] =	vst v8;
	v37 =	vmul.f32 v23, v36;
	v33 =	vunpack.i.u.bf16.f32 v28  }
0x1e3: {  	v10 =	vmul.f32 v24, v33;
	[tilespmem:s8+$0xFFFFFFF0] =	vst v4;
	v4 =	vunpack.i.u.bf16.f32 v29  }
0x1e4: {  	v12 =	vunpack.i.l.bf16.f32 v28;
	[tilespmem:s25+$0xFFFFFFC0] =	vst v37;
	v4 =	vmul.f32 v23, v4  }
0x1e5: {  	[tilespmem:s25+$0xFFFFFF80] =	vst v10;
	v40 =	vmul.f32 v24, v12;
	v42 =	vunpack.i.u.bf16.f32 v35;
	v39 =	vld [tilespmem:s24+$0xFFFFFFE0]  }
0x1e6: {  	v43 =	vunpack.i.u.bf16.f32 v38;
	v12 =	vmul.f32 v31, v42;
	[tilespmem:s25+$0xFFFFFFD0] =	vst v4  }
0x1e7: {  	[tilespmem:s25+$0xFFFFFF70] =	vst v40;
	v9 =	vmul.f32 v34, v43;
	v4 =	vunpack.i.l.bf16.f32 v35;
	v41 =	vld [tilespmem:s21+$0x0]  }
0x1e8: {  	v45 =	vunpack.i.l.bf16.f32 v38;
	[tilespmem:s1+$0xFFFFFFD0] =	vst v12;
	v4 =	vmul.f32 v31, v4  }
0x1e9: {  	v44 =	vld [tilespmem:s21+$0xFFFFFFE0];
	v11 =	vunpack.i.l.bf16.f32 v27;
	v15 =	vmul.f32 v34, v45;
	[tilespmem:s1+$0xFFFFFF80] =	vst v9  }
0x1ea: {  	v11 =	vmul.f32 v11, v52;
	[tilespmem:s1+$0xFFFFFFC0] =	vst v4;
	v4 =	vunpack.i.u.bf16.f32 v39  }
0x1eb: {  	[tilespmem:s1+$0xFFFFFF70] =	vst v15;
	v10 =	vunpack.i.l.bf16.f32 v39;
	v4 =	vmul.f32 v4, v5;
	v46 =	vld [tilespmem:s20+$0x0]  }
0x1ec: {  	[tilespmem:s8+$0xFFFFFFE0] =	vst v11;
	v5 =	vmul.f32 v10, v5;
	v47 =	vunpack.i.u.bf16.f32 v41  }
0x1ed: {  	v49 =	vld [tilespmem:s20+$0xFFFFFFE0];
	[tilespmem:s8+$0xFFFFFFA0] =	vst v4;
	v48 =	vunpack.i.l.bf16.f32 v41;
	v4 =	vmul.f32 v47, v23  }
0x1ee: {  	[tilespmem:s8+$0xFFFFFF90] =	vst v5;
	v5 =	vunpack.i.u.bf16.f32 v44;
	v6 =	vmul.f32 v48, v23  }
0x1ef: {  	v50 =	vunpack.i.l.bf16.f32 v44;
	[tilespmem:s25+$0xFFFFFFF0] =	vst v4;
	v4 =	vmul.f32 v5, v24  }
0x1f0: {  	v5 =	vmul.f32 v50, v24;
	[tilespmem:s25+$0xFFFFFFE0] =	vst v6;
	v51 =	vunpack.i.u.bf16.f32 v46  }
0x1f1: {  	v52 =	vunpack.i.l.bf16.f32 v46;
	[tilespmem:s25+$0xFFFFFFA0] =	vst v4;
	v4 =	vmul.f32 v51, v31  }
0x1f2: {  	v6 =	vmul.f32 v52, v31;
	[tilespmem:s25+$0xFFFFFF90] =	vst v5;
	v5 =	vunpack.i.u.bf16.f32 v49  }
0x1f3: {  	v53 =	vunpack.i.l.bf16.f32 v49;
	[tilespmem:s1+$0xFFFFFFF0] =	vst v4;
	v4 =	vmul.f32 v5, v34  }
0x1f4: {  	[tilespmem:s1+$0xFFFFFFE0] =	vst v6;
	v5 =	vmul.f32 v53, v34  }
0x1f5: {  	[tilespmem:s1+$0xFFFFFFA0] =	vst v4  }
0x1f6: {  	[tilespmem:s1+$0xFFFFFF90] =	vst v5  }
0x1f7: {  	v4 =	vld [tilespmem:$0x3320]  }
0x1f8: {  	v5 =	vld [tilespmem:$0x5260]  }
0x1f9: {  	v6 =	vld [tilespmem:$0x3330]  }
0x1fa: {  	v54 =	vld [tilespmem:$0x5270];
	_ =	sdelay $0x2  }
0x1fb: {  	v55 =	vunpack.i.u.bf16.f32 v4  }
0x1fc: {  	v4 =	vunpack.i.l.bf16.f32 v4;
	v56 =	vunpack.i.u.bf16.f32 v5;
	v5 =	vunpack.i.l.bf16.f32 v5  }
0x1fd: {  	v57 =	vunpack.i.u.bf16.f32 v6;
	v6 =	vunpack.i.l.bf16.f32 v6;
	v58 =	vunpack.i.u.bf16.f32 v54  }
0x1fe: {  	v7 =	vunpack.i.l.bf16.f32 v54;
	v4 =	vmul.f32 v5, v4;
	v5 =	vmul.f32 v56, v55  }
0x1ff: {  	v6 =	vmul.f32 v7, v6;
	v59 =	vmul.f32 v58, v57;
	_ =	sdelay $0x1  }
0x200: {  	v4 =	vadd.f32 v4, v5;
	v5 =	vadd.f32 v6, v59;
	_ =	sdelay $0x1  }
0x201: {  	v4 =	vadd.f32 v5, v4;
	_ =	sdelay $0x1  }
0x202: {  	v5 =	vperm.xlane v4, v2;
	_ =	sdelay $0x1  }
0x203: {  	v4 =	vadd.f32 v4, v5;
	_ =	sdelay $0x1  }
0x204: {  	v5 =	vperm.xlane v4, v0;
	_ =	sdelay $0x1  }
0x205: {  	v4 =	vadd.f32 v4, v5;
	_ =	sdelay $0x1  }
0x206: {  	v4 =	vmul.f32 $2.500000000e-01, v4;
	_ =	sdelay $0x1  }
0x207: {  	v4 =	vmul.f32 $1.442695020e+00, v4;
	_ =	sdelay $0x1  }
0x208: {  	(erf) = vpow2.f32 v4;
	_ =	sdelay $0x3  }
0x209: {  	v4 =	vld [tilespmem:$0x71A0];
	_ =	sdelay $0x1  }
0x20a: {  	v5 =	vld [tilespmem:$0x71B0];
	_ =	sdelay $0x2  }
0x20b: {  	v61 =	vunpack.i.l.bf16.f32 v4;
	v60 =	vpop (erf)  }
0x20c: {  	s17 =	sadd.s32 $0x1, s17;
	v4 =	vunpack.i.u.bf16.f32 v4;
	v7 =	vmul.f32 v60, v61  }
0x20d: {  	p1 =	sne.s32 s17, $0x5;
	v62 =	vunpack.i.l.bf16.f32 v5;
	[tilespmem:$0xBFD0] =	vst v60;
	v4 =	vmul.f32 v60, v4  }
.Ltmp3:
0x20e: {  	v5 =	vunpack.i.u.bf16.f32 v5;
	v63 =	vmul.f32 v62, v60;
	[tilespmem:$0xBF90] =	vst v7;
	(pc) =	sbr.rel @p1 .LBB2_5-.Ltmp3, $4  }
0x20f: {  	s26 =	sshll.u32 s18, $0x7;
	[tilespmem:$0xBFA0] =	vst v4;
	v4 =	vmul.f32 v5, v60  }
0x210: {  	s1 =	sand.u32 $0x3FFFFF80, s26;
	[tilespmem:$0xBFB0] =	vst v63  }
0x211: {  	s1 =	sadd.s32 s1, s16;
	[tilespmem:$0xBFC0] =	vst v4  }
0x212: {  	[spmem:s3] =	stream.indirect.scatter.add.f32 [tilespmem:s23], [sflag:$0x4], $0x50, s1, s22, $0xb8;
	[tilespmem:$0x187E0] =	vst v63  }
0x213: {  	s4 =	rddreg [dreg:$0x11]  }
0x214: {  	p0 =	sne.s32 s4, $0x10  }
.Ltmp4:
0x215: {  	_ = 	snop;
	(pc) =	sbr.rel @p0 .LBB2_4-.Ltmp4, $1  }
0x216: {  	_ =	sdelay $0x3  }
0x217: {  	s1 =	simm.s32 $0x3  }
0x218: {  	_ =	swait.ge [sflag:s1], $0x2710  }
0x219: {  	[sflag:s1] =	ssyncset.done $0x0  }
0x21a: {  	s24 =	simm.s32 $0x4;
	[sflag:s1] =	ssyncadd.s32 $0xFFFFD8F0  }
0x21b: {  	_ =	swait.ge [sflag:s24], $0x2710  }
0x21c: {  	[sflag:s24] =	ssyncset.done $0x0  }
0x21d: {  	[sflag:s24] =	ssyncadd.s32 $0xFFFFD8F0  }
0x21e: {  	s25 =	stileid.u32;
	[bflag:$0x0] =	sbarrier.arrive $0xFFFF  }
0x21f: {  	s1 =	sshll.u32 s25, $0x6;
	s2 =	rddreg [dreg:$0xa]  }
0x220: {  	s5 =	simm.s32 $0x6;
	s1 =	sor.u32 $0x1C06, s1;
	s4 =	rddreg [dreg:$0x10]  }
0x221: {  	[hbm:s2], [sflag:s1] =	dma.local [spmem:s4], $0x1900  }
0x222: {  	_ =	swait.ge [sflag:s5], $0x1900  }
0x223: {  	s9 =	rddreg [dreg:$0x4]  }
0x224: {  	s26 =	rddreg [dreg:$0xb];
	s9 =	sadd.s32 $0x1, s9  }
0x225: {  	p0 =	sne.s32 s9, s26  }
.Ltmp5:
0x226: {  	_ = 	snop;
	(pc) =	sbr.rel @p0 .LBB2_1-.Ltmp5, $3  }
0x227: {  	_ =	sdelay $0x1  }
0x228: {  	[sflag:s5] =	ssyncset.done $0x0  }
0x229: {  	[sflag:s5] =	ssyncadd.s32 $0xFFFFE700  }
0x22a: {  	_ =	sfence.sel $0x180000  }
0x22b: {  	[bflag:$0x0] =	sbarrier.arrive $0xFFFF  }
0x22c: {  	_ =	strace $0x90000047  }
0x22d: {  	s0 =	stileid.u32;
	[bflag:$0x2] =	sbarrier.arrive $0xFFFF  }
0x22e: {  	p0 =	sne.s32 s0, $0x0;
	s0 =	rddreg [dreg:$0x3]  }
0x22f: {  	s0 =	sadd.s32 @!p0 $0x100000, s0  }
0x230: {  	[sflag:s0] =	ssyncadd.tile.s32 @!p0 $0x1;
	_ =	shalt  }
.Lfunc_end2:
_tile_overlayer_lowered:
.L_overlay_start_2:
0x231: {  	(tag) =	ssettag $0x2  }
0x232: {  	s0 =	rddreg [dreg:$0x0];
	s2 =	stileid.u32  }
0x233: {  	s1 =	rddreg [dreg:$0x1];
	p0 =	sne.s32 s2, $0x0  }
0x234: {  	s3 =	rddreg [dreg:$0x2];
	[bflag:$0x3] =	sbarrier.arrive $0xFFFF;
	s2 =	simm.s32 @!p0 $0x1C06  }
0x235: {  	[timem:s3], [sflag:s2] =	dma.local @!p0 [hbm:s0], s1  }
0x236: {  	s0 =	simm.s32 @!p0 $0x6  }
0x237: {  	_ =	swait.ge @!p0 [sflag:s0], s1  }
0x238: {  	s1 =	ssub.s32 @!p0 $0x0, s1;
	[sflag:s0] =	ssyncset.done @!p0 $0x0  }
0x239: {  	[sflag:s0] =	ssyncadd.s32 @!p0 s1  }
0x23a: {  	[bflag:$0x3] =	sbarrier.arrive $0xFFFF  }
0x23b: {  	_ =	shalt  }

</sc_bundles>
